<compile_context>
chip_gen: v7x
topology: tpu7x:2x2x1
jax: 0.10.2.dev20260603
libtpu: 0.0.44.dev20260713+nightly
codegen_flags: <defaults>
</compile_context>

<pallas_src>
import jax
import jax.numpy as jnp
from jax import lax
from jax.experimental import pallas as pl
from jax.experimental.pallas import tpu as pltpu
from jax.experimental.pallas import tpu_sc as plsc

N1 = 2048
N2 = 8192
NB = 16
NBP = 128
D = 128
NW = 32
QW = N2 // NW
QH = QW // 2
BITS = 11


def _knn_body(pos_h, batch_h, q_h, qb_h, x_h, y_h,
              pos3_v, posx_v, posy_v, posz_v, q3_v, qb_v, batch_v,
              ss_v, sl_v,
              ni1_v, ni2_v, ni3_v, w1_v, w2_v, w3_v,
              rows1_v, rows2_v, rows3_v, y_v, y2_v, sem, sem2):
    c = lax.axis_index("c")
    s = lax.axis_index("s")
    wid = s * 2 + c
    base = wid * QW

    ci1 = pltpu.async_copy(batch_h, batch_v, sem2)
    ci2 = pltpu.async_copy(pos_h, pos3_v, sem2)
    ci3 = pltpu.async_copy(q_h.at[pl.ds(base * 3, QW * 3)], q3_v, sem2)
    ci4 = pltpu.async_copy(qb_h.at[pl.ds(base, QW)], qb_v, sem2)
    ci1.wait()

    iota16 = lax.iota(jnp.int32, 16)
    zero16 = jnp.zeros((16,), jnp.int32)
    one16 = jnp.full((16,), 1, jnp.int32)
    two16 = jnp.full((16,), 2, jnp.int32)
    inf16 = jnp.full((16,), jnp.inf, jnp.float32)

    def lower_bound(tgt):
        lo = zero16
        hi = jnp.full((16,), N1, jnp.int32)
        for _ in range(BITS):
            mid = lax.shift_right_logical(lo + hi, 1)
            vm = plsc.load_gather(batch_v, [jnp.minimum(mid, N1 - 1)])
            pred = vm < tgt
            lo = jnp.where(pred, mid + 1, lo)
            hi = jnp.where(pred, hi, mid)
        return lo

    ss = lower_bound(iota16)
    se = lower_bound(iota16 + 1)
    ss_v[pl.ds(0, 16)] = ss
    sl_v[pl.ds(0, 16)] = se - ss

    ci2.wait()

    @plsc.parallel_loop(0, N1 // 16, 1, unroll=4)
    def col_body(cb):
        rows = (cb * 16 + iota16) * 3
        posx_v[pl.ds(cb * 16, 16)] = plsc.load_gather(pos3_v, [rows])
        posy_v[pl.ds(cb * 16, 16)] = plsc.load_gather(pos3_v, [rows + 1])
        posz_v[pl.ds(cb * 16, 16)] = plsc.load_gather(pos3_v, [rows + 2])

    def group_body(g, _):
        qoff = g * 16
        qrows = (qoff + iota16) * 3
        qxv = plsc.load_gather(q3_v, [qrows])
        qyv = plsc.load_gather(q3_v, [qrows + 1])
        qzv = plsc.load_gather(q3_v, [qrows + 2])
        qbv = qb_v[pl.ds(qoff, 16)]
        start = plsc.load_gather(ss_v, [qbv])
        length = plsc.load_gather(sl_v, [qbv])
        maxlen = jnp.max(length)

        def insert(carry, d, idx):
            m1, m2, m3, i1, i2, i3 = carry
            lt1 = d < m1
            lt2 = d < m2
            lt3 = d < m3
            nm3 = jnp.where(lt2, m2, jnp.where(lt3, d, m3))
            ni3 = jnp.where(lt2, i2, jnp.where(lt3, idx, i3))
            nm2 = jnp.where(lt1, m1, jnp.where(lt2, d, m2))
            ni2 = jnp.where(lt1, i1, jnp.where(lt2, idx, i2))
            nm1 = jnp.where(lt1, d, m1)
            ni1 = jnp.where(lt1, idx, i1)
            return (nm1, nm2, nm3, ni1, ni2, ni3)

        def dist(j):
            valid = j < length
            idx = jnp.where(valid, start + j, 0)
            cx = plsc.load_gather(posx_v, [idx])
            cy = plsc.load_gather(posy_v, [idx])
            cz = plsc.load_gather(posz_v, [idx])
            dx = qxv - cx
            dy = qyv - cy
            dz = qzv - cz
            d = dx * dx + dy * dy + dz * dz
            return jnp.where(valid, d, jnp.inf), idx

        @plsc.parallel_loop(0, (maxlen + 1) // 2, 1, unroll=2,
                            carry=(inf16, inf16, inf16,
                                   zero16, zero16, zero16))
        def cand_body(t, carry):
            j0 = t * 2
            d0, x0 = dist(j0)
            d1, x1 = dist(j0 + 1)
            carry = insert(carry, d0, x0)
            carry = insert(carry, d1, x1)
            return carry

        m1, m2, m3, i1, i2, i3 = cand_body

        w1 = 1.0 / jnp.maximum(m1, 1e-16)
        w2 = 1.0 / jnp.maximum(m2, 1e-16)
        w3 = 1.0 / jnp.maximum(m3, 1e-16)
        winv = 1.0 / (w1 + w2 + w3)
        w1_v[pl.ds(qoff, 16)] = w1 * winv
        w2_v[pl.ds(qoff, 16)] = w2 * winv
        w3_v[pl.ds(qoff, 16)] = w3 * winv
        ni1_v[pl.ds(qoff, 16)] = i1
        ni2_v[pl.ds(qoff, 16)] = i2
        ni3_v[pl.ds(qoff, 16)] = i3
        return 0

    ci3.wait()
    ci4.wait()

    lax.fori_loop(0, QW // 32, group_body, 0)
    cpa1 = pltpu.async_copy(x_h.at[ni1_v.at[pl.ds(0, QH)]], rows1_v, sem)
    cpa2 = pltpu.async_copy(x_h.at[ni2_v.at[pl.ds(0, QH)]], rows2_v, sem)
    cpa3 = pltpu.async_copy(x_h.at[ni3_v.at[pl.ds(0, QH)]], rows3_v, sem)
    lax.fori_loop(QW // 32, QW // 16, group_body, 0)

    def combine(hoff, ya_v):
        @plsc.parallel_loop(0, QH, 1, unroll=4)
        def q_body(q):
            colv = jnp.full((16,), hoff + q, jnp.int32)
            wb1 = plsc.load_gather(w1_v, [colv])
            wb2 = plsc.load_gather(w2_v, [colv])
            wb3 = plsc.load_gather(w3_v, [colv])
            for db in range(D // 16):
                sl = pl.ds(db * 16, 16)
                acc = (wb1 * rows1_v[q, sl]
                       + wb2 * rows2_v[q, sl]
                       + wb3 * rows3_v[q, sl])
                ya_v[q, sl] = acc

    cpa1.wait()
    cpa2.wait()
    cpa3.wait()
    combine(0, y_v)
    cpb1 = pltpu.async_copy(x_h.at[ni1_v.at[pl.ds(QH, QH)]], rows1_v, sem)
    cpb2 = pltpu.async_copy(x_h.at[ni2_v.at[pl.ds(QH, QH)]], rows2_v, sem)
    cpb3 = pltpu.async_copy(x_h.at[ni3_v.at[pl.ds(QH, QH)]], rows3_v, sem)
    cpo = pltpu.async_copy(y_v, y_h.at[pl.ds(base, QH)], sem2)
    cpb1.wait()
    cpb2.wait()
    cpb3.wait()
    combine(QH, y2_v)
    cpo.wait()
    pltpu.sync_copy(y2_v, y_h.at[pl.ds(base + QH, QH)])


def _sc_knn_interpolate(pos, batch, pos_skip, qb, x):
    mesh = plsc.VectorSubcoreMesh(core_axis_name="c", subcore_axis_name="s")
    f = pl.kernel(
        _knn_body,
        out_type=jax.ShapeDtypeStruct((N2, D), jnp.float32),
        mesh=mesh,
        compiler_params=pltpu.CompilerParams(needs_layout_passes=False),
        scratch_types=[
            pltpu.VMEM((N1 * 3,), jnp.float32),
            pltpu.VMEM((N1,), jnp.float32),
            pltpu.VMEM((N1,), jnp.float32),
            pltpu.VMEM((N1,), jnp.float32),
            pltpu.VMEM((QW * 3,), jnp.float32),
            pltpu.VMEM((QW,), jnp.int32),
            pltpu.VMEM((N1,), jnp.int32),
            pltpu.VMEM((NBP,), jnp.int32),
            pltpu.VMEM((NBP,), jnp.int32),
            pltpu.VMEM((QW,), jnp.int32),
            pltpu.VMEM((QW,), jnp.int32),
            pltpu.VMEM((QW,), jnp.int32),
            pltpu.VMEM((QW,), jnp.float32),
            pltpu.VMEM((QW,), jnp.float32),
            pltpu.VMEM((QW,), jnp.float32),
            pltpu.VMEM((QH, D), jnp.float32),
            pltpu.VMEM((QH, D), jnp.float32),
            pltpu.VMEM((QH, D), jnp.float32),
            pltpu.VMEM((QH, D), jnp.float32),
            pltpu.VMEM((QH, D), jnp.float32),
            pltpu.SemaphoreType.DMA,
            pltpu.SemaphoreType.DMA,
        ],
    )
    return f(pos.reshape(-1), batch, pos_skip.reshape(-1), qb, x)


BQ = 4096


def _mlp_body(y_ref, xs_ref, W1_ref, b1_ref, W2_ref, b2_ref, out_ref):
    W1a = W1_ref[0:128, :]
    W1b = W1_ref[128:192, :]
    h = (jnp.dot(y_ref[...], W1a, preferred_element_type=jnp.float32)
         + jnp.dot(xs_ref[...], W1b, preferred_element_type=jnp.float32)
         + b1_ref[0:1, :])
    h = jnp.where(h > 0, h, 0.01 * h)
    out_ref[...] = (jnp.dot(h, W2_ref[...], preferred_element_type=jnp.float32)
                    + b2_ref[0:1, :])


def _tc_mlp(y, x_skip, W1, b1, W2, b2):
    grid = N2 // BQ
    return pl.pallas_call(
        _mlp_body,
        grid=(grid,),
        in_specs=[
            pl.BlockSpec((BQ, 128), lambda i: (i, 0)),
            pl.BlockSpec((BQ, 64), lambda i: (i, 0)),
            pl.BlockSpec((192, 128), lambda i: (0, 0)),
            pl.BlockSpec((1, 128), lambda i: (0, 0)),
            pl.BlockSpec((128, 128), lambda i: (0, 0)),
            pl.BlockSpec((1, 128), lambda i: (0, 0)),
        ],
        out_specs=pl.BlockSpec((BQ, 128), lambda i: (i, 0)),
        out_shape=jax.ShapeDtypeStruct((N2, 128), jnp.float32),
    )(y, x_skip, W1, b1.reshape(1, -1), W2, b2.reshape(1, -1))


def kernel(x, pos, batch, x_skip, pos_skip, batch_skip, W1, b1, W2, b2):
    qb = batch_skip.astype(jnp.int32)
    bi = batch.astype(jnp.int32)
    y = _sc_knn_interpolate(pos, bi, pos_skip, qb, x)
    out = _tc_mlp(y, x_skip, W1, b1, W2, b2)
    return (out, pos_skip, batch_skip)

# --- scband reference (transcript-rebuilt; emitter-appended) ---
"""Pipeline reference for scband-fpmodule-326417514818 (READ-ONLY COPY).

The authoritative reference and input builder live on the scoring server;
editing this copy changes nothing except your own understanding.
"""

import jax, jax.numpy as jnp
import numpy as np


def setup_inputs(seed: int = 0) -> dict:
    key = jax.random.key(seed)
    ks = jax.random.split(key, 12)
    N1, N2, B = 2048, 8192, 16
    d_in, d_skip, d_hidden, d_out = 128, 64, 128, 128
    x = jax.random.normal(ks[0], (N1, d_in), dtype=jnp.float32)
    pos = jax.random.uniform(ks[1], (N1, 3), dtype=jnp.float32)
    batch = jnp.sort(jax.random.randint(ks[2], (N1,), 0, B))
    x_skip = jax.random.normal(ks[3], (N2, d_skip), dtype=jnp.float32)
    pos_skip = jax.random.uniform(ks[4], (N2, 3), dtype=jnp.float32)
    batch_skip = jnp.sort(jax.random.randint(ks[5], (N2,), 0, B))
    W1 = jax.random.normal(ks[6], (d_in + d_skip, d_hidden), dtype=jnp.float32) * 0.05
    b1 = jnp.zeros((d_hidden,), dtype=jnp.float32)
    W2 = jax.random.normal(ks[7], (d_hidden, d_out), dtype=jnp.float32) * 0.05
    b2 = jnp.zeros((d_out,), dtype=jnp.float32)
    return {"x": x, "pos": pos, "batch": batch, "x_skip": x_skip,
            "pos_skip": pos_skip, "batch_skip": batch_skip,
            "W1": W1, "b1": b1, "W2": W2, "b2": b2}


def knn_interpolate(x, pos, pos_skip, batch, batch_skip, k):
    # squared pairwise distances [N2, N1], masked across batch boundaries
    d = jnp.sum((pos_skip[:, None, :] - pos[None, :, :]) ** 2, axis=-1)
    d = jnp.where(batch_skip[:, None] != batch[None, :], jnp.inf, d)
    neg_top, idx = jax.lax.top_k(-d, k)  # k nearest per query
    sq = -neg_top
    w = 1.0 / jnp.clip(sq, 1e-16, None)
    # torch_geometric computes knn weights under no_grad
    w = jax.lax.stop_gradient(w)
    idx = jax.lax.stop_gradient(idx)
    feats = x[idx]  # gather [N2, k, d_in]
    y = jnp.sum(feats * w[..., None], axis=1) / jnp.sum(w, axis=1, keepdims=True)
    return y


def reference(x, pos, batch, x_skip, pos_skip, batch_skip, W1, b1, W2, b2):
    k = 3
    y = knn_interpolate(x, pos, pos_skip, batch, batch_skip, k)
    h = jnp.concatenate([y, x_skip], axis=1)
    h = jax.nn.leaky_relu(h @ W1 + b1, negative_slope=0.01)
    out = h @ W2 + b2
    return (out, pos_skip, batch_skip)

if __name__ == "__main__":
    import jax
    _d = setup_inputs()
    print(jax.jit(kernel)(*tuple(_d.values())))

</pallas_src>

<mosaic_0001>
#map = affine_map<(d0, d1) -> (0)>
#map1 = affine_map<(d0, d1) -> (0, 0)>
module attributes {stable_mosaic.version = 14 : i64} {
  func.func @_knn_body(%arg0: i32, %arg1: i32, %arg2: memref<6144xf32, #tpu.memory_space<hbm>>, %arg3: memref<2048xi32, #tpu.memory_space<hbm>>, %arg4: memref<24576xf32, #tpu.memory_space<hbm>>, %arg5: memref<8192xi32, #tpu.memory_space<hbm>>, %arg6: memref<2048x128xf32, #tpu.memory_space<hbm>>, %arg7: memref<8192x128xf32, #tpu.memory_space<hbm>>, %arg8: memref<6144xf32, #tpu.memory_space<vmem>>, %arg9: memref<2048xf32, #tpu.memory_space<vmem>>, %arg10: memref<2048xf32, #tpu.memory_space<vmem>>, %arg11: memref<2048xf32, #tpu.memory_space<vmem>>, %arg12: memref<768xf32, #tpu.memory_space<vmem>>, %arg13: memref<256xi32, #tpu.memory_space<vmem>>, %arg14: memref<2048xi32, #tpu.memory_space<vmem>>, %arg15: memref<128xi32, #tpu.memory_space<vmem>>, %arg16: memref<128xi32, #tpu.memory_space<vmem>>, %arg17: memref<256xi32, #tpu.memory_space<vmem>>, %arg18: memref<256xi32, #tpu.memory_space<vmem>>, %arg19: memref<256xi32, #tpu.memory_space<vmem>>, %arg20: memref<256xf32, #tpu.memory_space<vmem>>, %arg21: memref<256xf32, #tpu.memory_space<vmem>>, %arg22: memref<256xf32, #tpu.memory_space<vmem>>, %arg23: memref<128x128xf32, #tpu.memory_space<vmem>>, %arg24: memref<128x128xf32, #tpu.memory_space<vmem>>, %arg25: memref<128x128xf32, #tpu.memory_space<vmem>>, %arg26: memref<128x128xf32, #tpu.memory_space<vmem>>, %arg27: memref<128x128xf32, #tpu.memory_space<vmem>>, %arg28: memref<!tpu.dma_semaphore, #tpu.memory_space<semaphore_mem>>, %arg29: memref<!tpu.dma_semaphore, #tpu.memory_space<semaphore_mem>>) attributes {dimension_semantics = [#tpu.dimension_semantics<core_parallel>, #tpu.dimension_semantics<subcore_parallel>], iteration_bounds = array<i64: 2, 16>, scalar_prefetch = 0 : i64, scratch_operands = 22 : i64, tpu.core_type = #tpu.core_type<sc_vector_subcore>, window_params = [{transform_indices = #map}, {transform_indices = #map}, {transform_indices = #map}, {transform_indices = #map}, {transform_indices = #map1}, {transform_indices = #map1}]} {
    %mul3A = arith.constant 2 : i32
    %mul3A_0 = arith.muli %arg1, %mul3A : i32
    %add3A = arith.addi %mul3A_0, %arg0 : i32
    %mul3A_1 = arith.constant 256 : i32
    %mul3A_2 = arith.muli %add3A, %mul3A_1 : i32
    tpu.enqueue_dma source(%arg3 : memref<2048xi32, #tpu.memory_space<hbm>>) target(%arg14 : memref<2048xi32, #tpu.memory_space<vmem>>) target_semaphore(%arg29 : memref<!tpu.dma_semaphore, #tpu.memory_space<semaphore_mem>>)
    tpu.enqueue_dma source(%arg2 : memref<6144xf32, #tpu.memory_space<hbm>>) target(%arg8 : memref<6144xf32, #tpu.memory_space<vmem>>) target_semaphore(%arg29 : memref<!tpu.dma_semaphore, #tpu.memory_space<semaphore_mem>>)
    %mul3A_3 = arith.constant 3 : i32
    %mul3A_4 = arith.muli %mul3A_2, %mul3A_3 : i32
    %dma_start3A = tpu.memref_slice %arg4[%mul3A_4] : memref<24576xf32, #tpu.memory_space<hbm>> -> memref<768xf32, #tpu.memory_space<hbm>>
    %dma_start3A_5 = tpu.memref_slice %arg4[%mul3A_4] : memref<24576xf32, #tpu.memory_space<hbm>> -> memref<768xf32, #tpu.memory_space<hbm>>
    tpu.enqueue_dma source(%dma_start3A_5 : memref<768xf32, #tpu.memory_space<hbm>>) target(%arg12 : memref<768xf32, #tpu.memory_space<vmem>>) target_semaphore(%arg29 : memref<!tpu.dma_semaphore, #tpu.memory_space<semaphore_mem>>)
    %dma_start3A_6 = tpu.memref_slice %arg5[%mul3A_2] : memref<8192xi32, #tpu.memory_space<hbm>> -> memref<256xi32, #tpu.memory_space<hbm>>
    %dma_start3A_7 = tpu.memref_slice %arg5[%mul3A_2] : memref<8192xi32, #tpu.memory_space<hbm>> -> memref<256xi32, #tpu.memory_space<hbm>>
    tpu.enqueue_dma source(%dma_start3A_7 : memref<256xi32, #tpu.memory_space<hbm>>) target(%arg13 : memref<256xi32, #tpu.memory_space<vmem>>) target_semaphore(%arg29 : memref<!tpu.dma_semaphore, #tpu.memory_space<semaphore_mem>>)
    tpu.wait_dma2 semaphore(%arg29 : memref<!tpu.dma_semaphore, #tpu.memory_space<semaphore_mem>>) src(%arg3 : memref<2048xi32, #tpu.memory_space<hbm>>) dst(%arg14 : memref<2048xi32, #tpu.memory_space<vmem>>)
    %iota3A = tpu.iota {dimensions = array<i32: 0>} : vector<16xi32>
    %broadcast_in_dim3A = arith.constant 0 : i32
    %broadcast_in_dim3A_8 = vector.broadcast %broadcast_in_dim3A : i32 to vector<16xi32>
    %broadcast_in_dim3A_9 = arith.constant 1 : i32
    %broadcast_in_dim3A_10 = vector.broadcast %broadcast_in_dim3A_9 : i32 to vector<16xi32>
    %broadcast_in_dim3A_11 = arith.constant 2 : i32
    %broadcast_in_dim3A_12 = vector.broadcast %broadcast_in_dim3A_11 : i32 to vector<16xi32>
    %broadcast_in_dim3A_13 = arith.constant 0x7F800000 : f32
    %broadcast_in_dim3A_14 = vector.broadcast %broadcast_in_dim3A_13 : f32 to vector<16xf32>
    %broadcast_in_dim3A_15 = arith.constant 2048 : i32
    %broadcast_in_dim3A_16 = vector.broadcast %broadcast_in_dim3A_15 : i32 to vector<16xi32>
    %add3A_17 = arith.addi %broadcast_in_dim3A_8, %broadcast_in_dim3A_16 : vector<16xi32>
    %shift_right_logical3A = arith.constant 1 : i32
    %shift_right_logical3A_18 = vector.broadcast %shift_right_logical3A : i32 to vector<16xi32>
    %shift_right_logical3A_19 = arith.shrui %add3A_17, %shift_right_logical3A_18 : vector<16xi32>
    %min3A = arith.constant 2047 : i32
    %min3A_20 = vector.broadcast %min3A : i32 to vector<16xi32>
    %min3A_21 = arith.minsi %shift_right_logical3A_19, %min3A_20 : vector<16xi32>
    %gather3A = tpu.vector_load_idx %arg14[%min3A_21] : memref<2048xi32, #tpu.memory_space<vmem>>[vector<16xi32>], vector<16xi32>,
    %lt3A = arith.cmpi slt, %gather3A, %iota3A : vector<16xi32>
    %add3A_22 = arith.constant 1 : i32
    %add3A_23 = vector.broadcast %add3A_22 : i32 to vector<16xi32>
    %add3A_24 = arith.addi %shift_right_logical3A_19, %add3A_23 : vector<16xi32>
    %select_n3A = arith.select %lt3A, %add3A_24, %broadcast_in_dim3A_8 : vector<16xi1>, vector<16xi32>
    %select_n3A_25 = arith.select %lt3A, %broadcast_in_dim3A_16, %shift_right_logical3A_19 : vector<16xi1>, vector<16xi32>
    %add3A_26 = arith.addi %select_n3A, %select_n3A_25 : vector<16xi32>
    %shift_right_logical3A_27 = arith.constant 1 : i32
    %shift_right_logical3A_28 = vector.broadcast %shift_right_logical3A_27 : i32 to vector<16xi32>
    %shift_right_logical3A_29 = arith.shrui %add3A_26, %shift_right_logical3A_28 : vector<16xi32>
    %min3A_30 = arith.constant 2047 : i32
    %min3A_31 = vector.broadcast %min3A_30 : i32 to vector<16xi32>
    %min3A_32 = arith.minsi %shift_right_logical3A_29, %min3A_31 : vector<16xi32>
    %gather3A_33 = tpu.vector_load_idx %arg14[%min3A_32] : memref<2048xi32, #tpu.memory_space<vmem>>[vector<16xi32>], vector<16xi32>,
    %lt3A_34 = arith.cmpi slt, %gather3A_33, %iota3A : vector<16xi32>
    %add3A_35 = arith.constant 1 : i32
    %add3A_36 = vector.broadcast %add3A_35 : i32 to vector<16xi32>
    %add3A_37 = arith.addi %shift_right_logical3A_29, %add3A_36 : vector<16xi32>
    %select_n3A_38 = arith.select %lt3A_34, %add3A_37, %select_n3A : vector<16xi1>, vector<16xi32>
    %select_n3A_39 = arith.select %lt3A_34, %select_n3A_25, %shift_right_logical3A_29 : vector<16xi1>, vector<16xi32>
    %add3A_40 = arith.addi %select_n3A_38, %select_n3A_39 : vector<16xi32>
    %shift_right_logical3A_41 = arith.constant 1 : i32
    %shift_right_logical3A_42 = vector.broadcast %shift_right_logical3A_41 : i32 to vector<16xi32>
    %shift_right_logical3A_43 = arith.shrui %add3A_40, %shift_right_logical3A_42 : vector<16xi32>
    %min3A_44 = arith.constant 2047 : i32
    %min3A_45 = vector.broadcast %min3A_44 : i32 to vector<16xi32>
    %min3A_46 = arith.minsi %shift_right_logical3A_43, %min3A_45 : vector<16xi32>
    %gather3A_47 = tpu.vector_load_idx %arg14[%min3A_46] : memref<2048xi32, #tpu.memory_space<vmem>>[vector<16xi32>], vector<16xi32>,
    %lt3A_48 = arith.cmpi slt, %gather3A_47, %iota3A : vector<16xi32>
    %add3A_49 = arith.constant 1 : i32
    %add3A_50 = vector.broadcast %add3A_49 : i32 to vector<16xi32>
    %add3A_51 = arith.addi %shift_right_logical3A_43, %add3A_50 : vector<16xi32>
    %select_n3A_52 = arith.select %lt3A_48, %add3A_51, %select_n3A_38 : vector<16xi1>, vector<16xi32>
    %select_n3A_53 = arith.select %lt3A_48, %select_n3A_39, %shift_right_logical3A_43 : vector<16xi1>, vector<16xi32>
    %add3A_54 = arith.addi %select_n3A_52, %select_n3A_53 : vector<16xi32>
    %shift_right_logical3A_55 = arith.constant 1 : i32
    %shift_right_logical3A_56 = vector.broadcast %shift_right_logical3A_55 : i32 to vector<16xi32>
    %shift_right_logical3A_57 = arith.shrui %add3A_54, %shift_right_logical3A_56 : vector<16xi32>
    %min3A_58 = arith.constant 2047 : i32
    %min3A_59 = vector.broadcast %min3A_58 : i32 to vector<16xi32>
    %min3A_60 = arith.minsi %shift_right_logical3A_57, %min3A_59 : vector<16xi32>
    %gather3A_61 = tpu.vector_load_idx %arg14[%min3A_60] : memref<2048xi32, #tpu.memory_space<vmem>>[vector<16xi32>], vector<16xi32>,
    %lt3A_62 = arith.cmpi slt, %gather3A_61, %iota3A : vector<16xi32>
    %add3A_63 = arith.constant 1 : i32
    %add3A_64 = vector.broadcast %add3A_63 : i32 to vector<16xi32>
    %add3A_65 = arith.addi %shift_right_logical3A_57, %add3A_64 : vector<16xi32>
    %select_n3A_66 = arith.select %lt3A_62, %add3A_65, %select_n3A_52 : vector<16xi1>, vector<16xi32>
    %select_n3A_67 = arith.select %lt3A_62, %select_n3A_53, %shift_right_logical3A_57 : vector<16xi1>, vector<16xi32>
    %add3A_68 = arith.addi %select_n3A_66, %select_n3A_67 : vector<16xi32>
    %shift_right_logical3A_69 = arith.constant 1 : i32
    %shift_right_logical3A_70 = vector.broadcast %shift_right_logical3A_69 : i32 to vector<16xi32>
    %shift_right_logical3A_71 = arith.shrui %add3A_68, %shift_right_logical3A_70 : vector<16xi32>
    %min3A_72 = arith.constant 2047 : i32
    %min3A_73 = vector.broadcast %min3A_72 : i32 to vector<16xi32>
    %min3A_74 = arith.minsi %shift_right_logical3A_71, %min3A_73 : vector<16xi32>
    %gather3A_75 = tpu.vector_load_idx %arg14[%min3A_74] : memref<2048xi32, #tpu.memory_space<vmem>>[vector<16xi32>], vector<16xi32>,
    %lt3A_76 = arith.cmpi slt, %gather3A_75, %iota3A : vector<16xi32>
    %add3A_77 = arith.constant 1 : i32
    %add3A_78 = vector.broadcast %add3A_77 : i32 to vector<16xi32>
    %add3A_79 = arith.addi %shift_right_logical3A_71, %add3A_78 : vector<16xi32>
    %select_n3A_80 = arith.select %lt3A_76, %add3A_79, %select_n3A_66 : vector<16xi1>, vector<16xi32>
    %select_n3A_81 = arith.select %lt3A_76, %select_n3A_67, %shift_right_logical3A_71 : vector<16xi1>, vector<16xi32>
    %add3A_82 = arith.addi %select_n3A_80, %select_n3A_81 : vector<16xi32>
    %shift_right_logical3A_83 = arith.constant 1 : i32
    %shift_right_logical3A_84 = vector.broadcast %shift_right_logical3A_83 : i32 to vector<16xi32>
    %shift_right_logical3A_85 = arith.shrui %add3A_82, %shift_right_logical3A_84 : vector<16xi32>
    %min3A_86 = arith.constant 2047 : i32
    %min3A_87 = vector.broadcast %min3A_86 : i32 to vector<16xi32>
    %min3A_88 = arith.minsi %shift_right_logical3A_85, %min3A_87 : vector<16xi32>
    %gather3A_89 = tpu.vector_load_idx %arg14[%min3A_88] : memref<2048xi32, #tpu.memory_space<vmem>>[vector<16xi32>], vector<16xi32>,
    %lt3A_90 = arith.cmpi slt, %gather3A_89, %iota3A : vector<16xi32>
    %add3A_91 = arith.constant 1 : i32
    %add3A_92 = vector.broadcast %add3A_91 : i32 to vector<16xi32>
    %add3A_93 = arith.addi %shift_right_logical3A_85, %add3A_92 : vector<16xi32>
    %select_n3A_94 = arith.select %lt3A_90, %add3A_93, %select_n3A_80 : vector<16xi1>, vector<16xi32>
    %select_n3A_95 = arith.select %lt3A_90, %select_n3A_81, %shift_right_logical3A_85 : vector<16xi1>, vector<16xi32>
    %add3A_96 = arith.addi %select_n3A_94, %select_n3A_95 : vector<16xi32>
    %shift_right_logical3A_97 = arith.constant 1 : i32
    %shift_right_logical3A_98 = vector.broadcast %shift_right_logical3A_97 : i32 to vector<16xi32>
    %shift_right_logical3A_99 = arith.shrui %add3A_96, %shift_right_logical3A_98 : vector<16xi32>
    %min3A_100 = arith.constant 2047 : i32
    %min3A_101 = vector.broadcast %min3A_100 : i32 to vector<16xi32>
    %min3A_102 = arith.minsi %shift_right_logical3A_99, %min3A_101 : vector<16xi32>
    %gather3A_103 = tpu.vector_load_idx %arg14[%min3A_102] : memref<2048xi32, #tpu.memory_space<vmem>>[vector<16xi32>], vector<16xi32>,
    %lt3A_104 = arith.cmpi slt, %gather3A_103, %iota3A : vector<16xi32>
    %add3A_105 = arith.constant 1 : i32
    %add3A_106 = vector.broadcast %add3A_105 : i32 to vector<16xi32>
    %add3A_107 = arith.addi %shift_right_logical3A_99, %add3A_106 : vector<16xi32>
    %select_n3A_108 = arith.select %lt3A_104, %add3A_107, %select_n3A_94 : vector<16xi1>, vector<16xi32>
    %select_n3A_109 = arith.select %lt3A_104, %select_n3A_95, %shift_right_logical3A_99 : vector<16xi1>, vector<16xi32>
    %add3A_110 = arith.addi %select_n3A_108, %select_n3A_109 : vector<16xi32>
    %shift_right_logical3A_111 = arith.constant 1 : i32
    %shift_right_logical3A_112 = vector.broadcast %shift_right_logical3A_111 : i32 to vector<16xi32>
    %shift_right_logical3A_113 = arith.shrui %add3A_110, %shift_right_logical3A_112 : vector<16xi32>
    %min3A_114 = arith.constant 2047 : i32
    %min3A_115 = vector.broadcast %min3A_114 : i32 to vector<16xi32>
    %min3A_116 = arith.minsi %shift_right_logical3A_113, %min3A_115 : vector<16xi32>
    %gather3A_117 = tpu.vector_load_idx %arg14[%min3A_116] : memref<2048xi32, #tpu.memory_space<vmem>>[vector<16xi32>], vector<16xi32>,
    %lt3A_118 = arith.cmpi slt, %gather3A_117, %iota3A : vector<16xi32>
    %add3A_119 = arith.constant 1 : i32
    %add3A_120 = vector.broadcast %add3A_119 : i32 to vector<16xi32>
    %add3A_121 = arith.addi %shift_right_logical3A_113, %add3A_120 : vector<16xi32>
    %select_n3A_122 = arith.select %lt3A_118, %add3A_121, %select_n3A_108 : vector<16xi1>, vector<16xi32>
    %select_n3A_123 = arith.select %lt3A_118, %select_n3A_109, %shift_right_logical3A_113 : vector<16xi1>, vector<16xi32>
    %add3A_124 = arith.addi %select_n3A_122, %select_n3A_123 : vector<16xi32>
    %shift_right_logical3A_125 = arith.constant 1 : i32
    %shift_right_logical3A_126 = vector.broadcast %shift_right_logical3A_125 : i32 to vector<16xi32>
    %shift_right_logical3A_127 = arith.shrui %add3A_124, %shift_right_logical3A_126 : vector<16xi32>
    %min3A_128 = arith.constant 2047 : i32
    %min3A_129 = vector.broadcast %min3A_128 : i32 to vector<16xi32>
    %min3A_130 = arith.minsi %shift_right_logical3A_127, %min3A_129 : vector<16xi32>
    %gather3A_131 = tpu.vector_load_idx %arg14[%min3A_130] : memref<2048xi32, #tpu.memory_space<vmem>>[vector<16xi32>], vector<16xi32>,
    %lt3A_132 = arith.cmpi slt, %gather3A_131, %iota3A : vector<16xi32>
    %add3A_133 = arith.constant 1 : i32
    %add3A_134 = vector.broadcast %add3A_133 : i32 to vector<16xi32>
    %add3A_135 = arith.addi %shift_right_logical3A_127, %add3A_134 : vector<16xi32>
    %select_n3A_136 = arith.select %lt3A_132, %add3A_135, %select_n3A_122 : vector<16xi1>, vector<16xi32>
    %select_n3A_137 = arith.select %lt3A_132, %select_n3A_123, %shift_right_logical3A_127 : vector<16xi1>, vector<16xi32>
    %add3A_138 = arith.addi %select_n3A_136, %select_n3A_137 : vector<16xi32>
    %shift_right_logical3A_139 = arith.constant 1 : i32
    %shift_right_logical3A_140 = vector.broadcast %shift_right_logical3A_139 : i32 to vector<16xi32>
    %shift_right_logical3A_141 = arith.shrui %add3A_138, %shift_right_logical3A_140 : vector<16xi32>
    %min3A_142 = arith.constant 2047 : i32
    %min3A_143 = vector.broadcast %min3A_142 : i32 to vector<16xi32>
    %min3A_144 = arith.minsi %shift_right_logical3A_141, %min3A_143 : vector<16xi32>
    %gather3A_145 = tpu.vector_load_idx %arg14[%min3A_144] : memref<2048xi32, #tpu.memory_space<vmem>>[vector<16xi32>], vector<16xi32>,
    %lt3A_146 = arith.cmpi slt, %gather3A_145, %iota3A : vector<16xi32>
    %add3A_147 = arith.constant 1 : i32
    %add3A_148 = vector.broadcast %add3A_147 : i32 to vector<16xi32>
    %add3A_149 = arith.addi %shift_right_logical3A_141, %add3A_148 : vector<16xi32>
    %select_n3A_150 = arith.select %lt3A_146, %add3A_149, %select_n3A_136 : vector<16xi1>, vector<16xi32>
    %select_n3A_151 = arith.select %lt3A_146, %select_n3A_137, %shift_right_logical3A_141 : vector<16xi1>, vector<16xi32>
    %add3A_152 = arith.addi %select_n3A_150, %select_n3A_151 : vector<16xi32>
    %shift_right_logical3A_153 = arith.constant 1 : i32
    %shift_right_logical3A_154 = vector.broadcast %shift_right_logical3A_153 : i32 to vector<16xi32>
    %shift_right_logical3A_155 = arith.shrui %add3A_152, %shift_right_logical3A_154 : vector<16xi32>
    %min3A_156 = arith.constant 2047 : i32
    %min3A_157 = vector.broadcast %min3A_156 : i32 to vector<16xi32>
    %min3A_158 = arith.minsi %shift_right_logical3A_155, %min3A_157 : vector<16xi32>
    %gather3A_159 = tpu.vector_load_idx %arg14[%min3A_158] : memref<2048xi32, #tpu.memory_space<vmem>>[vector<16xi32>], vector<16xi32>,
    %lt3A_160 = arith.cmpi slt, %gather3A_159, %iota3A : vector<16xi32>
    %add3A_161 = arith.constant 1 : i32
    %add3A_162 = vector.broadcast %add3A_161 : i32 to vector<16xi32>
    %add3A_163 = arith.addi %shift_right_logical3A_155, %add3A_162 : vector<16xi32>
    %select_n3A_164 = arith.select %lt3A_160, %add3A_163, %select_n3A_150 : vector<16xi1>, vector<16xi32>
    %select_n3A_165 = arith.select %lt3A_160, %select_n3A_151, %shift_right_logical3A_155 : vector<16xi1>, vector<16xi32>
    %add3A_166 = arith.constant 1 : i32
    %add3A_167 = vector.broadcast %add3A_166 : i32 to vector<16xi32>
    %add3A_168 = arith.addi %iota3A, %add3A_167 : vector<16xi32>
    %broadcast_in_dim3A_169 = arith.constant 2048 : i32
    %broadcast_in_dim3A_170 = vector.broadcast %broadcast_in_dim3A_169 : i32 to vector<16xi32>
    %add3A_171 = arith.addi %broadcast_in_dim3A_8, %broadcast_in_dim3A_170 : vector<16xi32>
    %shift_right_logical3A_172 = arith.constant 1 : i32
    %shift_right_logical3A_173 = vector.broadcast %shift_right_logical3A_172 : i32 to vector<16xi32>
    %shift_right_logical3A_174 = arith.shrui %add3A_171, %shift_right_logical3A_173 : vector<16xi32>
    %min3A_175 = arith.constant 2047 : i32
    %min3A_176 = vector.broadcast %min3A_175 : i32 to vector<16xi32>
    %min3A_177 = arith.minsi %shift_right_logical3A_174, %min3A_176 : vector<16xi32>
    %gather3A_178 = tpu.vector_load_idx %arg14[%min3A_177] : memref<2048xi32, #tpu.memory_space<vmem>>[vector<16xi32>], vector<16xi32>,
    %lt3A_179 = arith.cmpi slt, %gather3A_178, %add3A_168 : vector<16xi32>
    %add3A_180 = arith.constant 1 : i32
    %add3A_181 = vector.broadcast %add3A_180 : i32 to vector<16xi32>
    %add3A_182 = arith.addi %shift_right_logical3A_174, %add3A_181 : vector<16xi32>
    %select_n3A_183 = arith.select %lt3A_179, %add3A_182, %broadcast_in_dim3A_8 : vector<16xi1>, vector<16xi32>
    %select_n3A_184 = arith.select %lt3A_179, %broadcast_in_dim3A_170, %shift_right_logical3A_174 : vector<16xi1>, vector<16xi32>
    %add3A_185 = arith.addi %select_n3A_183, %select_n3A_184 : vector<16xi32>
    %shift_right_logical3A_186 = arith.constant 1 : i32
    %shift_right_logical3A_187 = vector.broadcast %shift_right_logical3A_186 : i32 to vector<16xi32>
    %shift_right_logical3A_188 = arith.shrui %add3A_185, %shift_right_logical3A_187 : vector<16xi32>
    %min3A_189 = arith.constant 2047 : i32
    %min3A_190 = vector.broadcast %min3A_189 : i32 to vector<16xi32>
    %min3A_191 = arith.minsi %shift_right_logical3A_188, %min3A_190 : vector<16xi32>
    %gather3A_192 = tpu.vector_load_idx %arg14[%min3A_191] : memref<2048xi32, #tpu.memory_space<vmem>>[vector<16xi32>], vector<16xi32>,
    %lt3A_193 = arith.cmpi slt, %gather3A_192, %add3A_168 : vector<16xi32>
    %add3A_194 = arith.constant 1 : i32
    %add3A_195 = vector.broadcast %add3A_194 : i32 to vector<16xi32>
    %add3A_196 = arith.addi %shift_right_logical3A_188, %add3A_195 : vector<16xi32>
    %select_n3A_197 = arith.select %lt3A_193, %add3A_196, %select_n3A_183 : vector<16xi1>, vector<16xi32>
    %select_n3A_198 = arith.select %lt3A_193, %select_n3A_184, %shift_right_logical3A_188 : vector<16xi1>, vector<16xi32>
    %add3A_199 = arith.addi %select_n3A_197, %select_n3A_198 : vector<16xi32>
    %shift_right_logical3A_200 = arith.constant 1 : i32
    %shift_right_logical3A_201 = vector.broadcast %shift_right_logical3A_200 : i32 to vector<16xi32>
    %shift_right_logical3A_202 = arith.shrui %add3A_199, %shift_right_logical3A_201 : vector<16xi32>
    %min3A_203 = arith.constant 2047 : i32
    %min3A_204 = vector.broadcast %min3A_203 : i32 to vector<16xi32>
    %min3A_205 = arith.minsi %shift_right_logical3A_202, %min3A_204 : vector<16xi32>
    %gather3A_206 = tpu.vector_load_idx %arg14[%min3A_205] : memref<2048xi32, #tpu.memory_space<vmem>>[vector<16xi32>], vector<16xi32>,
    %lt3A_207 = arith.cmpi slt, %gather3A_206, %add3A_168 : vector<16xi32>
    %add3A_208 = arith.constant 1 : i32
    %add3A_209 = vector.broadcast %add3A_208 : i32 to vector<16xi32>
    %add3A_210 = arith.addi %shift_right_logical3A_202, %add3A_209 : vector<16xi32>
    %select_n3A_211 = arith.select %lt3A_207, %add3A_210, %select_n3A_197 : vector<16xi1>, vector<16xi32>
    %select_n3A_212 = arith.select %lt3A_207, %select_n3A_198, %shift_right_logical3A_202 : vector<16xi1>, vector<16xi32>
    %add3A_213 = arith.addi %select_n3A_211, %select_n3A_212 : vector<16xi32>
    %shift_right_logical3A_214 = arith.constant 1 : i32
    %shift_right_logical3A_215 = vector.broadcast %shift_right_logical3A_214 : i32 to vector<16xi32>
    %shift_right_logical3A_216 = arith.shrui %add3A_213, %shift_right_logical3A_215 : vector<16xi32>
    %min3A_217 = arith.constant 2047 : i32
    %min3A_218 = vector.broadcast %min3A_217 : i32 to vector<16xi32>
    %min3A_219 = arith.minsi %shift_right_logical3A_216, %min3A_218 : vector<16xi32>
    %gather3A_220 = tpu.vector_load_idx %arg14[%min3A_219] : memref<2048xi32, #tpu.memory_space<vmem>>[vector<16xi32>], vector<16xi32>,
    %lt3A_221 = arith.cmpi slt, %gather3A_220, %add3A_168 : vector<16xi32>
    %add3A_222 = arith.constant 1 : i32
    %add3A_223 = vector.broadcast %add3A_222 : i32 to vector<16xi32>
    %add3A_224 = arith.addi %shift_right_logical3A_216, %add3A_223 : vector<16xi32>
    %select_n3A_225 = arith.select %lt3A_221, %add3A_224, %select_n3A_211 : vector<16xi1>, vector<16xi32>
    %select_n3A_226 = arith.select %lt3A_221, %select_n3A_212, %shift_right_logical3A_216 : vector<16xi1>, vector<16xi32>
    %add3A_227 = arith.addi %select_n3A_225, %select_n3A_226 : vector<16xi32>
    %shift_right_logical3A_228 = arith.constant 1 : i32
    %shift_right_logical3A_229 = vector.broadcast %shift_right_logical3A_228 : i32 to vector<16xi32>
    %shift_right_logical3A_230 = arith.shrui %add3A_227, %shift_right_logical3A_229 : vector<16xi32>
    %min3A_231 = arith.constant 2047 : i32
    %min3A_232 = vector.broadcast %min3A_231 : i32 to vector<16xi32>
    %min3A_233 = arith.minsi %shift_right_logical3A_230, %min3A_232 : vector<16xi32>
    %gather3A_234 = tpu.vector_load_idx %arg14[%min3A_233] : memref<2048xi32, #tpu.memory_space<vmem>>[vector<16xi32>], vector<16xi32>,
    %lt3A_235 = arith.cmpi slt, %gather3A_234, %add3A_168 : vector<16xi32>
    %add3A_236 = arith.constant 1 : i32
    %add3A_237 = vector.broadcast %add3A_236 : i32 to vector<16xi32>
    %add3A_238 = arith.addi %shift_right_logical3A_230, %add3A_237 : vector<16xi32>
    %select_n3A_239 = arith.select %lt3A_235, %add3A_238, %select_n3A_225 : vector<16xi1>, vector<16xi32>
    %select_n3A_240 = arith.select %lt3A_235, %select_n3A_226, %shift_right_logical3A_230 : vector<16xi1>, vector<16xi32>
    %add3A_241 = arith.addi %select_n3A_239, %select_n3A_240 : vector<16xi32>
    %shift_right_logical3A_242 = arith.constant 1 : i32
    %shift_right_logical3A_243 = vector.broadcast %shift_right_logical3A_242 : i32 to vector<16xi32>
    %shift_right_logical3A_244 = arith.shrui %add3A_241, %shift_right_logical3A_243 : vector<16xi32>
    %min3A_245 = arith.constant 2047 : i32
    %min3A_246 = vector.broadcast %min3A_245 : i32 to vector<16xi32>
    %min3A_247 = arith.minsi %shift_right_logical3A_244, %min3A_246 : vector<16xi32>
    %gather3A_248 = tpu.vector_load_idx %arg14[%min3A_247] : memref<2048xi32, #tpu.memory_space<vmem>>[vector<16xi32>], vector<16xi32>,
    %lt3A_249 = arith.cmpi slt, %gather3A_248, %add3A_168 : vector<16xi32>
    %add3A_250 = arith.constant 1 : i32
    %add3A_251 = vector.broadcast %add3A_250 : i32 to vector<16xi32>
    %add3A_252 = arith.addi %shift_right_logical3A_244, %add3A_251 : vector<16xi32>
    %select_n3A_253 = arith.select %lt3A_249, %add3A_252, %select_n3A_239 : vector<16xi1>, vector<16xi32>
    %select_n3A_254 = arith.select %lt3A_249, %select_n3A_240, %shift_right_logical3A_244 : vector<16xi1>, vector<16xi32>
    %add3A_255 = arith.addi %select_n3A_253, %select_n3A_254 : vector<16xi32>
    %shift_right_logical3A_256 = arith.constant 1 : i32
    %shift_right_logical3A_257 = vector.broadcast %shift_right_logical3A_256 : i32 to vector<16xi32>
    %shift_right_logical3A_258 = arith.shrui %add3A_255, %shift_right_logical3A_257 : vector<16xi32>
    %min3A_259 = arith.constant 2047 : i32
    %min3A_260 = vector.broadcast %min3A_259 : i32 to vector<16xi32>
    %min3A_261 = arith.minsi %shift_right_logical3A_258, %min3A_260 : vector<16xi32>
    %gather3A_262 = tpu.vector_load_idx %arg14[%min3A_261] : memref<2048xi32, #tpu.memory_space<vmem>>[vector<16xi32>], vector<16xi32>,
    %lt3A_263 = arith.cmpi slt, %gather3A_262, %add3A_168 : vector<16xi32>
    %add3A_264 = arith.constant 1 : i32
    %add3A_265 = vector.broadcast %add3A_264 : i32 to vector<16xi32>
    %add3A_266 = arith.addi %shift_right_logical3A_258, %add3A_265 : vector<16xi32>
    %select_n3A_267 = arith.select %lt3A_263, %add3A_266, %select_n3A_253 : vector<16xi1>, vector<16xi32>
    %select_n3A_268 = arith.select %lt3A_263, %select_n3A_254, %shift_right_logical3A_258 : vector<16xi1>, vector<16xi32>
    %add3A_269 = arith.addi %select_n3A_267, %select_n3A_268 : vector<16xi32>
    %shift_right_logical3A_270 = arith.constant 1 : i32
    %shift_right_logical3A_271 = vector.broadcast %shift_right_logical3A_270 : i32 to vector<16xi32>
    %shift_right_logical3A_272 = arith.shrui %add3A_269, %shift_right_logical3A_271 : vector<16xi32>
    %min3A_273 = arith.constant 2047 : i32
    %min3A_274 = vector.broadcast %min3A_273 : i32 to vector<16xi32>
    %min3A_275 = arith.minsi %shift_right_logical3A_272, %min3A_274 : vector<16xi32>
    %gather3A_276 = tpu.vector_load_idx %arg14[%min3A_275] : memref<2048xi32, #tpu.memory_space<vmem>>[vector<16xi32>], vector<16xi32>,
    %lt3A_277 = arith.cmpi slt, %gather3A_276, %add3A_168 : vector<16xi32>
    %add3A_278 = arith.constant 1 : i32
    %add3A_279 = vector.broadcast %add3A_278 : i32 to vector<16xi32>
    %add3A_280 = arith.addi %shift_right_logical3A_272, %add3A_279 : vector<16xi32>
    %select_n3A_281 = arith.select %lt3A_277, %add3A_280, %select_n3A_267 : vector<16xi1>, vector<16xi32>
    %select_n3A_282 = arith.select %lt3A_277, %select_n3A_268, %shift_right_logical3A_272 : vector<16xi1>, vector<16xi32>
    %add3A_283 = arith.addi %select_n3A_281, %select_n3A_282 : vector<16xi32>
    %shift_right_logical3A_284 = arith.constant 1 : i32
    %shift_right_logical3A_285 = vector.broadcast %shift_right_logical3A_284 : i32 to vector<16xi32>
    %shift_right_logical3A_286 = arith.shrui %add3A_283, %shift_right_logical3A_285 : vector<16xi32>
    %min3A_287 = arith.constant 2047 : i32
    %min3A_288 = vector.broadcast %min3A_287 : i32 to vector<16xi32>
    %min3A_289 = arith.minsi %shift_right_logical3A_286, %min3A_288 : vector<16xi32>
    %gather3A_290 = tpu.vector_load_idx %arg14[%min3A_289] : memref<2048xi32, #tpu.memory_space<vmem>>[vector<16xi32>], vector<16xi32>,
    %lt3A_291 = arith.cmpi slt, %gather3A_290, %add3A_168 : vector<16xi32>
    %add3A_292 = arith.constant 1 : i32
    %add3A_293 = vector.broadcast %add3A_292 : i32 to vector<16xi32>
    %add3A_294 = arith.addi %shift_right_logical3A_286, %add3A_293 : vector<16xi32>
    %select_n3A_295 = arith.select %lt3A_291, %add3A_294, %select_n3A_281 : vector<16xi1>, vector<16xi32>
    %select_n3A_296 = arith.select %lt3A_291, %select_n3A_282, %shift_right_logical3A_286 : vector<16xi1>, vector<16xi32>
    %add3A_297 = arith.addi %select_n3A_295, %select_n3A_296 : vector<16xi32>
    %shift_right_logical3A_298 = arith.constant 1 : i32
    %shift_right_logical3A_299 = vector.broadcast %shift_right_logical3A_298 : i32 to vector<16xi32>
    %shift_right_logical3A_300 = arith.shrui %add3A_297, %shift_right_logical3A_299 : vector<16xi32>
    %min3A_301 = arith.constant 2047 : i32
    %min3A_302 = vector.broadcast %min3A_301 : i32 to vector<16xi32>
    %min3A_303 = arith.minsi %shift_right_logical3A_300, %min3A_302 : vector<16xi32>
    %gather3A_304 = tpu.vector_load_idx %arg14[%min3A_303] : memref<2048xi32, #tpu.memory_space<vmem>>[vector<16xi32>], vector<16xi32>,
    %lt3A_305 = arith.cmpi slt, %gather3A_304, %add3A_168 : vector<16xi32>
    %add3A_306 = arith.constant 1 : i32
    %add3A_307 = vector.broadcast %add3A_306 : i32 to vector<16xi32>
    %add3A_308 = arith.addi %shift_right_logical3A_300, %add3A_307 : vector<16xi32>
    %select_n3A_309 = arith.select %lt3A_305, %add3A_308, %select_n3A_295 : vector<16xi1>, vector<16xi32>
    %select_n3A_310 = arith.select %lt3A_305, %select_n3A_296, %shift_right_logical3A_300 : vector<16xi1>, vector<16xi32>
    %add3A_311 = arith.addi %select_n3A_309, %select_n3A_310 : vector<16xi32>
    %shift_right_logical3A_312 = arith.constant 1 : i32
    %shift_right_logical3A_313 = vector.broadcast %shift_right_logical3A_312 : i32 to vector<16xi32>
    %shift_right_logical3A_314 = arith.shrui %add3A_311, %shift_right_logical3A_313 : vector<16xi32>
    %min3A_315 = arith.constant 2047 : i32
    %min3A_316 = vector.broadcast %min3A_315 : i32 to vector<16xi32>
    %min3A_317 = arith.minsi %shift_right_logical3A_314, %min3A_316 : vector<16xi32>
    %gather3A_318 = tpu.vector_load_idx %arg14[%min3A_317] : memref<2048xi32, #tpu.memory_space<vmem>>[vector<16xi32>], vector<16xi32>,
    %lt3A_319 = arith.cmpi slt, %gather3A_318, %add3A_168 : vector<16xi32>
    %add3A_320 = arith.constant 1 : i32
    %add3A_321 = vector.broadcast %add3A_320 : i32 to vector<16xi32>
    %add3A_322 = arith.addi %shift_right_logical3A_314, %add3A_321 : vector<16xi32>
    %select_n3A_323 = arith.select %lt3A_319, %add3A_322, %select_n3A_309 : vector<16xi1>, vector<16xi32>
    %select_n3A_324 = arith.select %lt3A_319, %select_n3A_310, %shift_right_logical3A_314 : vector<16xi1>, vector<16xi32>
    %swap3A = arith.constant 0 : index
    %swap3A_325 = tpu.vector_load %arg15[%swap3A] {strides = array<i32>} : memref<128xi32, #tpu.memory_space<vmem>>, vector<16xi32>,
    tpu.vector_store %arg15[%swap3A], %select_n3A_164 {strides = array<i32>} : memref<128xi32, #tpu.memory_space<vmem>>, vector<16xi32>,
    %sub3A = arith.subi %select_n3A_323, %select_n3A_164 : vector<16xi32>
    %swap3A_326 = arith.constant 0 : index
    %swap3A_327 = tpu.vector_load %arg16[%swap3A_326] {strides = array<i32>} : memref<128xi32, #tpu.memory_space<vmem>>, vector<16xi32>,
    tpu.vector_store %arg16[%swap3A_326], %sub3A {strides = array<i32>} : memref<128xi32, #tpu.memory_space<vmem>>, vector<16xi32>,
    tpu.wait_dma2 semaphore(%arg29 : memref<!tpu.dma_semaphore, #tpu.memory_space<semaphore_mem>>) src(%arg2 : memref<6144xf32, #tpu.memory_space<hbm>>) dst(%arg8 : memref<6144xf32, #tpu.memory_space<vmem>>)
    %parallel_loop3A = arith.constant 0 : i32
    %parallel_loop3A_328 = arith.constant 128 : i32
    %parallel_loop3A_329 = arith.constant 1 : i32
    scf.for %parallel_loop3A_422 = %parallel_loop3A to %parallel_loop3A_328 step %parallel_loop3A_329  : i32 {
      %parallel_loop3A_423 = arith.constant 16 : i32
      %parallel_loop3A_424 = arith.muli %parallel_loop3A_422, %parallel_loop3A_423 : i32
      %parallel_loop3A_425 = vector.broadcast %parallel_loop3A_424 : i32 to vector<16xi32>
      %parallel_loop3A_426 = arith.addi %parallel_loop3A_425, %iota3A : vector<16xi32>
      %parallel_loop3A_427 = arith.constant 3 : i32
      %parallel_loop3A_428 = vector.broadcast %parallel_loop3A_427 : i32 to vector<16xi32>
      %parallel_loop3A_429 = arith.muli %parallel_loop3A_426, %parallel_loop3A_428 : vector<16xi32>
      %parallel_loop3A_430 = tpu.vector_load_idx %arg8[%parallel_loop3A_429] : memref<6144xf32, #tpu.memory_space<vmem>>[vector<16xi32>], vector<16xf32>,
      %parallel_loop3A_431 = arith.constant 16 : i32
      %parallel_loop3A_432 = arith.muli %parallel_loop3A_422, %parallel_loop3A_431 : i32
      %parallel_loop3A_433 = arith.index_cast %parallel_loop3A_432 : i32 to index
      %parallel_loop3A_434 = tpu.vector_load %arg9[%parallel_loop3A_433] {strides = array<i32>} : memref<2048xf32, #tpu.memory_space<vmem>>, vector<16xf32>,
      tpu.vector_store %arg9[%parallel_loop3A_433], %parallel_loop3A_430 {strides = array<i32>} : memref<2048xf32, #tpu.memory_space<vmem>>, vector<16xf32>,
      %parallel_loop3A_435 = arith.constant 1 : i32
      %parallel_loop3A_436 = vector.broadcast %parallel_loop3A_435 : i32 to vector<16xi32>
      %parallel_loop3A_437 = arith.addi %parallel_loop3A_429, %parallel_loop3A_436 : vector<16xi32>
      %parallel_loop3A_438 = tpu.vector_load_idx %arg8[%parallel_loop3A_437] : memref<6144xf32, #tpu.memory_space<vmem>>[vector<16xi32>], vector<16xf32>,
      %parallel_loop3A_439 = arith.constant 16 : i32
      %parallel_loop3A_440 = arith.muli %parallel_loop3A_422, %parallel_loop3A_439 : i32
      %parallel_loop3A_441 = arith.index_cast %parallel_loop3A_440 : i32 to index
      %parallel_loop3A_442 = tpu.vector_load %arg10[%parallel_loop3A_441] {strides = array<i32>} : memref<2048xf32, #tpu.memory_space<vmem>>, vector<16xf32>,
      tpu.vector_store %arg10[%parallel_loop3A_441], %parallel_loop3A_438 {strides = array<i32>} : memref<2048xf32, #tpu.memory_space<vmem>>, vector<16xf32>,
      %parallel_loop3A_443 = arith.constant 2 : i32
      %parallel_loop3A_444 = vector.broadcast %parallel_loop3A_443 : i32 to vector<16xi32>
      %parallel_loop3A_445 = arith.addi %parallel_loop3A_429, %parallel_loop3A_444 : vector<16xi32>
      %parallel_loop3A_446 = tpu.vector_load_idx %arg8[%parallel_loop3A_445] : memref<6144xf32, #tpu.memory_space<vmem>>[vector<16xi32>], vector<16xf32>,
      %parallel_loop3A_447 = arith.constant 16 : i32
      %parallel_loop3A_448 = arith.muli %parallel_loop3A_422, %parallel_loop3A_447 : i32
      %parallel_loop3A_449 = arith.index_cast %parallel_loop3A_448 : i32 to index
      %parallel_loop3A_450 = tpu.vector_load %arg11[%parallel_loop3A_449] {strides = array<i32>} : memref<2048xf32, #tpu.memory_space<vmem>>, vector<16xf32>,
      tpu.vector_store %arg11[%parallel_loop3A_449], %parallel_loop3A_446 {strides = array<i32>} : memref<2048xf32, #tpu.memory_space<vmem>>, vector<16xf32>,
    } {sc.loop_unroll_factor = 4 : i64, sc.parallel_access}
    %dma_wait3A = tpu.memref_slice %arg4[%mul3A_4] : memref<24576xf32, #tpu.memory_space<hbm>> -> memref<768xf32, #tpu.memory_space<hbm>>
    %dma_wait3A_330 = tpu.memref_slice %arg4[%mul3A_4] : memref<24576xf32, #tpu.memory_space<hbm>> -> memref<768xf32, #tpu.memory_space<hbm>>
    tpu.wait_dma2 semaphore(%arg29 : memref<!tpu.dma_semaphore, #tpu.memory_space<semaphore_mem>>) src(%dma_wait3A_330 : memref<768xf32, #tpu.memory_space<hbm>>) dst(%arg12 : memref<768xf32, #tpu.memory_space<vmem>>)
    %dma_wait3A_331 = tpu.memref_slice %arg5[%mul3A_2] : memref<8192xi32, #tpu.memory_space<hbm>> -> memref<256xi32, #tpu.memory_space<hbm>>
    %dma_wait3A_332 = tpu.memref_slice %arg5[%mul3A_2] : memref<8192xi32, #tpu.memory_space<hbm>> -> memref<256xi32, #tpu.memory_space<hbm>>
    tpu.wait_dma2 semaphore(%arg29 : memref<!tpu.dma_semaphore, #tpu.memory_space<semaphore_mem>>) src(%dma_wait3A_332 : memref<256xi32, #tpu.memory_space<hbm>>) dst(%arg13 : memref<256xi32, #tpu.memory_space<vmem>>)
    %scan3A = arith.constant 0 : i32
    %scan3A_333 = arith.constant 0 : i32
    %scan3A_334 = arith.constant 8 : i32
    %scan3A_335 = arith.addi %scan3A_333, %scan3A_334 : i32
    %scan3A_336 = arith.constant 1 : i32
    %scan3A_337 = scf.for %scan3A_422 = %scan3A_333 to %scan3A_335 step %scan3A_336 iter_args(%scan3A_423 = %scan3A) -> (i32)  : i32 {
      %mul3A_424 = arith.constant 16 : i32
      %mul3A_425 = arith.muli %scan3A_422, %mul3A_424 : i32
      %add3A_426 = vector.broadcast %mul3A_425 : i32 to vector<16xi32>
      %add3A_427 = arith.addi %add3A_426, %iota3A : vector<16xi32>
      %mul3A_428 = arith.constant 3 : i32
      %mul3A_429 = vector.broadcast %mul3A_428 : i32 to vector<16xi32>
      %mul3A_430 = arith.muli %add3A_427, %mul3A_429 : vector<16xi32>
      %gather3A_431 = tpu.vector_load_idx %arg12[%mul3A_430] : memref<768xf32, #tpu.memory_space<vmem>>[vector<16xi32>], vector<16xf32>,
      %add3A_432 = arith.constant 1 : i32
      %add3A_433 = vector.broadcast %add3A_432 : i32 to vector<16xi32>
      %add3A_434 = arith.addi %mul3A_430, %add3A_433 : vector<16xi32>
      %gather3A_435 = tpu.vector_load_idx %arg12[%add3A_434] : memref<768xf32, #tpu.memory_space<vmem>>[vector<16xi32>], vector<16xf32>,
      %add3A_436 = arith.constant 2 : i32
      %add3A_437 = vector.broadcast %add3A_436 : i32 to vector<16xi32>
      %add3A_438 = arith.addi %mul3A_430, %add3A_437 : vector<16xi32>
      %gather3A_439 = tpu.vector_load_idx %arg12[%add3A_438] : memref<768xf32, #tpu.memory_space<vmem>>[vector<16xi32>], vector<16xf32>,
      %get3A = arith.index_cast %mul3A_425 : i32 to index
      %get3A_440 = tpu.vector_load %arg13[%get3A] {strides = array<i32>} : memref<256xi32, #tpu.memory_space<vmem>>, vector<16xi32>,
      %gather3A_441 = tpu.vector_load_idx %arg15[%get3A_440] : memref<128xi32, #tpu.memory_space<vmem>>[vector<16xi32>], vector<16xi32>,
      %gather3A_442 = tpu.vector_load_idx %arg16[%get3A_440] : memref<128xi32, #tpu.memory_space<vmem>>[vector<16xi32>], vector<16xi32>,
      %reduce_max3A = arith.constant true
      %reduce_max3A_443 = vector.broadcast %reduce_max3A : i1 to vector<16xi1>
      %reduce_max3A_444 = arith.constant -2147483648 : i32
      %reduce_max3A_445 = vector.broadcast %reduce_max3A_444 : i32 to vector<16xi32>
      %reduce_max3A_446 = arith.xori %gather3A_442, %reduce_max3A_445 : vector<16xi32>
      %reduce_max3A_447 = tpu.scan <max>, %reduce_max3A_446 masked %reduce_max3A_443 : vector<16xi32>, vector<16xi1> -> vector<16xi32>
      %reduce_max3A_448 = arith.xori %reduce_max3A_447, %reduce_max3A_445 : vector<16xi32>
      %reduce_max3A_449 = vector.extract %reduce_max3A_448[15] : i32 from vector<16xi32>
      %add3A_450 = arith.constant 1 : i32
      %add3A_451 = arith.addi %reduce_max3A_449, %add3A_450 : i32
      %jit3A = arith.constant 2 : i32
      %div3A = arith.divsi %add3A_451, %jit3A : i32
      %sign3A = arith.constant 0 : i32
      %sign3A_452 = arith.cmpi sgt, %add3A_451, %sign3A : i32
      %sign3A_453 = arith.extui %sign3A_452 : i1 to i32
      %sign3A_454 = arith.constant 0 : i32
      %sign3A_455 = arith.cmpi slt, %add3A_451, %sign3A_454 : i32
      %sign3A_456 = arith.extui %sign3A_455 : i1 to i32
      %sign3A_457 = arith.subi %sign3A_453, %sign3A_456 : i32
      %sign3A_458 = arith.constant 0 : i32
      %sign3A_459 = arith.cmpi sgt, %jit3A, %sign3A_458 : i32
      %sign3A_460 = arith.extui %sign3A_459 : i1 to i32
      %sign3A_461 = arith.constant 0 : i32
      %sign3A_462 = arith.cmpi slt, %jit3A, %sign3A_461 : i32
      %sign3A_463 = arith.extui %sign3A_462 : i1 to i32
      %sign3A_464 = arith.subi %sign3A_460, %sign3A_463 : i32
      %ne3A = arith.cmpi ne, %sign3A_457, %sign3A_464 : i32
      %rem3A = arith.remsi %add3A_451, %jit3A : i32
      %ne3A_465 = arith.constant 0 : i32
      %ne3A_466 = arith.cmpi ne, %rem3A, %ne3A_465 : i32
      %and3A = arith.andi %ne3A, %ne3A_466 : i1
      %sub3A_467 = arith.constant 1 : i32
      %sub3A_468 = arith.subi %div3A, %sub3A_467 : i32
      %select_n3A_469 = arith.select %and3A, %sub3A_468, %div3A : i32
      %parallel_loop3A_470 = arith.constant 0 : i32
      %parallel_loop3A_471 = arith.constant 1 : i32
      %parallel_loop3A_472:6 = scf.for %parallel_loop3A_511 = %parallel_loop3A_470 to %select_n3A_469 step %parallel_loop3A_471 iter_args(%parallel_loop3A_512 = %broadcast_in_dim3A_14, %parallel_loop3A_513 = %broadcast_in_dim3A_14, %parallel_loop3A_514 = %broadcast_in_dim3A_14, %parallel_loop3A_515 = %broadcast_in_dim3A_8, %parallel_loop3A_516 = %broadcast_in_dim3A_8, %parallel_loop3A_517 = %broadcast_in_dim3A_8) -> (vector<16xf32>, vector<16xf32>, vector<16xf32>, vector<16xi32>, vector<16xi32>, vector<16xi32>)  : i32 {
        %parallel_loop3A_518 = arith.constant 2 : i32
        %parallel_loop3A_519 = arith.muli %parallel_loop3A_511, %parallel_loop3A_518 : i32
        %parallel_loop3A_520 = vector.broadcast %parallel_loop3A_519 : i32 to vector<16xi32>
        %parallel_loop3A_521 = arith.cmpi slt, %parallel_loop3A_520, %gather3A_442 : vector<16xi32>
        %parallel_loop3A_522 = vector.broadcast %parallel_loop3A_519 : i32 to vector<16xi32>
        %parallel_loop3A_523 = arith.addi %gather3A_441, %parallel_loop3A_522 : vector<16xi32>
        %parallel_loop3A_524 = arith.constant 0 : i32
        %parallel_loop3A_525 = vector.broadcast %parallel_loop3A_524 : i32 to vector<16xi32>
        %parallel_loop3A_526 = arith.select %parallel_loop3A_521, %parallel_loop3A_523, %parallel_loop3A_525 : vector<16xi1>, vector<16xi32>
        %parallel_loop3A_527 = tpu.vector_load_idx %arg9[%parallel_loop3A_526] : memref<2048xf32, #tpu.memory_space<vmem>>[vector<16xi32>], vector<16xf32>,
        %parallel_loop3A_528 = tpu.vector_load_idx %arg10[%parallel_loop3A_526] : memref<2048xf32, #tpu.memory_space<vmem>>[vector<16xi32>], vector<16xf32>,
        %parallel_loop3A_529 = tpu.vector_load_idx %arg11[%parallel_loop3A_526] : memref<2048xf32, #tpu.memory_space<vmem>>[vector<16xi32>], vector<16xf32>,
        %parallel_loop3A_530 = arith.subf %gather3A_431, %parallel_loop3A_527 : vector<16xf32>
        %parallel_loop3A_531 = arith.subf %gather3A_435, %parallel_loop3A_528 : vector<16xf32>
        %parallel_loop3A_532 = arith.subf %gather3A_439, %parallel_loop3A_529 : vector<16xf32>
        %parallel_loop3A_533 = arith.mulf %parallel_loop3A_530, %parallel_loop3A_530 : vector<16xf32>
        %parallel_loop3A_534 = arith.mulf %parallel_loop3A_531, %parallel_loop3A_531 : vector<16xf32>
        %parallel_loop3A_535 = arith.addf %parallel_loop3A_533, %parallel_loop3A_534 : vector<16xf32>
        %parallel_loop3A_536 = arith.mulf %parallel_loop3A_532, %parallel_loop3A_532 : vector<16xf32>
        %parallel_loop3A_537 = arith.addf %parallel_loop3A_535, %parallel_loop3A_536 : vector<16xf32>
        %parallel_loop3A_538 = arith.constant 0x7F800000 : f32
        %parallel_loop3A_539 = vector.broadcast %parallel_loop3A_538 : f32 to vector<16xf32>
        %parallel_loop3A_540 = arith.select %parallel_loop3A_521, %parallel_loop3A_537, %parallel_loop3A_539 : vector<16xi1>, vector<16xf32>
        %parallel_loop3A_541 = arith.constant 1 : i32
        %parallel_loop3A_542 = arith.addi %parallel_loop3A_519, %parallel_loop3A_541 : i32
        %parallel_loop3A_543 = vector.broadcast %parallel_loop3A_542 : i32 to vector<16xi32>
        %parallel_loop3A_544 = arith.cmpi slt, %parallel_loop3A_543, %gather3A_442 : vector<16xi32>
        %parallel_loop3A_545 = vector.broadcast %parallel_loop3A_542 : i32 to vector<16xi32>
        %parallel_loop3A_546 = arith.addi %gather3A_441, %parallel_loop3A_545 : vector<16xi32>
        %parallel_loop3A_547 = arith.constant 0 : i32
        %parallel_loop3A_548 = vector.broadcast %parallel_loop3A_547 : i32 to vector<16xi32>
        %parallel_loop3A_549 = arith.select %parallel_loop3A_544, %parallel_loop3A_546, %parallel_loop3A_548 : vector<16xi1>, vector<16xi32>
        %parallel_loop3A_550 = tpu.vector_load_idx %arg9[%parallel_loop3A_549] : memref<2048xf32, #tpu.memory_space<vmem>>[vector<16xi32>], vector<16xf32>,
        %parallel_loop3A_551 = tpu.vector_load_idx %arg10[%parallel_loop3A_549] : memref<2048xf32, #tpu.memory_space<vmem>>[vector<16xi32>], vector<16xf32>,
        %parallel_loop3A_552 = tpu.vector_load_idx %arg11[%parallel_loop3A_549] : memref<2048xf32, #tpu.memory_space<vmem>>[vector<16xi32>], vector<16xf32>,
        %parallel_loop3A_553 = arith.subf %gather3A_431, %parallel_loop3A_550 : vector<16xf32>
        %parallel_loop3A_554 = arith.subf %gather3A_435, %parallel_loop3A_551 : vector<16xf32>
        %parallel_loop3A_555 = arith.subf %gather3A_439, %parallel_loop3A_552 : vector<16xf32>
        %parallel_loop3A_556 = arith.mulf %parallel_loop3A_553, %parallel_loop3A_553 : vector<16xf32>
        %parallel_loop3A_557 = arith.mulf %parallel_loop3A_554, %parallel_loop3A_554 : vector<16xf32>
        %parallel_loop3A_558 = arith.addf %parallel_loop3A_556, %parallel_loop3A_557 : vector<16xf32>
        %parallel_loop3A_559 = arith.mulf %parallel_loop3A_555, %parallel_loop3A_555 : vector<16xf32>
        %parallel_loop3A_560 = arith.addf %parallel_loop3A_558, %parallel_loop3A_559 : vector<16xf32>
        %parallel_loop3A_561 = arith.constant 0x7F800000 : f32
        %parallel_loop3A_562 = vector.broadcast %parallel_loop3A_561 : f32 to vector<16xf32>
        %parallel_loop3A_563 = arith.select %parallel_loop3A_544, %parallel_loop3A_560, %parallel_loop3A_562 : vector<16xi1>, vector<16xf32>
        %parallel_loop3A_564 = arith.cmpf olt, %parallel_loop3A_540, %parallel_loop3A_512 : vector<16xf32>
        %parallel_loop3A_565 = arith.cmpf olt, %parallel_loop3A_540, %parallel_loop3A_513 : vector<16xf32>
        %parallel_loop3A_566 = arith.cmpf olt, %parallel_loop3A_540, %parallel_loop3A_514 : vector<16xf32>
        %parallel_loop3A_567 = arith.select %parallel_loop3A_566, %parallel_loop3A_540, %parallel_loop3A_514 : vector<16xi1>, vector<16xf32>
        %parallel_loop3A_568 = arith.select %parallel_loop3A_565, %parallel_loop3A_513, %parallel_loop3A_567 : vector<16xi1>, vector<16xf32>
        %parallel_loop3A_569 = arith.select %parallel_loop3A_566, %parallel_loop3A_526, %parallel_loop3A_517 : vector<16xi1>, vector<16xi32>
        %parallel_loop3A_570 = arith.select %parallel_loop3A_565, %parallel_loop3A_516, %parallel_loop3A_569 : vector<16xi1>, vector<16xi32>
        %parallel_loop3A_571 = arith.select %parallel_loop3A_565, %parallel_loop3A_540, %parallel_loop3A_513 : vector<16xi1>, vector<16xf32>
        %parallel_loop3A_572 = arith.select %parallel_loop3A_564, %parallel_loop3A_512, %parallel_loop3A_571 : vector<16xi1>, vector<16xf32>
        %parallel_loop3A_573 = arith.select %parallel_loop3A_565, %parallel_loop3A_526, %parallel_loop3A_516 : vector<16xi1>, vector<16xi32>
        %parallel_loop3A_574 = arith.select %parallel_loop3A_564, %parallel_loop3A_515, %parallel_loop3A_573 : vector<16xi1>, vector<16xi32>
        %parallel_loop3A_575 = arith.select %parallel_loop3A_564, %parallel_loop3A_540, %parallel_loop3A_512 : vector<16xi1>, vector<16xf32>
        %parallel_loop3A_576 = arith.select %parallel_loop3A_564, %parallel_loop3A_526, %parallel_loop3A_515 : vector<16xi1>, vector<16xi32>
        %parallel_loop3A_577 = arith.cmpf olt, %parallel_loop3A_563, %parallel_loop3A_575 : vector<16xf32>
        %parallel_loop3A_578 = arith.cmpf olt, %parallel_loop3A_563, %parallel_loop3A_572 : vector<16xf32>
        %parallel_loop3A_579 = arith.cmpf olt, %parallel_loop3A_563, %parallel_loop3A_568 : vector<16xf32>
        %parallel_loop3A_580 = arith.select %parallel_loop3A_579, %parallel_loop3A_563, %parallel_loop3A_568 : vector<16xi1>, vector<16xf32>
        %parallel_loop3A_581 = arith.select %parallel_loop3A_578, %parallel_loop3A_572, %parallel_loop3A_580 : vector<16xi1>, vector<16xf32>
        %parallel_loop3A_582 = arith.select %parallel_loop3A_579, %parallel_loop3A_549, %parallel_loop3A_570 : vector<16xi1>, vector<16xi32>
        %parallel_loop3A_583 = arith.select %parallel_loop3A_578, %parallel_loop3A_574, %parallel_loop3A_582 : vector<16xi1>, vector<16xi32>
        %parallel_loop3A_584 = arith.select %parallel_loop3A_578, %parallel_loop3A_563, %parallel_loop3A_572 : vector<16xi1>, vector<16xf32>
        %parallel_loop3A_585 = arith.select %parallel_loop3A_577, %parallel_loop3A_575, %parallel_loop3A_584 : vector<16xi1>, vector<16xf32>
        %parallel_loop3A_586 = arith.select %parallel_loop3A_578, %parallel_loop3A_549, %parallel_loop3A_574 : vector<16xi1>, vector<16xi32>
        %parallel_loop3A_587 = arith.select %parallel_loop3A_577, %parallel_loop3A_576, %parallel_loop3A_586 : vector<16xi1>, vector<16xi32>
        %parallel_loop3A_588 = arith.select %parallel_loop3A_577, %parallel_loop3A_563, %parallel_loop3A_575 : vector<16xi1>, vector<16xf32>
        %parallel_loop3A_589 = arith.select %parallel_loop3A_577, %parallel_loop3A_549, %parallel_loop3A_576 : vector<16xi1>, vector<16xi32>
        scf.yield %parallel_loop3A_588, %parallel_loop3A_585, %parallel_loop3A_581, %parallel_loop3A_589, %parallel_loop3A_587, %parallel_loop3A_583 : vector<16xf32>, vector<16xf32>, vector<16xf32>, vector<16xi32>, vector<16xi32>, vector<16xi32>
      } {sc.loop_unroll_factor = 2 : i64, sc.parallel_access}
      %max3A = arith.constant 1.000000e-16 : f32
      %max3A_473 = vector.broadcast %max3A : f32 to vector<16xf32>
      %max3A_474 = arith.maximumf %parallel_loop3A_472#0, %max3A_473 : vector<16xf32>
      %div3A_475 = arith.constant 1.000000e+00 : f32
      %div3A_476 = vector.broadcast %div3A_475 : f32 to vector<16xf32>
      %div3A_477 = arith.divf %div3A_476, %max3A_474 : vector<16xf32>
      %max3A_478 = arith.constant 1.000000e-16 : f32
      %max3A_479 = vector.broadcast %max3A_478 : f32 to vector<16xf32>
      %max3A_480 = arith.maximumf %parallel_loop3A_472#1, %max3A_479 : vector<16xf32>
      %div3A_481 = arith.constant 1.000000e+00 : f32
      %div3A_482 = vector.broadcast %div3A_481 : f32 to vector<16xf32>
      %div3A_483 = arith.divf %div3A_482, %max3A_480 : vector<16xf32>
      %max3A_484 = arith.constant 1.000000e-16 : f32
      %max3A_485 = vector.broadcast %max3A_484 : f32 to vector<16xf32>
      %max3A_486 = arith.maximumf %parallel_loop3A_472#2, %max3A_485 : vector<16xf32>
      %div3A_487 = arith.constant 1.000000e+00 : f32
      %div3A_488 = vector.broadcast %div3A_487 : f32 to vector<16xf32>
      %div3A_489 = arith.divf %div3A_488, %max3A_486 : vector<16xf32>
      %add3A_490 = arith.addf %div3A_477, %div3A_483 : vector<16xf32>
      %add3A_491 = arith.addf %add3A_490, %div3A_489 : vector<16xf32>
      %div3A_492 = arith.constant 1.000000e+00 : f32
      %div3A_493 = vector.broadcast %div3A_492 : f32 to vector<16xf32>
      %div3A_494 = arith.divf %div3A_493, %add3A_491 : vector<16xf32>
      %mul3A_495 = arith.mulf %div3A_477, %div3A_494 : vector<16xf32>
      %swap3A_496 = arith.index_cast %mul3A_425 : i32 to index
      %swap3A_497 = tpu.vector_load %arg20[%swap3A_496] {strides = array<i32>} : memref<256xf32, #tpu.memory_space<vmem>>, vector<16xf32>,
      tpu.vector_store %arg20[%swap3A_496], %mul3A_495 {strides = array<i32>} : memref<256xf32, #tpu.memory_space<vmem>>, vector<16xf32>,
      %mul3A_498 = arith.mulf %div3A_483, %div3A_494 : vector<16xf32>
      %swap3A_499 = arith.index_cast %mul3A_425 : i32 to index
      %swap3A_500 = tpu.vector_load %arg21[%swap3A_499] {strides = array<i32>} : memref<256xf32, #tpu.memory_space<vmem>>, vector<16xf32>,
      tpu.vector_store %arg21[%swap3A_499], %mul3A_498 {strides = array<i32>} : memref<256xf32, #tpu.memory_space<vmem>>, vector<16xf32>,
      %mul3A_501 = arith.mulf %div3A_489, %div3A_494 : vector<16xf32>
      %swap3A_502 = arith.index_cast %mul3A_425 : i32 to index
      %swap3A_503 = tpu.vector_load %arg22[%swap3A_502] {strides = array<i32>} : memref<256xf32, #tpu.memory_space<vmem>>, vector<16xf32>,
      tpu.vector_store %arg22[%swap3A_502], %mul3A_501 {strides = array<i32>} : memref<256xf32, #tpu.memory_space<vmem>>, vector<16xf32>,
      %swap3A_504 = arith.index_cast %mul3A_425 : i32 to index
      %swap3A_505 = tpu.vector_load %arg17[%swap3A_504] {strides = array<i32>} : memref<256xi32, #tpu.memory_space<vmem>>, vector<16xi32>,
      tpu.vector_store %arg17[%swap3A_504], %parallel_loop3A_472#3 {strides = array<i32>} : memref<256xi32, #tpu.memory_space<vmem>>, vector<16xi32>,
      %swap3A_506 = arith.index_cast %mul3A_425 : i32 to index
      %swap3A_507 = tpu.vector_load %arg18[%swap3A_506] {strides = array<i32>} : memref<256xi32, #tpu.memory_space<vmem>>, vector<16xi32>,
      tpu.vector_store %arg18[%swap3A_506], %parallel_loop3A_472#4 {strides = array<i32>} : memref<256xi32, #tpu.memory_space<vmem>>, vector<16xi32>,
      %swap3A_508 = arith.index_cast %mul3A_425 : i32 to index
      %swap3A_509 = tpu.vector_load %arg19[%swap3A_508] {strides = array<i32>} : memref<256xi32, #tpu.memory_space<vmem>>, vector<16xi32>,
      tpu.vector_store %arg19[%swap3A_508], %parallel_loop3A_472#5 {strides = array<i32>} : memref<256xi32, #tpu.memory_space<vmem>>, vector<16xi32>,
      %scan3A_510 = arith.constant 0 : i32
      scf.yield %scan3A_510 : i32
    }
    %scan3A_338 = arith.constant 8 : i32
    %dma_start3A_339 = arith.constant 0 : i32
    %dma_start3A_340 = tpu.memref_slice %arg17[%dma_start3A_339] : memref<256xi32, #tpu.memory_space<vmem>> -> memref<128xi32, #tpu.memory_space<vmem>>
    %dma_start3A_341 = arith.constant 0 : i32
    %dma_start3A_342 = arith.constant 0 : i32
    %dma_start3A_343 = tpu.memref_slice %arg6[%dma_start3A_341, %dma_start3A_342] : memref<2048x128xf32, #tpu.memory_space<hbm>> -> memref<2048x128xf32, #tpu.memory_space<hbm>>
    tpu.enqueue_indirect_dma source(%dma_start3A_343 : memref<2048x128xf32, #tpu.memory_space<hbm>>) target(%arg23 : memref<128x128xf32, #tpu.memory_space<vmem>>) offsets(%dma_start3A_340 : memref<128xi32, #tpu.memory_space<vmem>>) semaphore(%arg28 : memref<!tpu.dma_semaphore, #tpu.memory_space<semaphore_mem>>)
    %dma_start3A_344 = arith.constant 0 : i32
    %dma_start3A_345 = tpu.memref_slice %arg18[%dma_start3A_344] : memref<256xi32, #tpu.memory_space<vmem>> -> memref<128xi32, #tpu.memory_space<vmem>>
    %dma_start3A_346 = arith.constant 0 : i32
    %dma_start3A_347 = arith.constant 0 : i32
    %dma_start3A_348 = tpu.memref_slice %arg6[%dma_start3A_346, %dma_start3A_347] : memref<2048x128xf32, #tpu.memory_space<hbm>> -> memref<2048x128xf32, #tpu.memory_space<hbm>>
    tpu.enqueue_indirect_dma source(%dma_start3A_348 : memref<2048x128xf32, #tpu.memory_space<hbm>>) target(%arg24 : memref<128x128xf32, #tpu.memory_space<vmem>>) offsets(%dma_start3A_345 : memref<128xi32, #tpu.memory_space<vmem>>) semaphore(%arg28 : memref<!tpu.dma_semaphore, #tpu.memory_space<semaphore_mem>>)
    %dma_start3A_349 = arith.constant 0 : i32
    %dma_start3A_350 = tpu.memref_slice %arg19[%dma_start3A_349] : memref<256xi32, #tpu.memory_space<vmem>> -> memref<128xi32, #tpu.memory_space<vmem>>
    %dma_start3A_351 = arith.constant 0 : i32
    %dma_start3A_352 = arith.constant 0 : i32
    %dma_start3A_353 = tpu.memref_slice %arg6[%dma_start3A_351, %dma_start3A_352] : memref<2048x128xf32, #tpu.memory_space<hbm>> -> memref<2048x128xf32, #tpu.memory_space<hbm>>
    tpu.enqueue_indirect_dma source(%dma_start3A_353 : memref<2048x128xf32, #tpu.memory_space<hbm>>) target(%arg25 : memref<128x128xf32, #tpu.memory_space<vmem>>) offsets(%dma_start3A_350 : memref<128xi32, #tpu.memory_space<vmem>>) semaphore(%arg28 : memref<!tpu.dma_semaphore, #tpu.memory_space<semaphore_mem>>)
    %scan3A_354 = arith.constant 0 : i32
    %scan3A_355 = arith.constant 8 : i32
    %scan3A_356 = arith.constant 8 : i32
    %scan3A_357 = arith.addi %scan3A_355, %scan3A_356 : i32
    %scan3A_358 = arith.constant 1 : i32
    %scan3A_359 = scf.for %scan3A_422 = %scan3A_355 to %scan3A_357 step %scan3A_358 iter_args(%scan3A_423 = %scan3A_354) -> (i32)  : i32 {
      %mul3A_424 = arith.constant 16 : i32
      %mul3A_425 = arith.muli %scan3A_422, %mul3A_424 : i32
      %add3A_426 = vector.broadcast %mul3A_425 : i32 to vector<16xi32>
      %add3A_427 = arith.addi %add3A_426, %iota3A : vector<16xi32>
      %mul3A_428 = arith.constant 3 : i32
      %mul3A_429 = vector.broadcast %mul3A_428 : i32 to vector<16xi32>
      %mul3A_430 = arith.muli %add3A_427, %mul3A_429 : vector<16xi32>
      %gather3A_431 = tpu.vector_load_idx %arg12[%mul3A_430] : memref<768xf32, #tpu.memory_space<vmem>>[vector<16xi32>], vector<16xf32>,
      %add3A_432 = arith.constant 1 : i32
      %add3A_433 = vector.broadcast %add3A_432 : i32 to vector<16xi32>
      %add3A_434 = arith.addi %mul3A_430, %add3A_433 : vector<16xi32>
      %gather3A_435 = tpu.vector_load_idx %arg12[%add3A_434] : memref<768xf32, #tpu.memory_space<vmem>>[vector<16xi32>], vector<16xf32>,
      %add3A_436 = arith.constant 2 : i32
      %add3A_437 = vector.broadcast %add3A_436 : i32 to vector<16xi32>
      %add3A_438 = arith.addi %mul3A_430, %add3A_437 : vector<16xi32>
      %gather3A_439 = tpu.vector_load_idx %arg12[%add3A_438] : memref<768xf32, #tpu.memory_space<vmem>>[vector<16xi32>], vector<16xf32>,
      %get3A = arith.index_cast %mul3A_425 : i32 to index
      %get3A_440 = tpu.vector_load %arg13[%get3A] {strides = array<i32>} : memref<256xi32, #tpu.memory_space<vmem>>, vector<16xi32>,
      %gather3A_441 = tpu.vector_load_idx %arg15[%get3A_440] : memref<128xi32, #tpu.memory_space<vmem>>[vector<16xi32>], vector<16xi32>,
      %gather3A_442 = tpu.vector_load_idx %arg16[%get3A_440] : memref<128xi32, #tpu.memory_space<vmem>>[vector<16xi32>], vector<16xi32>,
      %reduce_max3A = arith.constant true
      %reduce_max3A_443 = vector.broadcast %reduce_max3A : i1 to vector<16xi1>
      %reduce_max3A_444 = arith.constant -2147483648 : i32
      %reduce_max3A_445 = vector.broadcast %reduce_max3A_444 : i32 to vector<16xi32>
      %reduce_max3A_446 = arith.xori %gather3A_442, %reduce_max3A_445 : vector<16xi32>
      %reduce_max3A_447 = tpu.scan <max>, %reduce_max3A_446 masked %reduce_max3A_443 : vector<16xi32>, vector<16xi1> -> vector<16xi32>
      %reduce_max3A_448 = arith.xori %reduce_max3A_447, %reduce_max3A_445 : vector<16xi32>
      %reduce_max3A_449 = vector.extract %reduce_max3A_448[15] : i32 from vector<16xi32>
      %add3A_450 = arith.constant 1 : i32
      %add3A_451 = arith.addi %reduce_max3A_449, %add3A_450 : i32
      %jit3A = arith.constant 2 : i32
      %div3A = arith.divsi %add3A_451, %jit3A : i32
      %sign3A = arith.constant 0 : i32
      %sign3A_452 = arith.cmpi sgt, %add3A_451, %sign3A : i32
      %sign3A_453 = arith.extui %sign3A_452 : i1 to i32
      %sign3A_454 = arith.constant 0 : i32
      %sign3A_455 = arith.cmpi slt, %add3A_451, %sign3A_454 : i32
      %sign3A_456 = arith.extui %sign3A_455 : i1 to i32
      %sign3A_457 = arith.subi %sign3A_453, %sign3A_456 : i32
      %sign3A_458 = arith.constant 0 : i32
      %sign3A_459 = arith.cmpi sgt, %jit3A, %sign3A_458 : i32
      %sign3A_460 = arith.extui %sign3A_459 : i1 to i32
      %sign3A_461 = arith.constant 0 : i32
      %sign3A_462 = arith.cmpi slt, %jit3A, %sign3A_461 : i32
      %sign3A_463 = arith.extui %sign3A_462 : i1 to i32
      %sign3A_464 = arith.subi %sign3A_460, %sign3A_463 : i32
      %ne3A = arith.cmpi ne, %sign3A_457, %sign3A_464 : i32
      %rem3A = arith.remsi %add3A_451, %jit3A : i32
      %ne3A_465 = arith.constant 0 : i32
      %ne3A_466 = arith.cmpi ne, %rem3A, %ne3A_465 : i32
      %and3A = arith.andi %ne3A, %ne3A_466 : i1
      %sub3A_467 = arith.constant 1 : i32
      %sub3A_468 = arith.subi %div3A, %sub3A_467 : i32
      %select_n3A_469 = arith.select %and3A, %sub3A_468, %div3A : i32
      %parallel_loop3A_470 = arith.constant 0 : i32
      %parallel_loop3A_471 = arith.constant 1 : i32
      %parallel_loop3A_472:6 = scf.for %parallel_loop3A_511 = %parallel_loop3A_470 to %select_n3A_469 step %parallel_loop3A_471 iter_args(%parallel_loop3A_512 = %broadcast_in_dim3A_14, %parallel_loop3A_513 = %broadcast_in_dim3A_14, %parallel_loop3A_514 = %broadcast_in_dim3A_14, %parallel_loop3A_515 = %broadcast_in_dim3A_8, %parallel_loop3A_516 = %broadcast_in_dim3A_8, %parallel_loop3A_517 = %broadcast_in_dim3A_8) -> (vector<16xf32>, vector<16xf32>, vector<16xf32>, vector<16xi32>, vector<16xi32>, vector<16xi32>)  : i32 {
        %parallel_loop3A_518 = arith.constant 2 : i32
        %parallel_loop3A_519 = arith.muli %parallel_loop3A_511, %parallel_loop3A_518 : i32
        %parallel_loop3A_520 = vector.broadcast %parallel_loop3A_519 : i32 to vector<16xi32>
        %parallel_loop3A_521 = arith.cmpi slt, %parallel_loop3A_520, %gather3A_442 : vector<16xi32>
        %parallel_loop3A_522 = vector.broadcast %parallel_loop3A_519 : i32 to vector<16xi32>
        %parallel_loop3A_523 = arith.addi %gather3A_441, %parallel_loop3A_522 : vector<16xi32>
        %parallel_loop3A_524 = arith.constant 0 : i32
        %parallel_loop3A_525 = vector.broadcast %parallel_loop3A_524 : i32 to vector<16xi32>
        %parallel_loop3A_526 = arith.select %parallel_loop3A_521, %parallel_loop3A_523, %parallel_loop3A_525 : vector<16xi1>, vector<16xi32>
        %parallel_loop3A_527 = tpu.vector_load_idx %arg9[%parallel_loop3A_526] : memref<2048xf32, #tpu.memory_space<vmem>>[vector<16xi32>], vector<16xf32>,
        %parallel_loop3A_528 = tpu.vector_load_idx %arg10[%parallel_loop3A_526] : memref<2048xf32, #tpu.memory_space<vmem>>[vector<16xi32>], vector<16xf32>,
        %parallel_loop3A_529 = tpu.vector_load_idx %arg11[%parallel_loop3A_526] : memref<2048xf32, #tpu.memory_space<vmem>>[vector<16xi32>], vector<16xf32>,
        %parallel_loop3A_530 = arith.subf %gather3A_431, %parallel_loop3A_527 : vector<16xf32>
        %parallel_loop3A_531 = arith.subf %gather3A_435, %parallel_loop3A_528 : vector<16xf32>
        %parallel_loop3A_532 = arith.subf %gather3A_439, %parallel_loop3A_529 : vector<16xf32>
        %parallel_loop3A_533 = arith.mulf %parallel_loop3A_530, %parallel_loop3A_530 : vector<16xf32>
        %parallel_loop3A_534 = arith.mulf %parallel_loop3A_531, %parallel_loop3A_531 : vector<16xf32>
        %parallel_loop3A_535 = arith.addf %parallel_loop3A_533, %parallel_loop3A_534 : vector<16xf32>
        %parallel_loop3A_536 = arith.mulf %parallel_loop3A_532, %parallel_loop3A_532 : vector<16xf32>
        %parallel_loop3A_537 = arith.addf %parallel_loop3A_535, %parallel_loop3A_536 : vector<16xf32>
        %parallel_loop3A_538 = arith.constant 0x7F800000 : f32
        %parallel_loop3A_539 = vector.broadcast %parallel_loop3A_538 : f32 to vector<16xf32>
        %parallel_loop3A_540 = arith.select %parallel_loop3A_521, %parallel_loop3A_537, %parallel_loop3A_539 : vector<16xi1>, vector<16xf32>
        %parallel_loop3A_541 = arith.constant 1 : i32
        %parallel_loop3A_542 = arith.addi %parallel_loop3A_519, %parallel_loop3A_541 : i32
        %parallel_loop3A_543 = vector.broadcast %parallel_loop3A_542 : i32 to vector<16xi32>
        %parallel_loop3A_544 = arith.cmpi slt, %parallel_loop3A_543, %gather3A_442 : vector<16xi32>
        %parallel_loop3A_545 = vector.broadcast %parallel_loop3A_542 : i32 to vector<16xi32>
        %parallel_loop3A_546 = arith.addi %gather3A_441, %parallel_loop3A_545 : vector<16xi32>
        %parallel_loop3A_547 = arith.constant 0 : i32
        %parallel_loop3A_548 = vector.broadcast %parallel_loop3A_547 : i32 to vector<16xi32>
        %parallel_loop3A_549 = arith.select %parallel_loop3A_544, %parallel_loop3A_546, %parallel_loop3A_548 : vector<16xi1>, vector<16xi32>
        %parallel_loop3A_550 = tpu.vector_load_idx %arg9[%parallel_loop3A_549] : memref<2048xf32, #tpu.memory_space<vmem>>[vector<16xi32>], vector<16xf32>,
        %parallel_loop3A_551 = tpu.vector_load_idx %arg10[%parallel_loop3A_549] : memref<2048xf32, #tpu.memory_space<vmem>>[vector<16xi32>], vector<16xf32>,
        %parallel_loop3A_552 = tpu.vector_load_idx %arg11[%parallel_loop3A_549] : memref<2048xf32, #tpu.memory_space<vmem>>[vector<16xi32>], vector<16xf32>,
        %parallel_loop3A_553 = arith.subf %gather3A_431, %parallel_loop3A_550 : vector<16xf32>
        %parallel_loop3A_554 = arith.subf %gather3A_435, %parallel_loop3A_551 : vector<16xf32>
        %parallel_loop3A_555 = arith.subf %gather3A_439, %parallel_loop3A_552 : vector<16xf32>
        %parallel_loop3A_556 = arith.mulf %parallel_loop3A_553, %parallel_loop3A_553 : vector<16xf32>
        %parallel_loop3A_557 = arith.mulf %parallel_loop3A_554, %parallel_loop3A_554 : vector<16xf32>
        %parallel_loop3A_558 = arith.addf %parallel_loop3A_556, %parallel_loop3A_557 : vector<16xf32>
        %parallel_loop3A_559 = arith.mulf %parallel_loop3A_555, %parallel_loop3A_555 : vector<16xf32>
        %parallel_loop3A_560 = arith.addf %parallel_loop3A_558, %parallel_loop3A_559 : vector<16xf32>
        %parallel_loop3A_561 = arith.constant 0x7F800000 : f32
        %parallel_loop3A_562 = vector.broadcast %parallel_loop3A_561 : f32 to vector<16xf32>
        %parallel_loop3A_563 = arith.select %parallel_loop3A_544, %parallel_loop3A_560, %parallel_loop3A_562 : vector<16xi1>, vector<16xf32>
        %parallel_loop3A_564 = arith.cmpf olt, %parallel_loop3A_540, %parallel_loop3A_512 : vector<16xf32>
        %parallel_loop3A_565 = arith.cmpf olt, %parallel_loop3A_540, %parallel_loop3A_513 : vector<16xf32>
        %parallel_loop3A_566 = arith.cmpf olt, %parallel_loop3A_540, %parallel_loop3A_514 : vector<16xf32>
        %parallel_loop3A_567 = arith.select %parallel_loop3A_566, %parallel_loop3A_540, %parallel_loop3A_514 : vector<16xi1>, vector<16xf32>
        %parallel_loop3A_568 = arith.select %parallel_loop3A_565, %parallel_loop3A_513, %parallel_loop3A_567 : vector<16xi1>, vector<16xf32>
        %parallel_loop3A_569 = arith.select %parallel_loop3A_566, %parallel_loop3A_526, %parallel_loop3A_517 : vector<16xi1>, vector<16xi32>
        %parallel_loop3A_570 = arith.select %parallel_loop3A_565, %parallel_loop3A_516, %parallel_loop3A_569 : vector<16xi1>, vector<16xi32>
        %parallel_loop3A_571 = arith.select %parallel_loop3A_565, %parallel_loop3A_540, %parallel_loop3A_513 : vector<16xi1>, vector<16xf32>
        %parallel_loop3A_572 = arith.select %parallel_loop3A_564, %parallel_loop3A_512, %parallel_loop3A_571 : vector<16xi1>, vector<16xf32>
        %parallel_loop3A_573 = arith.select %parallel_loop3A_565, %parallel_loop3A_526, %parallel_loop3A_516 : vector<16xi1>, vector<16xi32>
        %parallel_loop3A_574 = arith.select %parallel_loop3A_564, %parallel_loop3A_515, %parallel_loop3A_573 : vector<16xi1>, vector<16xi32>
        %parallel_loop3A_575 = arith.select %parallel_loop3A_564, %parallel_loop3A_540, %parallel_loop3A_512 : vector<16xi1>, vector<16xf32>
        %parallel_loop3A_576 = arith.select %parallel_loop3A_564, %parallel_loop3A_526, %parallel_loop3A_515 : vector<16xi1>, vector<16xi32>
        %parallel_loop3A_577 = arith.cmpf olt, %parallel_loop3A_563, %parallel_loop3A_575 : vector<16xf32>
        %parallel_loop3A_578 = arith.cmpf olt, %parallel_loop3A_563, %parallel_loop3A_572 : vector<16xf32>
        %parallel_loop3A_579 = arith.cmpf olt, %parallel_loop3A_563, %parallel_loop3A_568 : vector<16xf32>
        %parallel_loop3A_580 = arith.select %parallel_loop3A_579, %parallel_loop3A_563, %parallel_loop3A_568 : vector<16xi1>, vector<16xf32>
        %parallel_loop3A_581 = arith.select %parallel_loop3A_578, %parallel_loop3A_572, %parallel_loop3A_580 : vector<16xi1>, vector<16xf32>
        %parallel_loop3A_582 = arith.select %parallel_loop3A_579, %parallel_loop3A_549, %parallel_loop3A_570 : vector<16xi1>, vector<16xi32>
        %parallel_loop3A_583 = arith.select %parallel_loop3A_578, %parallel_loop3A_574, %parallel_loop3A_582 : vector<16xi1>, vector<16xi32>
        %parallel_loop3A_584 = arith.select %parallel_loop3A_578, %parallel_loop3A_563, %parallel_loop3A_572 : vector<16xi1>, vector<16xf32>
        %parallel_loop3A_585 = arith.select %parallel_loop3A_577, %parallel_loop3A_575, %parallel_loop3A_584 : vector<16xi1>, vector<16xf32>
        %parallel_loop3A_586 = arith.select %parallel_loop3A_578, %parallel_loop3A_549, %parallel_loop3A_574 : vector<16xi1>, vector<16xi32>
        %parallel_loop3A_587 = arith.select %parallel_loop3A_577, %parallel_loop3A_576, %parallel_loop3A_586 : vector<16xi1>, vector<16xi32>
        %parallel_loop3A_588 = arith.select %parallel_loop3A_577, %parallel_loop3A_563, %parallel_loop3A_575 : vector<16xi1>, vector<16xf32>
        %parallel_loop3A_589 = arith.select %parallel_loop3A_577, %parallel_loop3A_549, %parallel_loop3A_576 : vector<16xi1>, vector<16xi32>
        scf.yield %parallel_loop3A_588, %parallel_loop3A_585, %parallel_loop3A_581, %parallel_loop3A_589, %parallel_loop3A_587, %parallel_loop3A_583 : vector<16xf32>, vector<16xf32>, vector<16xf32>, vector<16xi32>, vector<16xi32>, vector<16xi32>
      } {sc.loop_unroll_factor = 2 : i64, sc.parallel_access}
      %max3A = arith.constant 1.000000e-16 : f32
      %max3A_473 = vector.broadcast %max3A : f32 to vector<16xf32>
      %max3A_474 = arith.maximumf %parallel_loop3A_472#0, %max3A_473 : vector<16xf32>
      %div3A_475 = arith.constant 1.000000e+00 : f32
      %div3A_476 = vector.broadcast %div3A_475 : f32 to vector<16xf32>
      %div3A_477 = arith.divf %div3A_476, %max3A_474 : vector<16xf32>
      %max3A_478 = arith.constant 1.000000e-16 : f32
      %max3A_479 = vector.broadcast %max3A_478 : f32 to vector<16xf32>
      %max3A_480 = arith.maximumf %parallel_loop3A_472#1, %max3A_479 : vector<16xf32>
      %div3A_481 = arith.constant 1.000000e+00 : f32
      %div3A_482 = vector.broadcast %div3A_481 : f32 to vector<16xf32>
      %div3A_483 = arith.divf %div3A_482, %max3A_480 : vector<16xf32>
      %max3A_484 = arith.constant 1.000000e-16 : f32
      %max3A_485 = vector.broadcast %max3A_484 : f32 to vector<16xf32>
      %max3A_486 = arith.maximumf %parallel_loop3A_472#2, %max3A_485 : vector<16xf32>
      %div3A_487 = arith.constant 1.000000e+00 : f32
      %div3A_488 = vector.broadcast %div3A_487 : f32 to vector<16xf32>
      %div3A_489 = arith.divf %div3A_488, %max3A_486 : vector<16xf32>
      %add3A_490 = arith.addf %div3A_477, %div3A_483 : vector<16xf32>
      %add3A_491 = arith.addf %add3A_490, %div3A_489 : vector<16xf32>
      %div3A_492 = arith.constant 1.000000e+00 : f32
      %div3A_493 = vector.broadcast %div3A_492 : f32 to vector<16xf32>
      %div3A_494 = arith.divf %div3A_493, %add3A_491 : vector<16xf32>
      %mul3A_495 = arith.mulf %div3A_477, %div3A_494 : vector<16xf32>
      %swap3A_496 = arith.index_cast %mul3A_425 : i32 to index
      %swap3A_497 = tpu.vector_load %arg20[%swap3A_496] {strides = array<i32>} : memref<256xf32, #tpu.memory_space<vmem>>, vector<16xf32>,
      tpu.vector_store %arg20[%swap3A_496], %mul3A_495 {strides = array<i32>} : memref<256xf32, #tpu.memory_space<vmem>>, vector<16xf32>,
      %mul3A_498 = arith.mulf %div3A_483, %div3A_494 : vector<16xf32>
      %swap3A_499 = arith.index_cast %mul3A_425 : i32 to index
      %swap3A_500 = tpu.vector_load %arg21[%swap3A_499] {strides = array<i32>} : memref<256xf32, #tpu.memory_space<vmem>>, vector<16xf32>,
      tpu.vector_store %arg21[%swap3A_499], %mul3A_498 {strides = array<i32>} : memref<256xf32, #tpu.memory_space<vmem>>, vector<16xf32>,
      %mul3A_501 = arith.mulf %div3A_489, %div3A_494 : vector<16xf32>
      %swap3A_502 = arith.index_cast %mul3A_425 : i32 to index
      %swap3A_503 = tpu.vector_load %arg22[%swap3A_502] {strides = array<i32>} : memref<256xf32, #tpu.memory_space<vmem>>, vector<16xf32>,
      tpu.vector_store %arg22[%swap3A_502], %mul3A_501 {strides = array<i32>} : memref<256xf32, #tpu.memory_space<vmem>>, vector<16xf32>,
      %swap3A_504 = arith.index_cast %mul3A_425 : i32 to index
      %swap3A_505 = tpu.vector_load %arg17[%swap3A_504] {strides = array<i32>} : memref<256xi32, #tpu.memory_space<vmem>>, vector<16xi32>,
      tpu.vector_store %arg17[%swap3A_504], %parallel_loop3A_472#3 {strides = array<i32>} : memref<256xi32, #tpu.memory_space<vmem>>, vector<16xi32>,
      %swap3A_506 = arith.index_cast %mul3A_425 : i32 to index
      %swap3A_507 = tpu.vector_load %arg18[%swap3A_506] {strides = array<i32>} : memref<256xi32, #tpu.memory_space<vmem>>, vector<16xi32>,
      tpu.vector_store %arg18[%swap3A_506], %parallel_loop3A_472#4 {strides = array<i32>} : memref<256xi32, #tpu.memory_space<vmem>>, vector<16xi32>,
      %swap3A_508 = arith.index_cast %mul3A_425 : i32 to index
      %swap3A_509 = tpu.vector_load %arg19[%swap3A_508] {strides = array<i32>} : memref<256xi32, #tpu.memory_space<vmem>>, vector<16xi32>,
      tpu.vector_store %arg19[%swap3A_508], %parallel_loop3A_472#5 {strides = array<i32>} : memref<256xi32, #tpu.memory_space<vmem>>, vector<16xi32>,
      %scan3A_510 = arith.constant 0 : i32
      scf.yield %scan3A_510 : i32
    }
    %scan3A_360 = arith.constant 8 : i32
    %dma_wait3A_361 = arith.constant 0 : i32
    %dma_wait3A_362 = tpu.memref_slice %arg17[%dma_wait3A_361] : memref<256xi32, #tpu.memory_space<vmem>> -> memref<128xi32, #tpu.memory_space<vmem>>
    %dma_wait3A_363 = arith.constant 0 : i32
    %dma_wait3A_364 = arith.constant 0 : i32
    %dma_wait3A_365 = tpu.memref_slice %arg6[%dma_wait3A_363, %dma_wait3A_364] : memref<2048x128xf32, #tpu.memory_space<hbm>> -> memref<2048x128xf32, #tpu.memory_space<hbm>>
    tpu.wait_indirect_dma semaphore(%arg28 : memref<!tpu.dma_semaphore, #tpu.memory_space<semaphore_mem>>) src(%dma_wait3A_365 : memref<2048x128xf32, #tpu.memory_space<hbm>>) dst(%arg23 : memref<128x128xf32, #tpu.memory_space<vmem>>)
    %dma_wait3A_366 = arith.constant 0 : i32
    %dma_wait3A_367 = tpu.memref_slice %arg18[%dma_wait3A_366] : memref<256xi32, #tpu.memory_space<vmem>> -> memref<128xi32, #tpu.memory_space<vmem>>
    %dma_wait3A_368 = arith.constant 0 : i32
    %dma_wait3A_369 = arith.constant 0 : i32
    %dma_wait3A_370 = tpu.memref_slice %arg6[%dma_wait3A_368, %dma_wait3A_369] : memref<2048x128xf32, #tpu.memory_space<hbm>> -> memref<2048x128xf32, #tpu.memory_space<hbm>>
    tpu.wait_indirect_dma semaphore(%arg28 : memref<!tpu.dma_semaphore, #tpu.memory_space<semaphore_mem>>) src(%dma_wait3A_370 : memref<2048x128xf32, #tpu.memory_space<hbm>>) dst(%arg24 : memref<128x128xf32, #tpu.memory_space<vmem>>)
    %dma_wait3A_371 = arith.constant 0 : i32
    %dma_wait3A_372 = tpu.memref_slice %arg19[%dma_wait3A_371] : memref<256xi32, #tpu.memory_space<vmem>> -> memref<128xi32, #tpu.memory_space<vmem>>
    %dma_wait3A_373 = arith.constant 0 : i32
    %dma_wait3A_374 = arith.constant 0 : i32
    %dma_wait3A_375 = tpu.memref_slice %arg6[%dma_wait3A_373, %dma_wait3A_374] : memref<2048x128xf32, #tpu.memory_space<hbm>> -> memref<2048x128xf32, #tpu.memory_space<hbm>>
    tpu.wait_indirect_dma semaphore(%arg28 : memref<!tpu.dma_semaphore, #tpu.memory_space<semaphore_mem>>) src(%dma_wait3A_375 : memref<2048x128xf32, #tpu.memory_space<hbm>>) dst(%arg25 : memref<128x128xf32, #tpu.memory_space<vmem>>)
    %parallel_loop3A_376 = arith.constant 0 : i32
    %parallel_loop3A_377 = arith.constant 128 : i32
    %parallel_loop3A_378 = arith.constant 1 : i32
    scf.for %parallel_loop3A_422 = %parallel_loop3A_376 to %parallel_loop3A_377 step %parallel_loop3A_378  : i32 {
      %parallel_loop3A_423 = arith.constant 0 : i32
      %parallel_loop3A_424 = arith.addi %parallel_loop3A_423, %parallel_loop3A_422 : i32
      %parallel_loop3A_425 = vector.broadcast %parallel_loop3A_424 : i32 to vector<16xi32>
      %parallel_loop3A_426 = tpu.vector_load_idx %arg20[%parallel_loop3A_425] : memref<256xf32, #tpu.memory_space<vmem>>[vector<16xi32>], vector<16xf32>,
      %parallel_loop3A_427 = tpu.vector_load_idx %arg21[%parallel_loop3A_425] : memref<256xf32, #tpu.memory_space<vmem>>[vector<16xi32>], vector<16xf32>,
      %parallel_loop3A_428 = tpu.vector_load_idx %arg22[%parallel_loop3A_425] : memref<256xf32, #tpu.memory_space<vmem>>[vector<16xi32>], vector<16xf32>,
      %parallel_loop3A_429 = arith.index_cast %parallel_loop3A_422 : i32 to index
      %parallel_loop3A_430 = arith.constant 0 : index
      %parallel_loop3A_431 = tpu.vector_load %arg23[%parallel_loop3A_429, %parallel_loop3A_430] {strides = array<i32>} : memref<128x128xf32, #tpu.memory_space<vmem>>, vector<16xf32>,
      %parallel_loop3A_432 = arith.mulf %parallel_loop3A_426, %parallel_loop3A_431 : vector<16xf32>
      %parallel_loop3A_433 = arith.index_cast %parallel_loop3A_422 : i32 to index
      %parallel_loop3A_434 = arith.constant 0 : index
      %parallel_loop3A_435 = tpu.vector_load %arg24[%parallel_loop3A_433, %parallel_loop3A_434] {strides = array<i32>} : memref<128x128xf32, #tpu.memory_space<vmem>>, vector<16xf32>,
      %parallel_loop3A_436 = arith.mulf %parallel_loop3A_427, %parallel_loop3A_435 : vector<16xf32>
      %parallel_loop3A_437 = arith.addf %parallel_loop3A_432, %parallel_loop3A_436 : vector<16xf32>
      %parallel_loop3A_438 = arith.index_cast %parallel_loop3A_422 : i32 to index
      %parallel_loop3A_439 = arith.constant 0 : index
      %parallel_loop3A_440 = tpu.vector_load %arg25[%parallel_loop3A_438, %parallel_loop3A_439] {strides = array<i32>} : memref<128x128xf32, #tpu.memory_space<vmem>>, vector<16xf32>,
      %parallel_loop3A_441 = arith.mulf %parallel_loop3A_428, %parallel_loop3A_440 : vector<16xf32>
      %parallel_loop3A_442 = arith.addf %parallel_loop3A_437, %parallel_loop3A_441 : vector<16xf32>
      %parallel_loop3A_443 = arith.index_cast %parallel_loop3A_422 : i32 to index
      %parallel_loop3A_444 = arith.constant 0 : index
      %parallel_loop3A_445 = tpu.vector_load %arg26[%parallel_loop3A_443, %parallel_loop3A_444] {strides = array<i32>} : memref<128x128xf32, #tpu.memory_space<vmem>>, vector<16xf32>,
      tpu.vector_store %arg26[%parallel_loop3A_443, %parallel_loop3A_444], %parallel_loop3A_442 {strides = array<i32>} : memref<128x128xf32, #tpu.memory_space<vmem>>, vector<16xf32>,
      %parallel_loop3A_446 = arith.index_cast %parallel_loop3A_422 : i32 to index
      %parallel_loop3A_447 = arith.constant 16 : index
      %parallel_loop3A_448 = tpu.vector_load %arg23[%parallel_loop3A_446, %parallel_loop3A_447] {strides = array<i32>} : memref<128x128xf32, #tpu.memory_space<vmem>>, vector<16xf32>,
      %parallel_loop3A_449 = arith.mulf %parallel_loop3A_426, %parallel_loop3A_448 : vector<16xf32>
      %parallel_loop3A_450 = arith.index_cast %parallel_loop3A_422 : i32 to index
      %parallel_loop3A_451 = arith.constant 16 : index
      %parallel_loop3A_452 = tpu.vector_load %arg24[%parallel_loop3A_450, %parallel_loop3A_451] {strides = array<i32>} : memref<128x128xf32, #tpu.memory_space<vmem>>, vector<16xf32>,
      %parallel_loop3A_453 = arith.mulf %parallel_loop3A_427, %parallel_loop3A_452 : vector<16xf32>
      %parallel_loop3A_454 = arith.addf %parallel_loop3A_449, %parallel_loop3A_453 : vector<16xf32>
      %parallel_loop3A_455 = arith.index_cast %parallel_loop3A_422 : i32 to index
      %parallel_loop3A_456 = arith.constant 16 : index
      %parallel_loop3A_457 = tpu.vector_load %arg25[%parallel_loop3A_455, %parallel_loop3A_456] {strides = array<i32>} : memref<128x128xf32, #tpu.memory_space<vmem>>, vector<16xf32>,
      %parallel_loop3A_458 = arith.mulf %parallel_loop3A_428, %parallel_loop3A_457 : vector<16xf32>
      %parallel_loop3A_459 = arith.addf %parallel_loop3A_454, %parallel_loop3A_458 : vector<16xf32>
      %parallel_loop3A_460 = arith.index_cast %parallel_loop3A_422 : i32 to index
      %parallel_loop3A_461 = arith.constant 16 : index
      %parallel_loop3A_462 = tpu.vector_load %arg26[%parallel_loop3A_460, %parallel_loop3A_461] {strides = array<i32>} : memref<128x128xf32, #tpu.memory_space<vmem>>, vector<16xf32>,
      tpu.vector_store %arg26[%parallel_loop3A_460, %parallel_loop3A_461], %parallel_loop3A_459 {strides = array<i32>} : memref<128x128xf32, #tpu.memory_space<vmem>>, vector<16xf32>,
      %parallel_loop3A_463 = arith.index_cast %parallel_loop3A_422 : i32 to index
      %parallel_loop3A_464 = arith.constant 32 : index
      %parallel_loop3A_465 = tpu.vector_load %arg23[%parallel_loop3A_463, %parallel_loop3A_464] {strides = array<i32>} : memref<128x128xf32, #tpu.memory_space<vmem>>, vector<16xf32>,
      %parallel_loop3A_466 = arith.mulf %parallel_loop3A_426, %parallel_loop3A_465 : vector<16xf32>
      %parallel_loop3A_467 = arith.index_cast %parallel_loop3A_422 : i32 to index
      %parallel_loop3A_468 = arith.constant 32 : index
      %parallel_loop3A_469 = tpu.vector_load %arg24[%parallel_loop3A_467, %parallel_loop3A_468] {strides = array<i32>} : memref<128x128xf32, #tpu.memory_space<vmem>>, vector<16xf32>,
      %parallel_loop3A_470 = arith.mulf %parallel_loop3A_427, %parallel_loop3A_469 : vector<16xf32>
      %parallel_loop3A_471 = arith.addf %parallel_loop3A_466, %parallel_loop3A_470 : vector<16xf32>
      %parallel_loop3A_472 = arith.index_cast %parallel_loop3A_422 : i32 to index
      %parallel_loop3A_473 = arith.constant 32 : index
      %parallel_loop3A_474 = tpu.vector_load %arg25[%parallel_loop3A_472, %parallel_loop3A_473] {strides = array<i32>} : memref<128x128xf32, #tpu.memory_space<vmem>>, vector<16xf32>,
      %parallel_loop3A_475 = arith.mulf %parallel_loop3A_428, %parallel_loop3A_474 : vector<16xf32>
      %parallel_loop3A_476 = arith.addf %parallel_loop3A_471, %parallel_loop3A_475 : vector<16xf32>
      %parallel_loop3A_477 = arith.index_cast %parallel_loop3A_422 : i32 to index
      %parallel_loop3A_478 = arith.constant 32 : index
      %parallel_loop3A_479 = tpu.vector_load %arg26[%parallel_loop3A_477, %parallel_loop3A_478] {strides = array<i32>} : memref<128x128xf32, #tpu.memory_space<vmem>>, vector<16xf32>,
      tpu.vector_store %arg26[%parallel_loop3A_477, %parallel_loop3A_478], %parallel_loop3A_476 {strides = array<i32>} : memref<128x128xf32, #tpu.memory_space<vmem>>, vector<16xf32>,
      %parallel_loop3A_480 = arith.index_cast %parallel_loop3A_422 : i32 to index
      %parallel_loop3A_481 = arith.constant 48 : index
      %parallel_loop3A_482 = tpu.vector_load %arg23[%parallel_loop3A_480, %parallel_loop3A_481] {strides = array<i32>} : memref<128x128xf32, #tpu.memory_space<vmem>>, vector<16xf32>,
      %parallel_loop3A_483 = arith.mulf %parallel_loop3A_426, %parallel_loop3A_482 : vector<16xf32>
      %parallel_loop3A_484 = arith.index_cast %parallel_loop3A_422 : i32 to index
      %parallel_loop3A_485 = arith.constant 48 : index
      %parallel_loop3A_486 = tpu.vector_load %arg24[%parallel_loop3A_484, %parallel_loop3A_485] {strides = array<i32>} : memref<128x128xf32, #tpu.memory_space<vmem>>, vector<16xf32>,
      %parallel_loop3A_487 = arith.mulf %parallel_loop3A_427, %parallel_loop3A_486 : vector<16xf32>
      %parallel_loop3A_488 = arith.addf %parallel_loop3A_483, %parallel_loop3A_487 : vector<16xf32>
      %parallel_loop3A_489 = arith.index_cast %parallel_loop3A_422 : i32 to index
      %parallel_loop3A_490 = arith.constant 48 : index
      %parallel_loop3A_491 = tpu.vector_load %arg25[%parallel_loop3A_489, %parallel_loop3A_490] {strides = array<i32>} : memref<128x128xf32, #tpu.memory_space<vmem>>, vector<16xf32>,
      %parallel_loop3A_492 = arith.mulf %parallel_loop3A_428, %parallel_loop3A_491 : vector<16xf32>
      %parallel_loop3A_493 = arith.addf %parallel_loop3A_488, %parallel_loop3A_492 : vector<16xf32>
      %parallel_loop3A_494 = arith.index_cast %parallel_loop3A_422 : i32 to index
      %parallel_loop3A_495 = arith.constant 48 : index
      %parallel_loop3A_496 = tpu.vector_load %arg26[%parallel_loop3A_494, %parallel_loop3A_495] {strides = array<i32>} : memref<128x128xf32, #tpu.memory_space<vmem>>, vector<16xf32>,
      tpu.vector_store %arg26[%parallel_loop3A_494, %parallel_loop3A_495], %parallel_loop3A_493 {strides = array<i32>} : memref<128x128xf32, #tpu.memory_space<vmem>>, vector<16xf32>,
      %parallel_loop3A_497 = arith.index_cast %parallel_loop3A_422 : i32 to index
      %parallel_loop3A_498 = arith.constant 64 : index
      %parallel_loop3A_499 = tpu.vector_load %arg23[%parallel_loop3A_497, %parallel_loop3A_498] {strides = array<i32>} : memref<128x128xf32, #tpu.memory_space<vmem>>, vector<16xf32>,
      %parallel_loop3A_500 = arith.mulf %parallel_loop3A_426, %parallel_loop3A_499 : vector<16xf32>
      %parallel_loop3A_501 = arith.index_cast %parallel_loop3A_422 : i32 to index
      %parallel_loop3A_502 = arith.constant 64 : index
      %parallel_loop3A_503 = tpu.vector_load %arg24[%parallel_loop3A_501, %parallel_loop3A_502] {strides = array<i32>} : memref<128x128xf32, #tpu.memory_space<vmem>>, vector<16xf32>,
      %parallel_loop3A_504 = arith.mulf %parallel_loop3A_427, %parallel_loop3A_503 : vector<16xf32>
      %parallel_loop3A_505 = arith.addf %parallel_loop3A_500, %parallel_loop3A_504 : vector<16xf32>
      %parallel_loop3A_506 = arith.index_cast %parallel_loop3A_422 : i32 to index
      %parallel_loop3A_507 = arith.constant 64 : index
      %parallel_loop3A_508 = tpu.vector_load %arg25[%parallel_loop3A_506, %parallel_loop3A_507] {strides = array<i32>} : memref<128x128xf32, #tpu.memory_space<vmem>>, vector<16xf32>,
      %parallel_loop3A_509 = arith.mulf %parallel_loop3A_428, %parallel_loop3A_508 : vector<16xf32>
      %parallel_loop3A_510 = arith.addf %parallel_loop3A_505, %parallel_loop3A_509 : vector<16xf32>
      %parallel_loop3A_511 = arith.index_cast %parallel_loop3A_422 : i32 to index
      %parallel_loop3A_512 = arith.constant 64 : index
      %parallel_loop3A_513 = tpu.vector_load %arg26[%parallel_loop3A_511, %parallel_loop3A_512] {strides = array<i32>} : memref<128x128xf32, #tpu.memory_space<vmem>>, vector<16xf32>,
      tpu.vector_store %arg26[%parallel_loop3A_511, %parallel_loop3A_512], %parallel_loop3A_510 {strides = array<i32>} : memref<128x128xf32, #tpu.memory_space<vmem>>, vector<16xf32>,
      %parallel_loop3A_514 = arith.index_cast %parallel_loop3A_422 : i32 to index
      %parallel_loop3A_515 = arith.constant 80 : index
      %parallel_loop3A_516 = tpu.vector_load %arg23[%parallel_loop3A_514, %parallel_loop3A_515] {strides = array<i32>} : memref<128x128xf32, #tpu.memory_space<vmem>>, vector<16xf32>,
      %parallel_loop3A_517 = arith.mulf %parallel_loop3A_426, %parallel_loop3A_516 : vector<16xf32>
      %parallel_loop3A_518 = arith.index_cast %parallel_loop3A_422 : i32 to index
      %parallel_loop3A_519 = arith.constant 80 : index
      %parallel_loop3A_520 = tpu.vector_load %arg24[%parallel_loop3A_518, %parallel_loop3A_519] {strides = array<i32>} : memref<128x128xf32, #tpu.memory_space<vmem>>, vector<16xf32>,
      %parallel_loop3A_521 = arith.mulf %parallel_loop3A_427, %parallel_loop3A_520 : vector<16xf32>
      %parallel_loop3A_522 = arith.addf %parallel_loop3A_517, %parallel_loop3A_521 : vector<16xf32>
      %parallel_loop3A_523 = arith.index_cast %parallel_loop3A_422 : i32 to index
      %parallel_loop3A_524 = arith.constant 80 : index
      %parallel_loop3A_525 = tpu.vector_load %arg25[%parallel_loop3A_523, %parallel_loop3A_524] {strides = array<i32>} : memref<128x128xf32, #tpu.memory_space<vmem>>, vector<16xf32>,
      %parallel_loop3A_526 = arith.mulf %parallel_loop3A_428, %parallel_loop3A_525 : vector<16xf32>
      %parallel_loop3A_527 = arith.addf %parallel_loop3A_522, %parallel_loop3A_526 : vector<16xf32>
      %parallel_loop3A_528 = arith.index_cast %parallel_loop3A_422 : i32 to index
      %parallel_loop3A_529 = arith.constant 80 : index
      %parallel_loop3A_530 = tpu.vector_load %arg26[%parallel_loop3A_528, %parallel_loop3A_529] {strides = array<i32>} : memref<128x128xf32, #tpu.memory_space<vmem>>, vector<16xf32>,
      tpu.vector_store %arg26[%parallel_loop3A_528, %parallel_loop3A_529], %parallel_loop3A_527 {strides = array<i32>} : memref<128x128xf32, #tpu.memory_space<vmem>>, vector<16xf32>,
      %parallel_loop3A_531 = arith.index_cast %parallel_loop3A_422 : i32 to index
      %parallel_loop3A_532 = arith.constant 96 : index
      %parallel_loop3A_533 = tpu.vector_load %arg23[%parallel_loop3A_531, %parallel_loop3A_532] {strides = array<i32>} : memref<128x128xf32, #tpu.memory_space<vmem>>, vector<16xf32>,
      %parallel_loop3A_534 = arith.mulf %parallel_loop3A_426, %parallel_loop3A_533 : vector<16xf32>
      %parallel_loop3A_535 = arith.index_cast %parallel_loop3A_422 : i32 to index
      %parallel_loop3A_536 = arith.constant 96 : index
      %parallel_loop3A_537 = tpu.vector_load %arg24[%parallel_loop3A_535, %parallel_loop3A_536] {strides = array<i32>} : memref<128x128xf32, #tpu.memory_space<vmem>>, vector<16xf32>,
      %parallel_loop3A_538 = arith.mulf %parallel_loop3A_427, %parallel_loop3A_537 : vector<16xf32>
      %parallel_loop3A_539 = arith.addf %parallel_loop3A_534, %parallel_loop3A_538 : vector<16xf32>
      %parallel_loop3A_540 = arith.index_cast %parallel_loop3A_422 : i32 to index
      %parallel_loop3A_541 = arith.constant 96 : index
      %parallel_loop3A_542 = tpu.vector_load %arg25[%parallel_loop3A_540, %parallel_loop3A_541] {strides = array<i32>} : memref<128x128xf32, #tpu.memory_space<vmem>>, vector<16xf32>,
      %parallel_loop3A_543 = arith.mulf %parallel_loop3A_428, %parallel_loop3A_542 : vector<16xf32>
      %parallel_loop3A_544 = arith.addf %parallel_loop3A_539, %parallel_loop3A_543 : vector<16xf32>
      %parallel_loop3A_545 = arith.index_cast %parallel_loop3A_422 : i32 to index
      %parallel_loop3A_546 = arith.constant 96 : index
      %parallel_loop3A_547 = tpu.vector_load %arg26[%parallel_loop3A_545, %parallel_loop3A_546] {strides = array<i32>} : memref<128x128xf32, #tpu.memory_space<vmem>>, vector<16xf32>,
      tpu.vector_store %arg26[%parallel_loop3A_545, %parallel_loop3A_546], %parallel_loop3A_544 {strides = array<i32>} : memref<128x128xf32, #tpu.memory_space<vmem>>, vector<16xf32>,
      %parallel_loop3A_548 = arith.index_cast %parallel_loop3A_422 : i32 to index
      %parallel_loop3A_549 = arith.constant 112 : index
      %parallel_loop3A_550 = tpu.vector_load %arg23[%parallel_loop3A_548, %parallel_loop3A_549] {strides = array<i32>} : memref<128x128xf32, #tpu.memory_space<vmem>>, vector<16xf32>,
      %parallel_loop3A_551 = arith.mulf %parallel_loop3A_426, %parallel_loop3A_550 : vector<16xf32>
      %parallel_loop3A_552 = arith.index_cast %parallel_loop3A_422 : i32 to index
      %parallel_loop3A_553 = arith.constant 112 : index
      %parallel_loop3A_554 = tpu.vector_load %arg24[%parallel_loop3A_552, %parallel_loop3A_553] {strides = array<i32>} : memref<128x128xf32, #tpu.memory_space<vmem>>, vector<16xf32>,
      %parallel_loop3A_555 = arith.mulf %parallel_loop3A_427, %parallel_loop3A_554 : vector<16xf32>
      %parallel_loop3A_556 = arith.addf %parallel_loop3A_551, %parallel_loop3A_555 : vector<16xf32>
      %parallel_loop3A_557 = arith.index_cast %parallel_loop3A_422 : i32 to index
      %parallel_loop3A_558 = arith.constant 112 : index
      %parallel_loop3A_559 = tpu.vector_load %arg25[%parallel_loop3A_557, %parallel_loop3A_558] {strides = array<i32>} : memref<128x128xf32, #tpu.memory_space<vmem>>, vector<16xf32>,
      %parallel_loop3A_560 = arith.mulf %parallel_loop3A_428, %parallel_loop3A_559 : vector<16xf32>
      %parallel_loop3A_561 = arith.addf %parallel_loop3A_556, %parallel_loop3A_560 : vector<16xf32>
      %parallel_loop3A_562 = arith.index_cast %parallel_loop3A_422 : i32 to index
      %parallel_loop3A_563 = arith.constant 112 : index
      %parallel_loop3A_564 = tpu.vector_load %arg26[%parallel_loop3A_562, %parallel_loop3A_563] {strides = array<i32>} : memref<128x128xf32, #tpu.memory_space<vmem>>, vector<16xf32>,
      tpu.vector_store %arg26[%parallel_loop3A_562, %parallel_loop3A_563], %parallel_loop3A_561 {strides = array<i32>} : memref<128x128xf32, #tpu.memory_space<vmem>>, vector<16xf32>,
    } {sc.loop_unroll_factor = 4 : i64, sc.parallel_access}
    %dma_start3A_379 = arith.constant 128 : i32
    %dma_start3A_380 = tpu.memref_slice %arg17[%dma_start3A_379] : memref<256xi32, #tpu.memory_space<vmem>> -> memref<128xi32, #tpu.memory_space<vmem>>
    %dma_start3A_381 = arith.constant 0 : i32
    %dma_start3A_382 = arith.constant 0 : i32
    %dma_start3A_383 = tpu.memref_slice %arg6[%dma_start3A_381, %dma_start3A_382] : memref<2048x128xf32, #tpu.memory_space<hbm>> -> memref<2048x128xf32, #tpu.memory_space<hbm>>
    tpu.enqueue_indirect_dma source(%dma_start3A_383 : memref<2048x128xf32, #tpu.memory_space<hbm>>) target(%arg23 : memref<128x128xf32, #tpu.memory_space<vmem>>) offsets(%dma_start3A_380 : memref<128xi32, #tpu.memory_space<vmem>>) semaphore(%arg28 : memref<!tpu.dma_semaphore, #tpu.memory_space<semaphore_mem>>)
    %dma_start3A_384 = arith.constant 128 : i32
    %dma_start3A_385 = tpu.memref_slice %arg18[%dma_start3A_384] : memref<256xi32, #tpu.memory_space<vmem>> -> memref<128xi32, #tpu.memory_space<vmem>>
    %dma_start3A_386 = arith.constant 0 : i32
    %dma_start3A_387 = arith.constant 0 : i32
    %dma_start3A_388 = tpu.memref_slice %arg6[%dma_start3A_386, %dma_start3A_387] : memref<2048x128xf32, #tpu.memory_space<hbm>> -> memref<2048x128xf32, #tpu.memory_space<hbm>>
    tpu.enqueue_indirect_dma source(%dma_start3A_388 : memref<2048x128xf32, #tpu.memory_space<hbm>>) target(%arg24 : memref<128x128xf32, #tpu.memory_space<vmem>>) offsets(%dma_start3A_385 : memref<128xi32, #tpu.memory_space<vmem>>) semaphore(%arg28 : memref<!tpu.dma_semaphore, #tpu.memory_space<semaphore_mem>>)
    %dma_start3A_389 = arith.constant 128 : i32
    %dma_start3A_390 = tpu.memref_slice %arg19[%dma_start3A_389] : memref<256xi32, #tpu.memory_space<vmem>> -> memref<128xi32, #tpu.memory_space<vmem>>
    %dma_start3A_391 = arith.constant 0 : i32
    %dma_start3A_392 = arith.constant 0 : i32
    %dma_start3A_393 = tpu.memref_slice %arg6[%dma_start3A_391, %dma_start3A_392] : memref<2048x128xf32, #tpu.memory_space<hbm>> -> memref<2048x128xf32, #tpu.memory_space<hbm>>
    tpu.enqueue_indirect_dma source(%dma_start3A_393 : memref<2048x128xf32, #tpu.memory_space<hbm>>) target(%arg25 : memref<128x128xf32, #tpu.memory_space<vmem>>) offsets(%dma_start3A_390 : memref<128xi32, #tpu.memory_space<vmem>>) semaphore(%arg28 : memref<!tpu.dma_semaphore, #tpu.memory_space<semaphore_mem>>)
    %dma_start3A_394 = arith.constant 0 : i32
    %dma_start3A_395 = tpu.memref_slice %arg7[%mul3A_2, %dma_start3A_394] : memref<8192x128xf32, #tpu.memory_space<hbm>> -> memref<128x128xf32, #tpu.memory_space<hbm>>
    %dma_start3A_396 = arith.constant 0 : i32
    %dma_start3A_397 = tpu.memref_slice %arg7[%mul3A_2, %dma_start3A_396] : memref<8192x128xf32, #tpu.memory_space<hbm>> -> memref<128x128xf32, #tpu.memory_space<hbm>>
    tpu.enqueue_dma source(%arg26 : memref<128x128xf32, #tpu.memory_space<vmem>>) target(%dma_start3A_397 : memref<128x128xf32, #tpu.memory_space<hbm>>) target_semaphore(%arg29 : memref<!tpu.dma_semaphore, #tpu.memory_space<semaphore_mem>>)
    %dma_wait3A_398 = arith.constant 128 : i32
    %dma_wait3A_399 = tpu.memref_slice %arg17[%dma_wait3A_398] : memref<256xi32, #tpu.memory_space<vmem>> -> memref<128xi32, #tpu.memory_space<vmem>>
    %dma_wait3A_400 = arith.constant 0 : i32
    %dma_wait3A_401 = arith.constant 0 : i32
    %dma_wait3A_402 = tpu.memref_slice %arg6[%dma_wait3A_400, %dma_wait3A_401] : memref<2048x128xf32, #tpu.memory_space<hbm>> -> memref<2048x128xf32, #tpu.memory_space<hbm>>
    tpu.wait_indirect_dma semaphore(%arg28 : memref<!tpu.dma_semaphore, #tpu.memory_space<semaphore_mem>>) src(%dma_wait3A_402 : memref<2048x128xf32, #tpu.memory_space<hbm>>) dst(%arg23 : memref<128x128xf32, #tpu.memory_space<vmem>>)
    %dma_wait3A_403 = arith.constant 128 : i32
    %dma_wait3A_404 = tpu.memref_slice %arg18[%dma_wait3A_403] : memref<256xi32, #tpu.memory_space<vmem>> -> memref<128xi32, #tpu.memory_space<vmem>>
    %dma_wait3A_405 = arith.constant 0 : i32
    %dma_wait3A_406 = arith.constant 0 : i32
    %dma_wait3A_407 = tpu.memref_slice %arg6[%dma_wait3A_405, %dma_wait3A_406] : memref<2048x128xf32, #tpu.memory_space<hbm>> -> memref<2048x128xf32, #tpu.memory_space<hbm>>
    tpu.wait_indirect_dma semaphore(%arg28 : memref<!tpu.dma_semaphore, #tpu.memory_space<semaphore_mem>>) src(%dma_wait3A_407 : memref<2048x128xf32, #tpu.memory_space<hbm>>) dst(%arg24 : memref<128x128xf32, #tpu.memory_space<vmem>>)
    %dma_wait3A_408 = arith.constant 128 : i32
    %dma_wait3A_409 = tpu.memref_slice %arg19[%dma_wait3A_408] : memref<256xi32, #tpu.memory_space<vmem>> -> memref<128xi32, #tpu.memory_space<vmem>>
    %dma_wait3A_410 = arith.constant 0 : i32
    %dma_wait3A_411 = arith.constant 0 : i32
    %dma_wait3A_412 = tpu.memref_slice %arg6[%dma_wait3A_410, %dma_wait3A_411] : memref<2048x128xf32, #tpu.memory_space<hbm>> -> memref<2048x128xf32, #tpu.memory_space<hbm>>
    tpu.wait_indirect_dma semaphore(%arg28 : memref<!tpu.dma_semaphore, #tpu.memory_space<semaphore_mem>>) src(%dma_wait3A_412 : memref<2048x128xf32, #tpu.memory_space<hbm>>) dst(%arg25 : memref<128x128xf32, #tpu.memory_space<vmem>>)
    %parallel_loop3A_413 = arith.constant 0 : i32
    %parallel_loop3A_414 = arith.constant 128 : i32
    %parallel_loop3A_415 = arith.constant 1 : i32
    scf.for %parallel_loop3A_422 = %parallel_loop3A_413 to %parallel_loop3A_414 step %parallel_loop3A_415  : i32 {
      %parallel_loop3A_423 = arith.constant 128 : i32
      %parallel_loop3A_424 = arith.addi %parallel_loop3A_423, %parallel_loop3A_422 : i32
      %parallel_loop3A_425 = vector.broadcast %parallel_loop3A_424 : i32 to vector<16xi32>
      %parallel_loop3A_426 = tpu.vector_load_idx %arg20[%parallel_loop3A_425] : memref<256xf32, #tpu.memory_space<vmem>>[vector<16xi32>], vector<16xf32>,
      %parallel_loop3A_427 = tpu.vector_load_idx %arg21[%parallel_loop3A_425] : memref<256xf32, #tpu.memory_space<vmem>>[vector<16xi32>], vector<16xf32>,
      %parallel_loop3A_428 = tpu.vector_load_idx %arg22[%parallel_loop3A_425] : memref<256xf32, #tpu.memory_space<vmem>>[vector<16xi32>], vector<16xf32>,
      %parallel_loop3A_429 = arith.index_cast %parallel_loop3A_422 : i32 to index
      %parallel_loop3A_430 = arith.constant 0 : index
      %parallel_loop3A_431 = tpu.vector_load %arg23[%parallel_loop3A_429, %parallel_loop3A_430] {strides = array<i32>} : memref<128x128xf32, #tpu.memory_space<vmem>>, vector<16xf32>,
      %parallel_loop3A_432 = arith.mulf %parallel_loop3A_426, %parallel_loop3A_431 : vector<16xf32>
      %parallel_loop3A_433 = arith.index_cast %parallel_loop3A_422 : i32 to index
      %parallel_loop3A_434 = arith.constant 0 : index
      %parallel_loop3A_435 = tpu.vector_load %arg24[%parallel_loop3A_433, %parallel_loop3A_434] {strides = array<i32>} : memref<128x128xf32, #tpu.memory_space<vmem>>, vector<16xf32>,
      %parallel_loop3A_436 = arith.mulf %parallel_loop3A_427, %parallel_loop3A_435 : vector<16xf32>
      %parallel_loop3A_437 = arith.addf %parallel_loop3A_432, %parallel_loop3A_436 : vector<16xf32>
      %parallel_loop3A_438 = arith.index_cast %parallel_loop3A_422 : i32 to index
      %parallel_loop3A_439 = arith.constant 0 : index
      %parallel_loop3A_440 = tpu.vector_load %arg25[%parallel_loop3A_438, %parallel_loop3A_439] {strides = array<i32>} : memref<128x128xf32, #tpu.memory_space<vmem>>, vector<16xf32>,
      %parallel_loop3A_441 = arith.mulf %parallel_loop3A_428, %parallel_loop3A_440 : vector<16xf32>
      %parallel_loop3A_442 = arith.addf %parallel_loop3A_437, %parallel_loop3A_441 : vector<16xf32>
      %parallel_loop3A_443 = arith.index_cast %parallel_loop3A_422 : i32 to index
      %parallel_loop3A_444 = arith.constant 0 : index
      %parallel_loop3A_445 = tpu.vector_load %arg27[%parallel_loop3A_443, %parallel_loop3A_444] {strides = array<i32>} : memref<128x128xf32, #tpu.memory_space<vmem>>, vector<16xf32>,
      tpu.vector_store %arg27[%parallel_loop3A_443, %parallel_loop3A_444], %parallel_loop3A_442 {strides = array<i32>} : memref<128x128xf32, #tpu.memory_space<vmem>>, vector<16xf32>,
      %parallel_loop3A_446 = arith.index_cast %parallel_loop3A_422 : i32 to index
      %parallel_loop3A_447 = arith.constant 16 : index
      %parallel_loop3A_448 = tpu.vector_load %arg23[%parallel_loop3A_446, %parallel_loop3A_447] {strides = array<i32>} : memref<128x128xf32, #tpu.memory_space<vmem>>, vector<16xf32>,
      %parallel_loop3A_449 = arith.mulf %parallel_loop3A_426, %parallel_loop3A_448 : vector<16xf32>
      %parallel_loop3A_450 = arith.index_cast %parallel_loop3A_422 : i32 to index
      %parallel_loop3A_451 = arith.constant 16 : index
      %parallel_loop3A_452 = tpu.vector_load %arg24[%parallel_loop3A_450, %parallel_loop3A_451] {strides = array<i32>} : memref<128x128xf32, #tpu.memory_space<vmem>>, vector<16xf32>,
      %parallel_loop3A_453 = arith.mulf %parallel_loop3A_427, %parallel_loop3A_452 : vector<16xf32>
      %parallel_loop3A_454 = arith.addf %parallel_loop3A_449, %parallel_loop3A_453 : vector<16xf32>
      %parallel_loop3A_455 = arith.index_cast %parallel_loop3A_422 : i32 to index
      %parallel_loop3A_456 = arith.constant 16 : index
      %parallel_loop3A_457 = tpu.vector_load %arg25[%parallel_loop3A_455, %parallel_loop3A_456] {strides = array<i32>} : memref<128x128xf32, #tpu.memory_space<vmem>>, vector<16xf32>,
      %parallel_loop3A_458 = arith.mulf %parallel_loop3A_428, %parallel_loop3A_457 : vector<16xf32>
      %parallel_loop3A_459 = arith.addf %parallel_loop3A_454, %parallel_loop3A_458 : vector<16xf32>
      %parallel_loop3A_460 = arith.index_cast %parallel_loop3A_422 : i32 to index
      %parallel_loop3A_461 = arith.constant 16 : index
      %parallel_loop3A_462 = tpu.vector_load %arg27[%parallel_loop3A_460, %parallel_loop3A_461] {strides = array<i32>} : memref<128x128xf32, #tpu.memory_space<vmem>>, vector<16xf32>,
      tpu.vector_store %arg27[%parallel_loop3A_460, %parallel_loop3A_461], %parallel_loop3A_459 {strides = array<i32>} : memref<128x128xf32, #tpu.memory_space<vmem>>, vector<16xf32>,
      %parallel_loop3A_463 = arith.index_cast %parallel_loop3A_422 : i32 to index
      %parallel_loop3A_464 = arith.constant 32 : index
      %parallel_loop3A_465 = tpu.vector_load %arg23[%parallel_loop3A_463, %parallel_loop3A_464] {strides = array<i32>} : memref<128x128xf32, #tpu.memory_space<vmem>>, vector<16xf32>,
      %parallel_loop3A_466 = arith.mulf %parallel_loop3A_426, %parallel_loop3A_465 : vector<16xf32>
      %parallel_loop3A_467 = arith.index_cast %parallel_loop3A_422 : i32 to index
      %parallel_loop3A_468 = arith.constant 32 : index
      %parallel_loop3A_469 = tpu.vector_load %arg24[%parallel_loop3A_467, %parallel_loop3A_468] {strides = array<i32>} : memref<128x128xf32, #tpu.memory_space<vmem>>, vector<16xf32>,
      %parallel_loop3A_470 = arith.mulf %parallel_loop3A_427, %parallel_loop3A_469 : vector<16xf32>
      %parallel_loop3A_471 = arith.addf %parallel_loop3A_466, %parallel_loop3A_470 : vector<16xf32>
      %parallel_loop3A_472 = arith.index_cast %parallel_loop3A_422 : i32 to index
      %parallel_loop3A_473 = arith.constant 32 : index
      %parallel_loop3A_474 = tpu.vector_load %arg25[%parallel_loop3A_472, %parallel_loop3A_473] {strides = array<i32>} : memref<128x128xf32, #tpu.memory_space<vmem>>, vector<16xf32>,
      %parallel_loop3A_475 = arith.mulf %parallel_loop3A_428, %parallel_loop3A_474 : vector<16xf32>
      %parallel_loop3A_476 = arith.addf %parallel_loop3A_471, %parallel_loop3A_475 : vector<16xf32>
      %parallel_loop3A_477 = arith.index_cast %parallel_loop3A_422 : i32 to index
      %parallel_loop3A_478 = arith.constant 32 : index
      %parallel_loop3A_479 = tpu.vector_load %arg27[%parallel_loop3A_477, %parallel_loop3A_478] {strides = array<i32>} : memref<128x128xf32, #tpu.memory_space<vmem>>, vector<16xf32>,
      tpu.vector_store %arg27[%parallel_loop3A_477, %parallel_loop3A_478], %parallel_loop3A_476 {strides = array<i32>} : memref<128x128xf32, #tpu.memory_space<vmem>>, vector<16xf32>,
      %parallel_loop3A_480 = arith.index_cast %parallel_loop3A_422 : i32 to index
      %parallel_loop3A_481 = arith.constant 48 : index
      %parallel_loop3A_482 = tpu.vector_load %arg23[%parallel_loop3A_480, %parallel_loop3A_481] {strides = array<i32>} : memref<128x128xf32, #tpu.memory_space<vmem>>, vector<16xf32>,
      %parallel_loop3A_483 = arith.mulf %parallel_loop3A_426, %parallel_loop3A_482 : vector<16xf32>
      %parallel_loop3A_484 = arith.index_cast %parallel_loop3A_422 : i32 to index
      %parallel_loop3A_485 = arith.constant 48 : index
      %parallel_loop3A_486 = tpu.vector_load %arg24[%parallel_loop3A_484, %parallel_loop3A_485] {strides = array<i32>} : memref<128x128xf32, #tpu.memory_space<vmem>>, vector<16xf32>,
      %parallel_loop3A_487 = arith.mulf %parallel_loop3A_427, %parallel_loop3A_486 : vector<16xf32>
      %parallel_loop3A_488 = arith.addf %parallel_loop3A_483, %parallel_loop3A_487 : vector<16xf32>
      %parallel_loop3A_489 = arith.index_cast %parallel_loop3A_422 : i32 to index
      %parallel_loop3A_490 = arith.constant 48 : index
      %parallel_loop3A_491 = tpu.vector_load %arg25[%parallel_loop3A_489, %parallel_loop3A_490] {strides = array<i32>} : memref<128x128xf32, #tpu.memory_space<vmem>>, vector<16xf32>,
      %parallel_loop3A_492 = arith.mulf %parallel_loop3A_428, %parallel_loop3A_491 : vector<16xf32>
      %parallel_loop3A_493 = arith.addf %parallel_loop3A_488, %parallel_loop3A_492 : vector<16xf32>
      %parallel_loop3A_494 = arith.index_cast %parallel_loop3A_422 : i32 to index
      %parallel_loop3A_495 = arith.constant 48 : index
      %parallel_loop3A_496 = tpu.vector_load %arg27[%parallel_loop3A_494, %parallel_loop3A_495] {strides = array<i32>} : memref<128x128xf32, #tpu.memory_space<vmem>>, vector<16xf32>,
      tpu.vector_store %arg27[%parallel_loop3A_494, %parallel_loop3A_495], %parallel_loop3A_493 {strides = array<i32>} : memref<128x128xf32, #tpu.memory_space<vmem>>, vector<16xf32>,
      %parallel_loop3A_497 = arith.index_cast %parallel_loop3A_422 : i32 to index
      %parallel_loop3A_498 = arith.constant 64 : index
      %parallel_loop3A_499 = tpu.vector_load %arg23[%parallel_loop3A_497, %parallel_loop3A_498] {strides = array<i32>} : memref<128x128xf32, #tpu.memory_space<vmem>>, vector<16xf32>,
      %parallel_loop3A_500 = arith.mulf %parallel_loop3A_426, %parallel_loop3A_499 : vector<16xf32>
      %parallel_loop3A_501 = arith.index_cast %parallel_loop3A_422 : i32 to index
      %parallel_loop3A_502 = arith.constant 64 : index
      %parallel_loop3A_503 = tpu.vector_load %arg24[%parallel_loop3A_501, %parallel_loop3A_502] {strides = array<i32>} : memref<128x128xf32, #tpu.memory_space<vmem>>, vector<16xf32>,
      %parallel_loop3A_504 = arith.mulf %parallel_loop3A_427, %parallel_loop3A_503 : vector<16xf32>
      %parallel_loop3A_505 = arith.addf %parallel_loop3A_500, %parallel_loop3A_504 : vector<16xf32>
      %parallel_loop3A_506 = arith.index_cast %parallel_loop3A_422 : i32 to index
      %parallel_loop3A_507 = arith.constant 64 : index
      %parallel_loop3A_508 = tpu.vector_load %arg25[%parallel_loop3A_506, %parallel_loop3A_507] {strides = array<i32>} : memref<128x128xf32, #tpu.memory_space<vmem>>, vector<16xf32>,
      %parallel_loop3A_509 = arith.mulf %parallel_loop3A_428, %parallel_loop3A_508 : vector<16xf32>
      %parallel_loop3A_510 = arith.addf %parallel_loop3A_505, %parallel_loop3A_509 : vector<16xf32>
      %parallel_loop3A_511 = arith.index_cast %parallel_loop3A_422 : i32 to index
      %parallel_loop3A_512 = arith.constant 64 : index
      %parallel_loop3A_513 = tpu.vector_load %arg27[%parallel_loop3A_511, %parallel_loop3A_512] {strides = array<i32>} : memref<128x128xf32, #tpu.memory_space<vmem>>, vector<16xf32>,
      tpu.vector_store %arg27[%parallel_loop3A_511, %parallel_loop3A_512], %parallel_loop3A_510 {strides = array<i32>} : memref<128x128xf32, #tpu.memory_space<vmem>>, vector<16xf32>,
      %parallel_loop3A_514 = arith.index_cast %parallel_loop3A_422 : i32 to index
      %parallel_loop3A_515 = arith.constant 80 : index
      %parallel_loop3A_516 = tpu.vector_load %arg23[%parallel_loop3A_514, %parallel_loop3A_515] {strides = array<i32>} : memref<128x128xf32, #tpu.memory_space<vmem>>, vector<16xf32>,
      %parallel_loop3A_517 = arith.mulf %parallel_loop3A_426, %parallel_loop3A_516 : vector<16xf32>
      %parallel_loop3A_518 = arith.index_cast %parallel_loop3A_422 : i32 to index
      %parallel_loop3A_519 = arith.constant 80 : index
      %parallel_loop3A_520 = tpu.vector_load %arg24[%parallel_loop3A_518, %parallel_loop3A_519] {strides = array<i32>} : memref<128x128xf32, #tpu.memory_space<vmem>>, vector<16xf32>,
      %parallel_loop3A_521 = arith.mulf %parallel_loop3A_427, %parallel_loop3A_520 : vector<16xf32>
      %parallel_loop3A_522 = arith.addf %parallel_loop3A_517, %parallel_loop3A_521 : vector<16xf32>
      %parallel_loop3A_523 = arith.index_cast %parallel_loop3A_422 : i32 to index
      %parallel_loop3A_524 = arith.constant 80 : index
      %parallel_loop3A_525 = tpu.vector_load %arg25[%parallel_loop3A_523, %parallel_loop3A_524] {strides = array<i32>} : memref<128x128xf32, #tpu.memory_space<vmem>>, vector<16xf32>,
      %parallel_loop3A_526 = arith.mulf %parallel_loop3A_428, %parallel_loop3A_525 : vector<16xf32>
      %parallel_loop3A_527 = arith.addf %parallel_loop3A_522, %parallel_loop3A_526 : vector<16xf32>
      %parallel_loop3A_528 = arith.index_cast %parallel_loop3A_422 : i32 to index
      %parallel_loop3A_529 = arith.constant 80 : index
      %parallel_loop3A_530 = tpu.vector_load %arg27[%parallel_loop3A_528, %parallel_loop3A_529] {strides = array<i32>} : memref<128x128xf32, #tpu.memory_space<vmem>>, vector<16xf32>,
      tpu.vector_store %arg27[%parallel_loop3A_528, %parallel_loop3A_529], %parallel_loop3A_527 {strides = array<i32>} : memref<128x128xf32, #tpu.memory_space<vmem>>, vector<16xf32>,
      %parallel_loop3A_531 = arith.index_cast %parallel_loop3A_422 : i32 to index
      %parallel_loop3A_532 = arith.constant 96 : index
      %parallel_loop3A_533 = tpu.vector_load %arg23[%parallel_loop3A_531, %parallel_loop3A_532] {strides = array<i32>} : memref<128x128xf32, #tpu.memory_space<vmem>>, vector<16xf32>,
      %parallel_loop3A_534 = arith.mulf %parallel_loop3A_426, %parallel_loop3A_533 : vector<16xf32>
      %parallel_loop3A_535 = arith.index_cast %parallel_loop3A_422 : i32 to index
      %parallel_loop3A_536 = arith.constant 96 : index
      %parallel_loop3A_537 = tpu.vector_load %arg24[%parallel_loop3A_535, %parallel_loop3A_536] {strides = array<i32>} : memref<128x128xf32, #tpu.memory_space<vmem>>, vector<16xf32>,
      %parallel_loop3A_538 = arith.mulf %parallel_loop3A_427, %parallel_loop3A_537 : vector<16xf32>
      %parallel_loop3A_539 = arith.addf %parallel_loop3A_534, %parallel_loop3A_538 : vector<16xf32>
      %parallel_loop3A_540 = arith.index_cast %parallel_loop3A_422 : i32 to index
      %parallel_loop3A_541 = arith.constant 96 : index
      %parallel_loop3A_542 = tpu.vector_load %arg25[%parallel_loop3A_540, %parallel_loop3A_541] {strides = array<i32>} : memref<128x128xf32, #tpu.memory_space<vmem>>, vector<16xf32>,
      %parallel_loop3A_543 = arith.mulf %parallel_loop3A_428, %parallel_loop3A_542 : vector<16xf32>
      %parallel_loop3A_544 = arith.addf %parallel_loop3A_539, %parallel_loop3A_543 : vector<16xf32>
      %parallel_loop3A_545 = arith.index_cast %parallel_loop3A_422 : i32 to index
      %parallel_loop3A_546 = arith.constant 96 : index
      %parallel_loop3A_547 = tpu.vector_load %arg27[%parallel_loop3A_545, %parallel_loop3A_546] {strides = array<i32>} : memref<128x128xf32, #tpu.memory_space<vmem>>, vector<16xf32>,
      tpu.vector_store %arg27[%parallel_loop3A_545, %parallel_loop3A_546], %parallel_loop3A_544 {strides = array<i32>} : memref<128x128xf32, #tpu.memory_space<vmem>>, vector<16xf32>,
      %parallel_loop3A_548 = arith.index_cast %parallel_loop3A_422 : i32 to index
      %parallel_loop3A_549 = arith.constant 112 : index
      %parallel_loop3A_550 = tpu.vector_load %arg23[%parallel_loop3A_548, %parallel_loop3A_549] {strides = array<i32>} : memref<128x128xf32, #tpu.memory_space<vmem>>, vector<16xf32>,
      %parallel_loop3A_551 = arith.mulf %parallel_loop3A_426, %parallel_loop3A_550 : vector<16xf32>
      %parallel_loop3A_552 = arith.index_cast %parallel_loop3A_422 : i32 to index
      %parallel_loop3A_553 = arith.constant 112 : index
      %parallel_loop3A_554 = tpu.vector_load %arg24[%parallel_loop3A_552, %parallel_loop3A_553] {strides = array<i32>} : memref<128x128xf32, #tpu.memory_space<vmem>>, vector<16xf32>,
      %parallel_loop3A_555 = arith.mulf %parallel_loop3A_427, %parallel_loop3A_554 : vector<16xf32>
      %parallel_loop3A_556 = arith.addf %parallel_loop3A_551, %parallel_loop3A_555 : vector<16xf32>
      %parallel_loop3A_557 = arith.index_cast %parallel_loop3A_422 : i32 to index
      %parallel_loop3A_558 = arith.constant 112 : index
      %parallel_loop3A_559 = tpu.vector_load %arg25[%parallel_loop3A_557, %parallel_loop3A_558] {strides = array<i32>} : memref<128x128xf32, #tpu.memory_space<vmem>>, vector<16xf32>,
      %parallel_loop3A_560 = arith.mulf %parallel_loop3A_428, %parallel_loop3A_559 : vector<16xf32>
      %parallel_loop3A_561 = arith.addf %parallel_loop3A_556, %parallel_loop3A_560 : vector<16xf32>
      %parallel_loop3A_562 = arith.index_cast %parallel_loop3A_422 : i32 to index
      %parallel_loop3A_563 = arith.constant 112 : index
      %parallel_loop3A_564 = tpu.vector_load %arg27[%parallel_loop3A_562, %parallel_loop3A_563] {strides = array<i32>} : memref<128x128xf32, #tpu.memory_space<vmem>>, vector<16xf32>,
      tpu.vector_store %arg27[%parallel_loop3A_562, %parallel_loop3A_563], %parallel_loop3A_561 {strides = array<i32>} : memref<128x128xf32, #tpu.memory_space<vmem>>, vector<16xf32>,
    } {sc.loop_unroll_factor = 4 : i64, sc.parallel_access}
    %dma_wait3A_416 = arith.constant 0 : i32
    %dma_wait3A_417 = tpu.memref_slice %arg7[%mul3A_2, %dma_wait3A_416] : memref<8192x128xf32, #tpu.memory_space<hbm>> -> memref<128x128xf32, #tpu.memory_space<hbm>>
    %dma_wait3A_418 = arith.constant 0 : i32
    %dma_wait3A_419 = tpu.memref_slice %arg7[%mul3A_2, %dma_wait3A_418] : memref<8192x128xf32, #tpu.memory_space<hbm>> -> memref<128x128xf32, #tpu.memory_space<hbm>>
    tpu.wait_dma2 semaphore(%arg29 : memref<!tpu.dma_semaphore, #tpu.memory_space<semaphore_mem>>) src(%arg26 : memref<128x128xf32, #tpu.memory_space<vmem>>) dst(%dma_wait3A_419 : memref<128x128xf32, #tpu.memory_space<hbm>>)
    %add3A_420 = arith.constant 128 : i32
    %add3A_421 = arith.addi %mul3A_2, %add3A_420 : i32
    "tpu.region"() ({
      %run_scoped3A = tpu.sem_alloc : memref<!tpu.dma_semaphore, #tpu.memory_space<semaphore_mem>>
      %dma_start3A_422 = arith.constant 0 : i32
      %dma_start3A_423 = tpu.memref_slice %arg7[%add3A_421, %dma_start3A_422] : memref<8192x128xf32, #tpu.memory_space<hbm>> -> memref<128x128xf32, #tpu.memory_space<hbm>>
      %dma_start3A_424 = arith.constant 0 : i32
      %dma_start3A_425 = tpu.memref_slice %arg7[%add3A_421, %dma_start3A_424] : memref<8192x128xf32, #tpu.memory_space<hbm>> -> memref<128x128xf32, #tpu.memory_space<hbm>>
      tpu.enqueue_dma source(%arg27 : memref<128x128xf32, #tpu.memory_space<vmem>>) target(%dma_start3A_425 : memref<128x128xf32, #tpu.memory_space<hbm>>) target_semaphore(%run_scoped3A : memref<!tpu.dma_semaphore, #tpu.memory_space<semaphore_mem>>)
      %dma_wait3A_426 = arith.constant 0 : i32
      %dma_wait3A_427 = tpu.memref_slice %arg7[%add3A_421, %dma_wait3A_426] : memref<8192x128xf32, #tpu.memory_space<hbm>> -> memref<128x128xf32, #tpu.memory_space<hbm>>
      %dma_wait3A_428 = arith.constant 0 : i32
      %dma_wait3A_429 = tpu.memref_slice %arg7[%add3A_421, %dma_wait3A_428] : memref<8192x128xf32, #tpu.memory_space<hbm>> -> memref<128x128xf32, #tpu.memory_space<hbm>>
      tpu.wait_dma2 semaphore(%run_scoped3A : memref<!tpu.dma_semaphore, #tpu.memory_space<semaphore_mem>>) src(%arg27 : memref<128x128xf32, #tpu.memory_space<vmem>>) dst(%dma_wait3A_429 : memref<128x128xf32, #tpu.memory_space<hbm>>)
      tpu.yield
    }) : () -> ()
    return
  }
}

module attributes {stable_mosaic.version = 14 : i64} {
  func.func @_mlp_body(%arg0: i32, %arg1: memref<4096x128xf32, #tpu.memory_space<vmem>>, %arg2: memref<4096x64xf32, #tpu.memory_space<vmem>>, %arg3: memref<192x128xf32, #tpu.memory_space<vmem>>, %arg4: memref<1x128xf32, #tpu.memory_space<vmem>>, %arg5: memref<128x128xf32, #tpu.memory_space<vmem>>, %arg6: memref<1x128xf32, #tpu.memory_space<vmem>>, %arg7: memref<4096x128xf32, #tpu.memory_space<vmem>>) attributes {dimension_semantics = [#tpu.dimension_semantics<arbitrary>], iteration_bounds = array<i64: 2>, scalar_prefetch = 0 : i64, scratch_operands = 0 : i64, tpu.core_type = #tpu.core_type<tc>, window_params = [{transform_indices = @transform_0, window_bounds = array<i64: 4096, 128>}, {transform_indices = @transform_1, window_bounds = array<i64: 4096, 64>}, {pipeline_mode = #tpu.pipeline_mode<synchronous>, transform_indices = @transform_2, window_bounds = array<i64: 192, 128>}, {pipeline_mode = #tpu.pipeline_mode<synchronous>, transform_indices = @transform_3, window_bounds = array<i64: 1, 128>}, {pipeline_mode = #tpu.pipeline_mode<synchronous>, transform_indices = @transform_4, window_bounds = array<i64: 128, 128>}, {pipeline_mode = #tpu.pipeline_mode<synchronous>, transform_indices = @transform_5, window_bounds = array<i64: 1, 128>}, {transform_indices = @transform_6, window_bounds = array<i64: 4096, 128>}]} {
    %get3A = arith.constant 0 : index
    %get3A_0 = arith.constant 0 : index
    %get3A_1 = vector.load %arg3[%get3A, %get3A_0] : memref<192x128xf32, #tpu.memory_space<vmem>>, vector<128x128xf32>
    %get3A_2 = arith.constant 128 : index
    %get3A_3 = arith.constant 0 : index
    %get3A_4 = vector.load %arg3[%get3A_2, %get3A_3] : memref<192x128xf32, #tpu.memory_space<vmem>>, vector<64x128xf32>
    %get3A_5 = arith.constant 0 : index
    %get3A_6 = arith.constant 0 : index
    %get3A_7 = vector.load %arg1[%get3A_5, %get3A_6] : memref<4096x128xf32, #tpu.memory_space<vmem>>, vector<4096x128xf32>
    %dot_general3A = arith.constant dense<0.000000e+00> : vector<4096x128xf32>
    %dot_general3A_8 = tpu.matmul %get3A_7, %get3A_1, %dot_general3A {dimension_numbers = #tpu.dot_dimension_numbers<[1], [0], [0], [1], [0, 0, 1, 1], [], []>, transpose_lhs_hint = false} : vector<4096x128xf32>, vector<128x128xf32>, vector<4096x128xf32> -> vector<4096x128xf32>
    %get3A_9 = arith.constant 0 : index
    %get3A_10 = arith.constant 0 : index
    %get3A_11 = vector.load %arg2[%get3A_9, %get3A_10] : memref<4096x64xf32, #tpu.memory_space<vmem>>, vector<4096x64xf32>
    %dot_general3A_12 = arith.constant dense<0.000000e+00> : vector<4096x128xf32>
    %dot_general3A_13 = tpu.matmul %get3A_11, %get3A_4, %dot_general3A_12 {dimension_numbers = #tpu.dot_dimension_numbers<[1], [0], [0], [1], [0, 0, 1, 1], [], []>, transpose_lhs_hint = false} : vector<4096x64xf32>, vector<64x128xf32>, vector<4096x128xf32> -> vector<4096x128xf32>
    %add3A = arith.addf %dot_general3A_8, %dot_general3A_13 : vector<4096x128xf32>
    %get3A_14 = arith.constant 0 : index
    %get3A_15 = arith.constant 0 : index
    %get3A_16 = vector.load %arg4[%get3A_14, %get3A_15] : memref<1x128xf32, #tpu.memory_space<vmem>>, vector<1x128xf32>
    %add3A_17 = vector.broadcast %get3A_16 : vector<1x128xf32> to vector<4096x128xf32>
    %add3A_18 = arith.addf %add3A, %add3A_17 : vector<4096x128xf32>
    %gt3A = arith.constant 0.000000e+00 : f32
    %gt3A_19 = vector.broadcast %gt3A : f32 to vector<4096x128xf32>
    %gt3A_20 = arith.cmpf ogt, %add3A_18, %gt3A_19 : vector<4096x128xf32>
    %mul3A = arith.constant 0.00999999977 : f32
    %mul3A_21 = vector.broadcast %mul3A : f32 to vector<4096x128xf32>
    %mul3A_22 = arith.mulf %mul3A_21, %add3A_18 : vector<4096x128xf32>
    %select_n3A = arith.select %gt3A_20, %add3A_18, %mul3A_22 : vector<4096x128xi1>, vector<4096x128xf32>
    %get3A_23 = arith.constant 0 : index
    %get3A_24 = arith.constant 0 : index
    %get3A_25 = vector.load %arg5[%get3A_23, %get3A_24] : memref<128x128xf32, #tpu.memory_space<vmem>>, vector<128x128xf32>
    %dot_general3A_26 = arith.constant dense<0.000000e+00> : vector<4096x128xf32>
    %dot_general3A_27 = tpu.matmul %select_n3A, %get3A_25, %dot_general3A_26 {dimension_numbers = #tpu.dot_dimension_numbers<[1], [0], [0], [1], [0, 0, 1, 1], [], []>, transpose_lhs_hint = false} : vector<4096x128xf32>, vector<128x128xf32>, vector<4096x128xf32> -> vector<4096x128xf32>
    %get3A_28 = arith.constant 0 : index
    %get3A_29 = arith.constant 0 : index
    %get3A_30 = vector.load %arg6[%get3A_28, %get3A_29] : memref<1x128xf32, #tpu.memory_space<vmem>>, vector<1x128xf32>
    %add3A_31 = vector.broadcast %get3A_30 : vector<1x128xf32> to vector<4096x128xf32>
    %add3A_32 = arith.addf %dot_general3A_27, %add3A_31 : vector<4096x128xf32>
    %swap3A = arith.constant 0 : index
    %swap3A_33 = arith.constant 0 : index
    %swap3A_34 = vector.load %arg7[%swap3A, %swap3A_33] : memref<4096x128xf32, #tpu.memory_space<vmem>>, vector<4096x128xf32>
    tpu.vector_store %arg7[%swap3A, %swap3A_33], %add3A_32 {strides = array<i32>} : memref<4096x128xf32, #tpu.memory_space<vmem>>, vector<4096x128xf32>,
    return
  }
  func.func @transform_0(%arg0: i32) -> (i32, i32) {
    %c0_i32 = arith.constant 0 : i32
    %c0_i32_0 = arith.constant 0 : i32
    return %arg0, %c0_i32 : i32, i32
  }
  func.func @transform_1(%arg0: i32) -> (i32, i32) {
    %c0_i32 = arith.constant 0 : i32
    %c0_i32_0 = arith.constant 0 : i32
    return %arg0, %c0_i32 : i32, i32
  }
  func.func @transform_2(%arg0: i32) -> (i32, i32) {
    %c0_i32 = arith.constant 0 : i32
    %c0_i32_0 = arith.constant 0 : i32
    %c0_i32_1 = arith.constant 0 : i32
    return %c0_i32, %c0_i32_0 : i32, i32
  }
  func.func @transform_3(%arg0: i32) -> (i32, i32) {
    %c0_i32 = arith.constant 0 : i32
    %c0_i32_0 = arith.constant 0 : i32
    %c0_i32_1 = arith.constant 0 : i32
    return %c0_i32, %c0_i32_0 : i32, i32
  }
  func.func @transform_4(%arg0: i32) -> (i32, i32) {
    %c0_i32 = arith.constant 0 : i32
    %c0_i32_0 = arith.constant 0 : i32
    %c0_i32_1 = arith.constant 0 : i32
    return %c0_i32, %c0_i32_0 : i32, i32
  }
  func.func @transform_5(%arg0: i32) -> (i32, i32) {
    %c0_i32 = arith.constant 0 : i32
    %c0_i32_0 = arith.constant 0 : i32
    %c0_i32_1 = arith.constant 0 : i32
    return %c0_i32, %c0_i32_0 : i32, i32
  }
  func.func @transform_6(%arg0: i32) -> (i32, i32) {
    %c0_i32 = arith.constant 0 : i32
    %c0_i32_0 = arith.constant 0 : i32
    return %arg0, %c0_i32 : i32, i32
  }
}

</mosaic_0001>

<sc_bundles>
// kernel: kernel.4.cloned.1.call-start
scs
__scs_entry_jumppad:
0x0: {  	(pc) =	sbr.rel $0x88, $3  }
0x1: {  	(tag) =	ssettag $0x0;
	lr =	simm.s32 $0x1  }
0x2: {  	[smem:$0x3F97] =	sst lr;
	_ =	strace $0xD0000000  }
0x3: {  	_ = 	snop  }
0x4: {  	_ = 	snop  }
0x5: {  	_ = 	snop  }
0x6: {  	_ = 	snop  }
0x7: {  	_ = 	snop  }
__scs_overlays_trampoline_lowered:
0x8: {  	[smem:$0x3FA6] =	sst s0  }
0x9: {  	[smem:$0x3FA7] =	sst s1  }
0xa: {  	[smem:$0x3FA8] =	sst s2  }
0xb: {  	[smem:$0x3FA9] =	sst s3  }
0xc: {  	[smem:$0x3FAA] =	sst s4  }
0xd: {  	[smem:$0x3FAB] =	sst s5  }
0xe: {  	[smem:$0x3FAC] =	sst s6  }
0xf: {  	[smem:$0x3FAD] =	sst s7  }
0x10: {  	[smem:$0x3FAE] =	sst s8  }
0x11: {  	[smem:$0x3FAF] =	sst s9;
	s0 =	simm.s32 @!p0 $0x0  }
0x12: {  	s1 =	sld [smem:$0x3F95];
	s0 =	simm.s32 @p0 $0x1  }
0x13: {  	[smem:$0x3FB0] =	sst s0;
	s0 =	simm.s32 @!p1 $0x0  }
0x14: {  	s2 =	sld [smem:$0x3F94];
	s0 =	simm.s32 @p1 $0x1  }
0x15: {  	[smem:$0x3FB1] =	sst s0;
	s0 =	simm.s32 @!p2 $0x0  }
0x16: {  	s3 =	sld [smem:$0x3FDB];
	s0 =	simm.s32 @p2 $0x1  }
0x17: {  	s4 =	simm.s32 $0x1BF5;
	[smem:$0x3FB3] =	sst s0  }
0x18: {  	s0 =	sld [smem:$0x3F96];
	_ =	swait.ge [sflag:s4], $0x0  }
0x19: {  	s7 =	sld [smem:$0x3F97]  }
0x1a: {  	s8 =	sadd.s32 $0xFFFFE003, lr  }
0x1b: {  	s9 =	sadd.s32 $0xFFFFFEF7, lr;
	s5 =	simm.s32 $0xFFFFFFFF;
	p2 =	slt.u32 s8, $0xFFFFF086  }
0x1c: {  	p1 =	slt.u32 s9, $0xF7A;
	s5 =	simm.s32 @!p2 $0x0  }
0x1d: {  	s5 =	simm.s32 @p1 $0x1;
	p0 =	seq.s32 s7, s2  }
0x1e: {  	s7 =	smul.u32 @!p0 $0xF7A, s2;
	p2 =	seq.s32 @!p0 s5, $0x0  }
0x1f: {  	s9 =	smul.u32 $0xF7A, s1;
	s8 =	simm.s32 @!p0 $0x1BF5;
	p2 =	por !p2, p0  }
0x20: {  	[sflag:s8] =	ssyncset.s32 @!p0 $0xFFFFF086;
	s6 =	sadd.s32 @!p0 s3, s7;
	s7 =	simm.s32 @!p0 $0x108  }
0x21: {  	s3 =	sadd.s32 s3, s9;
	s6 =	sadd.s32 @!p0 $0x88, s6;
	s7 =	simm.s32 @p2 $0x1082  }
0x22: {  	[simem:s7], [sflag:s8] =	dma.local @!p0 [hbm:s6], $0xF7A  }
0x23: {  	s9 =	sor.u32 $0xD0000000, s2;
	s6 =	simm.s32 $0x108;
	_ =	swait.ge @!p0 [sflag:s8], $0x0  }
0x24: {  	s3 =	sadd.s32 $0x88, s3;
	s6 =	simm.s32 @!p1 $0x1082;
	[sflag:s4] =	ssyncset.s32 $0xFFFFF086  }
0x25: {  	[simem:s6], [sflag:s4] =	dma.local [hbm:s3], $0xF7A  }
0x26: {  	[smem:$0x3F97] =	sst s1;
	(tag) =	ssettag s2;
	_ =	strace s9  }
0x27: {  	s1 =	sld [smem:$0x3FA7]  }
0x28: {  	s2 =	sld [smem:$0x3FA8]  }
0x29: {  	s4 =	sld [smem:$0x3FAA]  }
0x2a: {  	p0 =	seq.s32 s5, $0x0;
	s5 =	sld [smem:$0x3FAB]  }
0x2b: {  	s6 =	sld [smem:$0x3FAC]  }
0x2c: {  	s7 =	sld [smem:$0x3FAD]  }
0x2d: {  	s3 =	simm.s32 $0x108;
	s8 =	sld [smem:$0x3FAE]  }
0x2e: {  	s3 =	simm.s32 @!p0 $0x1082;
	s9 =	sld [smem:$0x3FAF]  }
0x2f: {  	lr =	sadd.s32 s0, s3;
	s0 =	sld [smem:$0x3FA6]  }
0x30: {  	s3 =	sld [smem:$0x3FA9]  }
0x31: {  	[smem:$0x3FB2] =	sst s10  }
0x32: {  	s10 =	sld [smem:$0x3FB0];
	_ =	sdelay $0x3  }
0x33: {  	p0 =	seq.s32 s10, $0x1;
	s10 =	sld [smem:$0x3FB2];
	_ =	sdelay $0x3  }
0x34: {  	[smem:$0x3FB2] =	sst s10  }
0x35: {  	s10 =	sld [smem:$0x3FB1];
	_ =	sdelay $0x3  }
0x36: {  	p1 =	seq.s32 s10, $0x1;
	s10 =	sld [smem:$0x3FB2];
	_ =	sdelay $0x3  }
0x37: {  	[smem:$0x3FB2] =	sst s10  }
0x38: {  	s10 =	sld [smem:$0x3FB3]  }
0x39: {  	_ = 	snop;
	(pc) =	sbr.ind lr, $3  }
0x3a: {  	_ = 	snop  }
0x3b: {  	_ = 	snop  }
0x3c: {  	p2 =	seq.s32 s10, $0x1;
	s10 =	sld [smem:$0x3FB2]  }
0x3d: {  	_ =	shalt  }
0x3e: {  	_ =	shalt  }
0x3f: {  	_ =	shalt  }
0x40: {  	_ =	shalt  }
0x41: {  	_ =	shalt  }
0x42: {  	_ =	shalt  }
0x43: {  	_ =	shalt  }
0x44: {  	_ =	shalt  }
0x45: {  	_ =	shalt  }
0x46: {  	_ =	shalt  }
0x47: {  	_ =	shalt  }
0x48: {  	_ =	shalt  }
0x49: {  	_ =	shalt  }
0x4a: {  	_ =	shalt  }
0x4b: {  	_ =	shalt  }
0x4c: {  	_ =	shalt  }
0x4d: {  	_ =	shalt  }
0x4e: {  	_ =	shalt  }
0x4f: {  	_ =	shalt  }
0x50: {  	_ =	shalt  }
0x51: {  	_ =	shalt  }
0x52: {  	_ =	shalt  }
0x53: {  	_ =	shalt  }
0x54: {  	_ =	shalt  }
0x55: {  	_ =	shalt  }
0x56: {  	_ =	shalt  }
0x57: {  	_ =	shalt  }
0x58: {  	_ =	shalt  }
0x59: {  	_ =	shalt  }
0x5a: {  	_ =	shalt  }
0x5b: {  	_ =	shalt  }
0x5c: {  	_ =	shalt  }
0x5d: {  	_ =	shalt  }
0x5e: {  	_ =	shalt  }
0x5f: {  	_ =	shalt  }
0x60: {  	_ =	shalt  }
0x61: {  	_ =	shalt  }
0x62: {  	_ =	shalt  }
0x63: {  	_ =	shalt  }
0x64: {  	_ =	shalt  }
0x65: {  	_ =	shalt  }
0x66: {  	_ =	shalt  }
0x67: {  	_ =	shalt  }
0x68: {  	_ =	shalt  }
0x69: {  	_ =	shalt  }
0x6a: {  	_ =	shalt  }
0x6b: {  	_ =	shalt  }
0x6c: {  	_ =	shalt  }
0x6d: {  	_ =	shalt  }
0x6e: {  	_ =	shalt  }
0x6f: {  	_ =	shalt  }
0x70: {  	_ =	shalt  }
0x71: {  	_ =	shalt  }
0x72: {  	_ =	shalt  }
0x73: {  	_ =	shalt  }
0x74: {  	_ =	shalt  }
0x75: {  	_ =	shalt  }
0x76: {  	_ =	shalt  }
0x77: {  	_ =	shalt  }
0x78: {  	_ =	shalt  }
0x79: {  	_ =	shalt  }
0x7a: {  	_ =	shalt  }
0x7b: {  	_ =	shalt  }
0x7c: {  	_ =	shalt  }
0x7d: {  	_ =	shalt  }
0x7e: {  	_ =	shalt  }
0x7f: {  	_ =	shalt  }
0x80: {  	_ =	shalt  }
0x81: {  	_ =	shalt  }
0x82: {  	_ =	shalt  }
0x83: {  	_ =	shalt  }
0x84: {  	_ =	shalt  }
0x85: {  	_ =	shalt  }
0x86: {  	_ =	shalt  }
0x87: {  	_ =	shalt  }
.Lfunc_end0:
.L_simem_size_0:
called_computation_lowered:
.L_overlay_start_0:
0x88: {  	s2 =	sld [smem:$0x3FD9]  }
0x89: {  	s3 =	sld [smem:$0x3FFE];
	_ =	sdelay $0x1  }
0x8a: {  	s1 =	srdreg.scid  }
0x8b: {  	s0 =	sand.u32 $0x1, s1  }
0x8c: {  	s15 =	sshll.u32 s0, $0xA;
	s2 =	sadd.s32 s3, s2  }
0x8d: {  	s2 =	sadd.s32 s2, s15  }
0x8e: {  	[smem:$0x3FBE] =	sst s2  }
0x8f: {  	_ = 	snop  }
0x90: {  	s2 =	sld [smem:$0x3FD0]  }
0x91: {  	s16 =	sld [smem:$0x3FC9]  }
0x92: {  	s4 =	sld [smem:$0x3FC7]  }
0x93: {  	s6 =	simm.s32 $0xA;
	s7 =	simm.s32 $0x10;
	s5 =	sld [smem:$0x3FC4]  }
0x94: {  	[smem:s7], [sflag:s6] =	dma.local [hbm:s2], $0x1  }
0x95: {  	_ =	swait.eq [sflag:s6], $0x1  }
0x96: {  	s17 =	sld [smem:$0x10];
	[sflag:s6] =	ssyncset.done $0x0  }
0x97: {  	s18 =	sld [smem:$0x11];
	[sflag:s6] =	ssyncadd.s32 $0xFFFFFFFF  }
0x98: {  	s19 =	sld [smem:$0x12];
	(tm) =	ssettm $0x1  }
0x99: {  	s8 =	sld [smem:$0x3FFB];
	_ =	sdelay $0x3  }
0x9a: {  	_ =	strace s8  }
0x9b: {  	s8 =	sld [smem:$0x3FFC];
	_ =	sdelay $0x3  }
0x9c: {  	_ =	strace s8  }
0x9d: {  	s8 =	sld [smem:$0x3FFD];
	_ =	sdelay $0x3  }
0x9e: {  	_ =	strace s8  }
0x9f: {  	_ =	strace $0x8FFFFFFF  }
0xa0: {  	s20 =	sld [smem:$0x3FDB];
	_ =	sdelay $0x1  }
0xa1: {  	s9 =	simm.s32 $_scs_section_size  }
0xa2: {  	s10 =	simm.s32 $_size__tile_overlayer_lowered;
	s11 =	simm.s32 $_tile_overlayer_lowered  }
0xa3: {  	s23 =	simm.s32 $0x1BFF;
	s22 =	sshll.u32 s11, $0x1;
	s8 =	sadd.s32 s9, s20  }
0xa4: {  	s12 =	simm.s32 $0x0;
	s21 =	sshll.u32 s10, $0x1;
	s10 =	sadd.s32 s22, s8  }
0xa5: {  	[timem:s12], [sflag:s23] =	dma.local [hbm:s10], s21  }
0xa6: {  	_ =	swait.ge [sflag:s23], s21  }
0xa7: {  	s9 =	ssub.s32 $0x0, s21;
	[sflag:s23] =	ssyncset.done $0x0  }
0xa8: {  	[sflag:s23] =	ssyncadd.s32 s9;
	_ =	sdelay $0x1  }
0xa9: {  	s24 =	simm.s32 $0x1B8B  }
0xaa: {  	_ =	swait.ge [sflag:s24], $0x1  }
0xab: {  	[sflag:s24] =	ssyncset.done $0x0  }
0xac: {  	s25 =	simm.s32 $0x1B8E;
	[sflag:s24] =	ssyncadd.s32 $0xFFFFFFFF  }
0xad: {  	s26 =	simm.s32 $execute0_lowered;
	[smem:$0x3FD2] =	sst s25  }
0xae: {  	s9 =	sshll.u32 s26, $0x1;
	_ =	strace $0x80000046;
	[dreg:$0x1] =	wrdreg $0xFFFFFFFF  }
0xaf: {  	s28 =	simm.s32 $_size_execute0_lowered;
	s8 =	sadd.s32 s8, s9;
	[dreg:$0x0] =	wrdreg $0x0  }
0xb0: {  	s9 =	sshll.u32 s28, $0x1;
	[dreg:$0x2] =	wrdreg s8  }
0xb1: {  	[dreg:$0x3] =	wrdreg s9  }
0xb2: {  	[dreg:$0x4] =	wrdreg $0xC0  }
0xb3: {  	_ =	task [dreg:s12], $0x5FFFF  }
0xb4: {  	[dreg:$0x1] =	wrdreg $0xFFFFFFFF  }
0xb5: {  	[dreg:$0x0] =	wrdreg $0x60  }
0xb6: {  	[dreg:$0x2] =	wrdreg s19  }
0xb7: {  	[dreg:$0x3] =	wrdreg s4  }
0xb8: {  	[dreg:$0x4] =	wrdreg s18  }
0xb9: {  	[dreg:$0x5] =	wrdreg s5  }
0xba: {  	[dreg:$0x6] =	wrdreg s16  }
0xbb: {  	[dreg:$0x7] =	wrdreg s17  }
0xbc: {  	[dreg:$0x8] =	wrdreg $0x9  }
0xbd: {  	_ =	task.clear_ibuf [dreg:s12], $0x9FFFF;
	_ =	strace $0x90000046  }
0xbe: {  	s29 =	simm.s32 $0x9;
	_ =	strace $0x80000048  }
0xbf: {  	_ =	swait.ge [sflag:s29], $0x1  }
0xc0: {  	[sflag:s29] =	ssyncadd.s32 $0xFFFFFFFF  }
0xc1: {  	_ =	strace $0x90000048  }
0xc2: {  	_ =	sfence  }
0xc3: {  	s30 =	sld [smem:$0x0];
	_ =	sdelay $0x2  }
0xc4: {  	s31 =	sshll.u32 s1, $0xD;
	s1 =	sshrl.u32 s1, $0x2  }
0xc5: {  	s3 =	sand.u32 $0x4000, s31;
	s1 =	sadd.s32 s1, s30  }
0xc6: {  	s0 =	sor.u32 s3, s0;
	s1 =	sshll.u32 s1, $0x11  }
0xc7: {  	s0 =	sor.u32 s1, s0  }
0xc8: {  	s0 =	sadd.s32 $0x8F2B, s0  }
0xc9: {  	[sflag:s0] =	ssyncadd.remote.s32 $0x1  }
0xca: {  	_ =	sfence.sel $0xFFFF  }
0xcb: {  	[dreg:$0x0] =	wrdreg $0xFFFFFFFF;
	(pc) =	sbr.abs _section_cstart, $3  }
0xcc: {  	[dreg:$0x1] =	wrdreg $0xFFFFFFFF  }
0xcd: {  	_ =	task.clear_ibuf [dreg:s12], $0x2FFFF;
	_ =	strace $0x9FFFFFFF  }
0xce: {  	(tm) =	ssettm $0x7FFFFFFF  }
0xcf: {  	_ =	shalt  }
tec
execute0_lowered:
.L_overlay_start_1:
0x0: {  	(tag) =	ssettag $0x1  }
0x1: {  	s0 =	rddreg [dreg:$0x2]  }
0x2: {  	s1 =	rddreg [dreg:$0x3]  }
0x3: {  	s4 =	rddreg [dreg:$0x4]  }
0x4: {  	s2 =	rddreg [dreg:$0x5];
	s3 =	srdreg.scid  }
0x5: {  	s5 =	stileid.u32;
	s11 =	simm.s32 $0x3400;
	s12 =	simm.s32 $0x3000  }
0x6: {  	s14 =	simm.s32 $0x2;
	s15 =	simm.s32 $0x3C00;
	s16 =	simm.s32 $0x3C80  }
0x7: {  	s17 =	simm.s32 $0x1;
	s18 =	simm.s32 $0x1800;
	s19 =	simm.s32 $0x2000  }
0x8: {  	s20 =	simm.s32 $0x2800;
	s21 =	simm.s32 $0x80;
	s29 =	simm.s32 $0x4000  }
0x9: {  	s30 =	simm.s32 $0x4100;
	s31 =	simm.s32 $0x4200;
	s22 =	simm.s32 $0x3  }
0xa: {  	s24 =	simm.s32 $0x0;
	s3 =	sand.u32 $0x1, s3;
	s6 =	sshll.u32 s5, $0x1  }
0xb: {  	s5 =	simm.s32 $0x0;
	s7 =	ssub.s32 $0x2, s3;
	s3 =	sor.u32 s3, s6  }
0xc: {  	[smem:$0x7FF] =	sst s5;
	s25 =	sshrl.u32 s7, $0x1;
	s8 =	smul.u32 $0x60, s3  }
0xd: {  	_ =	strace $0x80000047;
	s26 =	sshll.u32 s3, $0xC;
	s28 =	sshll.u32 s3, $0x5  }
0xe: {  	s10 =	ssub.s32 s7, s25;
	s7 =	sadd.s32 s2, s26;
	s0 =	sadd.s32 s0, s8  }
0xf: {  	v0 =	vimm.s32 $0x400;
	v1 =	vlaneseq.u32;
	v2 =	vimm.s32 $0x0;
	s9 =	sadd.s32 $0x800, s7;
	[dreg:$0x7] =	wrdreg s0;
	s0 =	sadd.s32 s1, s28  }
0x10: {  	v3 =	vimm.s32 $0x200;
	v4 =	vadd.s32 $0x1, v1;
	v5 =	vmul.u32 $0x3, v1;
	s10 =	smax.u32 s10, $0x1;
	s8 =	simm.s32 $0x4300;
	[dreg:$0x8] =	wrdreg s0  }
.LBB2_1:
0x11: {  	s0 =	rddreg [dreg:$0x1]  }
0x12: {  	[tilespmem:s11], [sflag:$0x2] =	stream.linear.gather [hbm4b:s0+s5], $0x800, $0x38;
	[tilespmem:$0x18300] =	vst v63  }
0x13: {  	s6 =	rddreg [dreg:$0x0]  }
0x14: {  	[tilespmem:s5], [sflag:$0x2] =	stream.linear.gather [hbm4b:s6+s5], $0x1800, $0x38;
	[tilespmem:$0x18300] =	vst v63  }
0x15: {  	s13 =	rddreg [dreg:$0x7]  }
0x16: {  	[tilespmem:s12], [sflag:$0x2] =	stream.linear.gather [hbm4b:s13+s5], $0x300, $0x38;
	[tilespmem:$0x18300] =	vst v63  }
0x17: {  	s23 =	rddreg [dreg:$0x8];
	s1 =	simm.s32 $0x3300  }
0x18: {  	[tilespmem:s1], [sflag:$0x2] =	stream.linear.gather [hbm4b:s23+s5], $0x100, $0x38;
	[tilespmem:$0x18300] =	vst v63  }
0x19: {  	_ =	swait.ge [sflag:s14], $0x800  }
0x1a: {  	[sflag:s14] =	ssyncset.done $0x0  }
0x1b: {  	[sflag:s14] =	ssyncadd.s32 $0xFFFFF800  }
0x1c: {  	v6 =	vld.idx.msk [tilespmem:v0+s11+$0x0], $0xffff;
	_ =	sdelay $0x4  }
0x1d: {  	vm0 =	vlt.s32 v6, v1  }
0x1e: {  	v7 =	vsel vm0, $0x600, v3;
	_ =	sdelay $0x2  }
0x1f: {  	vm1 =	vlt.s32 v6, v4  }
0x20: {  	v6 =	vsel vm1, $0x600, v3  }
0x21: {  	v8 =	vld.idx.msk [tilespmem:v7+s11+$0x0], $0xffff;
	_ =	sdelay $0x3  }
0x22: {  	v9 =	vld.idx.msk [tilespmem:v6+s11+$0x0], $0xffff  }
0x23: {  	v10 =	vsel vm0, $0x800, v0;
	vm2 =	vlt.s32 v8, v1  }
0x24: {  	v11 =	vor.u32 $0x1, v7;
	v8 =	vsel vm0, $0x401, v2;
	v7 =	vsel vm2, v10, v7  }
0x25: {  	v8 =	vsel vm2, v11, v8;
	v10 =	vadd.s32 $0xFFFFFFFF, v7  }
0x26: {  	v12 =	vsel vm1, $0x401, v2;
	v11 =	vor.u32 v10, v8;
	v10 =	vxor.u32 v10, v8  }
0x27: {  	v13 =	vsel vm1, $0x800, v0;
	vm9 =	vlt.s32 v9, v4;
	v9 =	vshrl.u32 v10, $0x1  }
0x28: {  	v10 =	vor.u32 $0x1, v6;
	v6 =	vsel vm9, v13, v6;
	v9 =	vsub.s32 v11, v9  }
0x29: {  	v10 =	vsel vm9, v10, v12;
	v11 =	vadd.s32 $0xFFFFFFFF, v6  }
0x2a: {  	v12 =	vxor.u32 v11, v10  }
0x2b: {  	v11 =	vor.u32 v11, v10;
	v12 =	vshrl.u32 v12, $0x1  }
0x2c: {  	v11 =	vsub.s32 v11, v12  }
0x2d: {  	v12 =	vld.idx.msk [tilespmem:v9+s11+$0x0], $0xffff;
	_ =	sdelay $0x3  }
0x2e: {  	v13 =	vld.idx.msk [tilespmem:v11+s11+$0x0], $0xffff  }
0x2f: {  	vm10 =	vlt.s32 v12, v1;
	v12 =	vor.u32 $0x1, v9  }
0x30: {  	v8 =	vsel vm10, v12, v8;
	v7 =	vsel vm10, v7, v9  }
0x31: {  	v12 =	vxor.u32 v7, v8  }
0x32: {  	v9 =	vand.u32 v7, v8;
	v12 =	vshrl.u32 v12, $0x1  }
0x33: {  	vm11 =	vlt.s32 v13, v4;
	v13 =	vor.u32 $0x1, v11;
	v9 =	vadd.s32 v12, v9  }
0x34: {  	v10 =	vsel vm11, v13, v10;
	v6 =	vsel vm11, v6, v11  }
0x35: {  	v11 =	vxor.u32 v6, v10  }
0x36: {  	v12 =	vand.u32 v6, v10;
	v11 =	vshrl.u32 v11, $0x1  }
0x37: {  	v11 =	vadd.s32 v11, v12  }
0x38: {  	v12 =	vld.idx.msk [tilespmem:v9+s11+$0x0], $0xffff;
	_ =	sdelay $0x3  }
0x39: {  	v13 =	vld.idx.msk [tilespmem:v11+s11+$0x0], $0xffff  }
0x3a: {  	vm12 =	vlt.s32 v12, v1;
	v12 =	vadd.s32 $0x1, v9  }
0x3b: {  	v8 =	vsel vm12, v12, v8;
	v7 =	vsel vm12, v7, v9  }
0x3c: {  	v9 =	vadd.s32 v7, v8  }
0x3d: {  	v9 =	vshrl.u32 v9, $0x1  }
0x3e: {  	v12 =	vadd.s32 $0x1, v11;
	vm13 =	vlt.s32 v13, v4  }
0x3f: {  	v10 =	vsel vm13, v12, v10;
	v6 =	vsel vm13, v6, v11  }
0x40: {  	v11 =	vadd.s32 v6, v10  }
0x41: {  	v11 =	vshrl.u32 v11, $0x1  }
0x42: {  	v12 =	vld.idx.msk [tilespmem:v9+s11+$0x0], $0xffff;
	_ =	sdelay $0x3  }
0x43: {  	v13 =	vld.idx.msk [tilespmem:v11+s11+$0x0], $0xffff  }
0x44: {  	vm14 =	vlt.s32 v12, v1;
	v12 =	vadd.s32 $0x1, v9  }
0x45: {  	v8 =	vsel vm14, v12, v8;
	v7 =	vsel vm14, v7, v9  }
0x46: {  	v9 =	vadd.s32 v7, v8  }
0x47: {  	v9 =	vshrl.u32 v9, $0x1  }
0x48: {  	v12 =	vadd.s32 $0x1, v11;
	vm15 =	vlt.s32 v13, v4  }
0x49: {  	v10 =	vsel vm15, v12, v10;
	v6 =	vsel vm15, v6, v11  }
0x4a: {  	v11 =	vadd.s32 v6, v10  }
0x4b: {  	v11 =	vshrl.u32 v11, $0x1  }
0x4c: {  	v12 =	vld.idx.msk [tilespmem:v9+s11+$0x0], $0xffff;
	_ =	sdelay $0x3  }
0x4d: {  	v13 =	vld.idx.msk [tilespmem:v11+s11+$0x0], $0xffff  }
0x4e: {  	vm4 =	vlt.s32 v12, v1;
	v12 =	vadd.s32 $0x1, v9  }
0x4f: {  	v8 =	vsel vm4, v12, v8;
	v7 =	vsel vm4, v7, v9  }
0x50: {  	v9 =	vadd.s32 v7, v8  }
0x51: {  	v9 =	vshrl.u32 v9, $0x1  }
0x52: {  	v12 =	vadd.s32 $0x1, v11;
	vm5 =	vlt.s32 v13, v4  }
0x53: {  	v10 =	vsel vm5, v12, v10;
	v6 =	vsel vm5, v6, v11  }
0x54: {  	v11 =	vadd.s32 v6, v10  }
0x55: {  	v11 =	vshrl.u32 v11, $0x1  }
0x56: {  	v12 =	vld.idx.msk [tilespmem:v9+s11+$0x0], $0xffff;
	_ =	sdelay $0x3  }
0x57: {  	v13 =	vld.idx.msk [tilespmem:v11+s11+$0x0], $0xffff  }
0x58: {  	vm6 =	vlt.s32 v12, v1;
	v12 =	vadd.s32 $0x1, v9  }
0x59: {  	v8 =	vsel vm6, v12, v8;
	v7 =	vsel vm6, v7, v9  }
0x5a: {  	v9 =	vadd.s32 v7, v8  }
0x5b: {  	v9 =	vshrl.u32 v9, $0x1  }
0x5c: {  	v12 =	vadd.s32 $0x1, v11;
	vm7 =	vlt.s32 v13, v4  }
0x5d: {  	v10 =	vsel vm7, v12, v10;
	v6 =	vsel vm7, v6, v11  }
0x5e: {  	v11 =	vadd.s32 v6, v10  }
0x5f: {  	v11 =	vshrl.u32 v11, $0x1  }
0x60: {  	v12 =	vld.idx.msk [tilespmem:v9+s11+$0x0], $0xffff;
	_ =	sdelay $0x3  }
0x61: {  	v13 =	vld.idx.msk [tilespmem:v11+s11+$0x0], $0xffff  }
0x62: {  	vm8 =	vlt.s32 v12, v1;
	v12 =	vadd.s32 $0x1, v9  }
0x63: {  	v8 =	vsel vm8, v12, v8;
	v7 =	vsel vm8, v7, v9  }
0x64: {  	v9 =	vadd.s32 v7, v8  }
0x65: {  	v9 =	vshrl.u32 v9, $0x1  }
0x66: {  	v12 =	vadd.s32 $0x1, v11;
	vm9 =	vlt.s32 v13, v4  }
0x67: {  	v10 =	vsel vm9, v12, v10;
	v6 =	vsel vm9, v6, v11  }
0x68: {  	v11 =	vadd.s32 v6, v10  }
0x69: {  	v11 =	vshrl.u32 v11, $0x1  }
0x6a: {  	v12 =	vld.idx.msk [tilespmem:v9+s11+$0x0], $0xffff;
	_ =	sdelay $0x3  }
0x6b: {  	v13 =	vld.idx.msk [tilespmem:v11+s11+$0x0], $0xffff  }
0x6c: {  	vm10 =	vlt.s32 v12, v1;
	v12 =	vadd.s32 $0x1, v9  }
0x6d: {  	v8 =	vsel vm10, v12, v8;
	v7 =	vsel vm10, v7, v9  }
0x6e: {  	v9 =	vadd.s32 v7, v8  }
0x6f: {  	v9 =	vshrl.u32 v9, $0x1  }
0x70: {  	v12 =	vadd.s32 $0x1, v11;
	vm11 =	vlt.s32 v13, v4  }
0x71: {  	v10 =	vsel vm11, v12, v10;
	v6 =	vsel vm11, v6, v11  }
0x72: {  	v11 =	vadd.s32 v6, v10  }
0x73: {  	v11 =	vshrl.u32 v11, $0x1  }
0x74: {  	v12 =	vld.idx.msk [tilespmem:v9+s11+$0x0], $0xffff;
	_ =	sdelay $0x3  }
0x75: {  	v13 =	vld.idx.msk [tilespmem:v11+s11+$0x0], $0xffff  }
0x76: {  	vm12 =	vlt.s32 v12, v1;
	v12 =	vadd.s32 $0x1, v9  }
0x77: {  	v8 =	vsel vm12, v12, v8;
	v7 =	vsel vm12, v7, v9  }
0x78: {  	v7 =	vadd.s32 v7, v8  }
0x79: {  	v7 =	vshrl.u32 v7, $0x1  }
0x7a: {  	v9 =	vadd.s32 $0x1, v11;
	vm13 =	vlt.s32 v13, v4  }
0x7b: {  	v9 =	vsel vm13, v9, v10;
	v6 =	vsel vm13, v6, v11  }
0x7c: {  	v6 =	vadd.s32 v6, v9  }
0x7d: {  	v6 =	vshrl.u32 v6, $0x1  }
0x7e: {  	v10 =	vld.idx.msk [tilespmem:v7+s11+$0x0], $0xffff;
	_ =	sdelay $0x3  }
0x7f: {  	v11 =	vld.idx.msk [tilespmem:v6+s11+$0x0], $0xffff  }
0x80: {  	s25 =	simm.s32 $0x30;
	v7 =	vadd.s32 $0x1, v7;
	vm14 =	vlt.s32 v10, v1  }
0x81: {  	s26 =	simm.s32 $0x10;
	v7 =	vsel vm14, v7, v8;
	v8 =	vmov s25  }
0x82: {  	v10 =	vmov s26;
	v8 =	vmul.u32 $0x3, v8  }
0x83: {  	s28 =	simm.s32 $0x20;
	v12 =	vmov s5;
	v6 =	vadd.s32 $0x1, v6;
	v10 =	vmul.u32 $0x3, v10  }
0x84: {  	vm15 =	vlt.s32 v11, v4;
	v11 =	vmov s28;
	v8 =	vbroadcast v8, $0x0  }
0x85: {  	v10 =	vbroadcast v10, $0x0;
	v11 =	vmul.u32 $0x3, v11;
	v6 =	vsel vm15, v6, v9  }
0x86: {  	[tilespmem:$0x3C00] =	vst v7;
	v9 =	vmul.u32 $0x3, v12;
	v6 =	vsub.s32 v6, v7;
	v7 =	vadd.s32 v5, v8  }
0x87: {  	s1 =	simm.s32 $0x70;
	v12 =	vadd.s32 v5, v10;
	v11 =	vbroadcast v11, $0x0;
	[tilespmem:$0x3C80] =	vst v6  }
0x88: {  	v15 =	vmov s1;
	v9 =	vbroadcast v9, $0x0;
	_ =	swait.ge [sflag:s14], $0x1800  }
0x89: {  	v15 =	vmul.u32 $0x3, v15;
	v13 =	vadd.s32 v5, v11;
	[sflag:s14] =	ssyncset.done $0x0  }
0x8a: {  	s2 =	simm.s32 $0x50;
	v14 =	vor.u32 v5, v9;
	[sflag:s14] =	ssyncadd.s32 $0xFFFFE800  }
0x8b: {  	v16 =	vmov s2;
	v24 =	vbroadcast v15, $0x0;
	v6 =	vadd.s32 $0x1, v5;
	v7 =	vld.idx.msk [tilespmem:v7+s5+$0x0], $0xffff  }
0x8c: {  	v16 =	vmul.u32 $0x3, v16;
	s6 =	simm.s32 $0x60;
	v17 =	vadd.s32 v6, v8;
	v12 =	vld.idx.msk [tilespmem:v12+s5+$0x0], $0xffff  }
0x8d: {  	v20 =	vmov s6;
	v21 =	vadd.s32 v5, v24  }
0x8e: {  	s3 =	simm.s32 $0x40;
	v25 =	vbroadcast v16, $0x0;
	v20 =	vmul.u32 $0x3, v20;
	v19 =	vadd.s32 v6, v10;
	v13 =	vld.idx.msk [tilespmem:v13+s5+$0x0], $0xffff  }
0x8f: {  	v18 =	vmov s3;
	s13 =	simm.s32 $0x1820;
	v15 =	vadd.s32 v6, v11;
	v14 =	vld.idx.msk [tilespmem:v14+s5+$0x0], $0xffff  }
0x90: {  	v18 =	vmul.u32 $0x3, v18;
	v26 =	vbroadcast v20, $0x0;
	v20 =	vadd.s32 v5, v25;
	[tilespmem:s13+$0x10] =	vst v7  }
0x91: {  	v16 =	vor.u32 v6, v9;
	[tilespmem:s13+$0xFFFFFFF0] =	vst v12;
	v7 =	vadd.s32 $0x2, v5;
	v12 =	vld.idx.msk [tilespmem:v17+s5+$0x0], $0xffff  }
0x92: {  	v27 =	vbroadcast v18, $0x0;
	v18 =	vld.idx.msk [tilespmem:v21+s5+$0x0], $0xffff;
	v8 =	vadd.s32 v7, v8  }
0x93: {  	v17 =	vld.idx.msk [tilespmem:v19+s5+$0x0], $0xffff;
	[tilespmem:s13+$0x0] =	vst v13;
	v13 =	vadd.s32 v5, v26  }
0x94: {  	[tilespmem:s13+$0xFFFFFFE0] =	vst v14;
	v14 =	vld.idx.msk [tilespmem:v15+s5+$0x0], $0xffff;
	v15 =	vor.u32 v5, v27  }
0x95: {  	s23 =	simm.s32 $0x2020;
	v19 =	vld.idx.msk [tilespmem:v20+s5+$0x0], $0xffff;
	v20 =	vadd.s32 v6, v24  }
0x96: {  	s25 =	simm.s32 $0xB0;
	v10 =	vadd.s32 v7, v10;
	v16 =	vld.idx.msk [tilespmem:v16+s5+$0x0], $0xffff;
	[tilespmem:s23+$0x10] =	vst v12  }
0x97: {  	s2 =	simm.s32 $0x90;
	s1 =	simm.s32 $0x1860;
	v29 =	vadd.s32 v6, v26;
	v11 =	vadd.s32 v7, v11;
	v12 =	vmov s25;
	v21 =	vld.idx.msk [tilespmem:v8+s5+$0x0], $0xffff  }
0x98: {  	[tilespmem:s1+$0x10] =	vst v18;
	v23 =	vor.u32 v7, v9;
	v8 =	vmov s2;
	v9 =	vmul.u32 $0x3, v12;
	v12 =	vld.idx.msk [tilespmem:v13+s5+$0x0], $0xffff  }
0x99: {  	s26 =	simm.s32 $0x80;
	s28 =	simm.s32 $0xA0;
	v31 =	vor.u32 v6, v27;
	[tilespmem:s23+$0xFFFFFFF0] =	vst v17;
	v17 =	vmul.u32 $0x3, v8;
	v28 =	vld.idx.msk [tilespmem:v15+s5+$0x0], $0xffff;
	v15 =	vadd.s32 v6, v25  }
0x9a: {  	v22 =	vld.idx.msk [tilespmem:v20+s5+$0x0], $0xffff;
	v13 =	vmov s26;
	[tilespmem:s23+$0x0] =	vst v14;
	v14 =	vmov s28;
	v8 =	vbroadcast v9, $0x0  }
0x9b: {  	[tilespmem:s1+$0xFFFFFFF0] =	vst v19;
	v30 =	vld.idx.msk [tilespmem:v10+s5+$0x0], $0xffff;
	v10 =	vmul.u32 $0x3, v13;
	v13 =	vmul.u32 $0x3, v14;
	v9 =	vbroadcast v17, $0x0  }
0x9c: {  	s0 =	simm.s32 $0x2820;
	[tilespmem:s23+$0xFFFFFFE0] =	vst v16;
	v32 =	vld.idx.msk [tilespmem:v11+s5+$0x0], $0xffff;
	v33 =	vadd.s32 v5, v8  }
0x9d: {  	v18 =	vld.idx.msk [tilespmem:v23+s5+$0x0], $0xffff;
	v11 =	vbroadcast v13, $0x0;
	[tilespmem:s0+$0x10] =	vst v21;
	v23 =	vadd.s32 v5, v9  }
0x9e: {  	v24 =	vadd.s32 v7, v24;
	v10 =	vbroadcast v10, $0x0;
	[tilespmem:s1+$0x0] =	vst v12;
	v16 =	vld.idx.msk [tilespmem:v15+s5+$0x0], $0xffff  }
0x9f: {  	v17 =	vadd.s32 v5, v11;
	[tilespmem:s1+$0xFFFFFFE0] =	vst v28;
	v21 =	vld.idx.msk [tilespmem:v29+s5+$0x0], $0xffff  }
0xa0: {  	v14 =	vadd.s32 v7, v25;
	[tilespmem:s0+$0xFFFFFFF0] =	vst v30;
	v15 =	vor.u32 v5, v10;
	v20 =	vld.idx.msk [tilespmem:v31+s5+$0x0], $0xffff  }
0xa1: {  	s3 =	simm.s32 $0x8;
	s13 =	simm.s32 $0xC0;
	s2 =	simm.s32 $0x2060;
	v13 =	vadd.s32 v7, v26;
	v12 =	vor.u32 v7, v27;
	[tilespmem:s0+$0x0] =	vst v32;
	v19 =	vld.idx.msk [tilespmem:v33+s5+$0x0], $0xffff  }
.LBB2_2:
0xa2: {  	v25 =	vmov s13;
	s23 =	sadd.s32 $0x10, s13;
	s25 =	sadd.s32 $0x30, s13;
	s3 =	sadd.s32 $0x4, s3;
	v26 =	vld.idx.msk [tilespmem:v23+s5+$0x0], $0xffff;
	[tilespmem:s2+$0x10] =	vst v22  }
0xa3: {  	v27 =	vadd.s32 v6, v8;
	v22 =	vmov s23;
	s23 =	sadd.s32 $0x20, s13;
	v23 =	vmov s25;
	p0 =	slt.u32 s3, $0x7C;
	v24 =	vld.idx.msk [tilespmem:v24+s5+$0x0], $0xffff;
	[tilespmem:s0+$0xFFFFFFE0] =	vst v18  }
0xa4: {  	v18 =	vmul.u32 $0x3, v22;
	v22 =	vmov s23;
	v23 =	vmul.u32 $0x3, v23;
	v28 =	vld.idx.msk [tilespmem:v17+s5+$0x0], $0xffff;
	[tilespmem:s2+$0xFFFFFFF0] =	vst v16  }
0xa5: {  	v29 =	vadd.s32 v6, v9;
	v16 =	vmul.u32 $0x3, v25;
	v17 =	vmul.u32 $0x3, v22;
	v25 =	vld.idx.msk [tilespmem:v15+s5+$0x0], $0xffff;
	[tilespmem:s2+$0x0] =	vst v21  }
0xa6: {  	v31 =	vadd.s32 v6, v11;
	s1 =	sadd.s32 $0x40, s1;
	v21 =	vbroadcast v18, $0x0;
	v30 =	vbroadcast v23, $0x0;
	[tilespmem:s2+$0xFFFFFFE0] =	vst v20;
	v32 =	vld.idx.msk [tilespmem:v14+s5+$0x0], $0xffff  }
0xa7: {  	v33 =	vbroadcast v16, $0x0;
	v20 =	vor.u32 v6, v10;
	v34 =	vbroadcast v17, $0x0;
	[tilespmem:s1+$0x10] =	vst v19;
	v35 =	vld.idx.msk [tilespmem:v13+s5+$0x0], $0xffff  }
0xa8: {  	s0 =	sadd.s32 $0x40, s0;
	v23 =	vadd.s32 v5, v21;
	v19 =	vadd.s32 v5, v30;
	[tilespmem:s1+$0xFFFFFFF0] =	vst v26;
	v22 =	vld.idx.msk [tilespmem:v27+s5+$0x0], $0xffff  }
.Ltmp0:
0xa9: {  	v15 =	vor.u32 v5, v33;
	v17 =	vadd.s32 v5, v34;
	v18 =	vld.idx.msk [tilespmem:v12+s5+$0x0], $0xffff;
	[tilespmem:s0+$0x10] =	vst v24;
	(pc) =	sbr.rel @p0 .LBB2_2-.Ltmp0, $4  }
0xaa: {  	v14 =	vadd.s32 v7, v9;
	v9 =	vmov v21;
	v24 =	vadd.s32 v7, v8;
	v16 =	vld.idx.msk [tilespmem:v29+s5+$0x0], $0xffff;
	[tilespmem:s1+$0x0] =	vst v28  }
0xab: {  	v13 =	vadd.s32 v7, v11;
	v12 =	vor.u32 v7, v10;
	v8 =	vmov v30;
	[tilespmem:s1+$0xFFFFFFE0] =	vst v25;
	v21 =	vld.idx.msk [tilespmem:v31+s5+$0x0], $0xffff  }
0xac: {  	v10 =	vmov v33;
	v11 =	vmov v34;
	v20 =	vld.idx.msk [tilespmem:v20+s5+$0x0], $0xffff;
	[tilespmem:s0+$0xFFFFFFF0] =	vst v32  }
0xad: {  	s13 =	sadd.s32 $0x40, s13;
	s2 =	sadd.s32 $0x40, s2;
	v19 =	vld.idx.msk [tilespmem:v19+s5+$0x0], $0xffff;
	[tilespmem:s0+$0x0] =	vst v35  }
0xae: {  	_ =	sdelay $0x2  }
0xaf: {  	[tilespmem:s2+$0x10] =	vst v22  }
0xb0: {  	v53 =	vld.idx.msk [tilespmem:v23+s5+$0x0], $0xffff;
	v54 =	vadd.s32 v6, v8;
	[tilespmem:s0+$0xFFFFFFE0] =	vst v18  }
0xb1: {  	v17 =	vld.idx.msk [tilespmem:v17+s5+$0x0], $0xffff;
	v55 =	vadd.s32 v6, v9;
	[tilespmem:s2+$0xFFFFFFF0] =	vst v16  }
0xb2: {  	v15 =	vld.idx.msk [tilespmem:v15+s5+$0x0], $0xffff;
	v56 =	vadd.s32 v6, v11;
	[tilespmem:s2+$0x0] =	vst v21  }
0xb3: {  	s1 =	sadd.s32 $0x40, s1;
	v58 =	vor.u32 v6, v10;
	v57 =	vld.idx.msk [tilespmem:v24+s5+$0x0], $0xffff;
	[tilespmem:s2+$0xFFFFFFE0] =	vst v20  }
0xb4: {  	v14 =	vld.idx.msk [tilespmem:v14+s5+$0x0], $0xffff;
	[tilespmem:s1+$0x10] =	vst v19  }
0xb5: {  	[tilespmem:s1+$0xFFFFFFF0] =	vst v53;
	v19 =	vld.idx.msk [tilespmem:v54+s5+$0x0], $0xffff  }
0xb6: {  	v8 =	vadd.s32 v7, v8;
	[tilespmem:s1+$0x0] =	vst v17;
	v16 =	vld.idx.msk [tilespmem:v55+s5+$0x0], $0xffff  }
0xb7: {  	s26 =	sadd.s32 $0x40, s0;
	v59 =	vadd.s32 v7, v9;
	[tilespmem:s1+$0xFFFFFFE0] =	vst v15;
	v60 =	vld.idx.msk [tilespmem:v56+s5+$0x0], $0xffff  }
0xb8: {  	v61 =	vadd.s32 v7, v11;
	[tilespmem:s26+$0x10] =	vst v57;
	v62 =	vld.idx.msk [tilespmem:v58+s5+$0x0], $0xffff  }
0xb9: {  	v63 =	vor.u32 v7, v10;
	s28 =	sadd.s32 $0x40, s2;
	v13 =	vld.idx.msk [tilespmem:v13+s5+$0x0], $0xffff;
	[tilespmem:s26+$0xFFFFFFF0] =	vst v14  }
0xba: {  	v12 =	vld.idx.msk [tilespmem:v12+s5+$0x0], $0xffff;
	[tilespmem:s28+$0x10] =	vst v19  }
0xbb: {  	v8 =	vld.idx.msk [tilespmem:v8+s5+$0x0], $0xffff;
	[tilespmem:s28+$0xFFFFFFF0] =	vst v16  }
0xbc: {  	[tilespmem:s28+$0x0] =	vst v60;
	v9 =	vld.idx.msk [tilespmem:v59+s5+$0x0], $0xffff  }
0xbd: {  	[tilespmem:s28+$0xFFFFFFE0] =	vst v62;
	v11 =	vld.idx.msk [tilespmem:v61+s5+$0x0], $0xffff  }
0xbe: {  	[tilespmem:s26+$0x0] =	vst v13;
	v10 =	vld.idx.msk [tilespmem:v63+s5+$0x0], $0xffff  }
0xbf: {  	s0 =	sadd.s32 $0x40, s26;
	[tilespmem:s26+$0xFFFFFFE0] =	vst v12  }
0xc0: {  	[tilespmem:s0+$0x10] =	vst v8  }
0xc1: {  	[tilespmem:s0+$0xFFFFFFF0] =	vst v9  }
0xc2: {  	[tilespmem:s0+$0x0] =	vst v11  }
0xc3: {  	[tilespmem:s0+$0xFFFFFFE0] =	vst v10  }
0xc4: {  	_ =	swait.ge [sflag:s14], $0x300  }
.Ltmp1:
0xc5: {  	[sflag:s14] =	ssyncset.done $0x0;
	(pc) =	sbr.rel .LBB2_4-.Ltmp1, $4  }
0xc6: {  	[sflag:s14] =	ssyncadd.s32 $0xFFFFFD00  }
0xc7: {  	_ =	swait.ge [sflag:s14], $0x100  }
0xc8: {  	[sflag:s14] =	ssyncset.done $0x0  }
0xc9: {  	s0 =	simm.s32 $0x0;
	[sflag:s14] =	ssyncadd.s32 $0xFFFFFF00  }
.LBB2_5:
0xca: {  	v13 =	vimm.s32 $0x0;
	v15 =	vimm.f32 $+Inf;
	v16 =	vimm.f32 $+Inf  }
0xcb: {  	v14 =	vimm.f32 $+Inf;
	v18 =	vimm.s32 $0x0;
	v17 =	vimm.s32 $0x0  }
.LBB2_6:
0xcc: {  	s3 =	ssub.s32 s3, s2  }
0xcd: {  	p0 =	slt.s32 s3, $0x1  }
0xce: {  	s3 =	sshll.u32 @!p0 s2, $0x1  }
0xcf: {  	v19 =	vmov @!p0 s3  }
0xd0: {  	s2 =	sshllo.u32 @!p0 s2, $0x1;
	vm0 =	vlt.s32 @!p0 v19, v8;
	v19 =	vadd.s32 @!p0 s3, v12  }
0xd1: {  	v20 =	vmov @!p0 s2;
	v19 =	vnsel @!p0 vm0, $0x0, v19  }
0xd2: {  	vm1 =	vlt.s32 @!p0 v20, v8;
	v8 =	vadd.s32 @!p0 s2, v12  }
0xd3: {  	v8 =	vnsel @!p0 vm1, $0x0, v8;
	_ =	sdelay $0x1  }
0xd4: {  	s2 =	simm.s32 @!p0 $0x1800  }
0xd5: {  	s3 =	simm.s32 @!p0 $0x2000;
	v12 =	vld.idx.msk @!p0 [tilespmem:v19+s2+$0x0], $0xffff  }
0xd6: {  	v20 =	vld.idx.msk @!p0 [tilespmem:v19+s3+$0x0], $0xffff  }
0xd7: {  	v21 =	vld.idx.msk @!p0 [tilespmem:v8+s2+$0x0], $0xffff  }
0xd8: {  	s2 =	simm.s32 @!p0 $0x2800;
	v22 =	vld.idx.msk @!p0 [tilespmem:v8+s3+$0x0], $0xffff  }
0xd9: {  	v23 =	vld.idx.msk @!p0 [tilespmem:v19+s2+$0x0], $0xffff  }
0xda: {  	v24 =	vld.idx.msk @!p0 [tilespmem:v8+s2+$0x0], $0xffff;
	_ =	sdelay $0x1  }
0xdb: {  	v12 =	vsub.f32 @!p0 v10, v12  }
0xdc: {  	v20 =	vsub.f32 @!p0 v11, v20;
	v10 =	vsub.f32 @!p0 v10, v21  }
0xdd: {  	v11 =	vsub.f32 @!p0 v11, v22;
	v21 =	vsub.f32 @!p0 v9, v23  }
0xde: {  	v9 =	vsub.f32 @!p0 v9, v24;
	v12 =	vmul.f32 @!p0 v12, v12;
	v20 =	vmul.f32 @!p0 v20, v20  }
0xdf: {  	v10 =	vmul.f32 @!p0 v10, v10;
	v11 =	vmul.f32 @!p0 v11, v11  }
0xe0: {  	v9 =	vmul.f32 @!p0 v9, v9  }
0xe1: {  	v12 =	vadd.f32 @!p0 v20, v12;
	v20 =	vmul.f32 @!p0 v21, v21;
	v10 =	vadd.f32 @!p0 v11, v10;
	_ =	sdelay $0x1  }
0xe2: {  	v11 =	vadd.f32 @!p0 v20, v12;
	v9 =	vadd.f32 @!p0 v9, v10;
	_ =	sdelay $0x1  }
0xe3: {  	v10 =	vnsel @!p0 vm0, $0x7F800000, v11;
	v9 =	vnsel @!p0 vm1, $0x7F800000, v9  }
0xe4: {  	vm0 =	vlt.f32 @!p0 v10, v15;
	vm2 =	vlt.f32 @!p0 v10, v16;
	vm3 =	vlt.f32 @!p0 v10, v14  }
0xe5: {  	v11 =	vsel @!p0 vm0, v10, v15;
	v12 =	vsel @!p0 vm0, v19, v13;
	v22 =	vsel @!p0 vm2, v10, v16  }
0xe6: {  	v23 =	vsel @!p0 vm2, v19, v18;
	v10 =	vsel @!p0 vm3, v10, v14;
	v19 =	vsel @!p0 vm3, v19, v17  }
0xe7: {  	vm1 =	vlt.f32 @!p0 v9, v11;
	v22 =	vsel @!p0 vm0, v15, v22;
	v23 =	vsel @!p0 vm0, v13, v23  }
0xe8: {  	v10 =	vsel @!p0 vm2, v16, v10;
	v20 =	vsel @!p0 vm1, v8, v12;
	vm0 =	vlt.f32 @!p0 v9, v22  }
0xe9: {  	v21 =	vsel @!p0 vm1, v9, v11;
	vm3 =	vlt.f32 @!p0 v9, v10;
	v24 =	vsel @!p0 vm0, v8, v23  }
0xea: {  	v24 =	vsel @!p0 vm1, v12, v24;
	v12 =	vsel @!p0 vm2, v18, v19;
	v19 =	vsel @!p0 vm0, v9, v22  }
0xeb: {  	v54 =	vpsel p0, v15, v21;
	v9 =	vsel @!p0 vm3, v9, v10;
	v10 =	vsel @!p0 vm1, v11, v19  }
0xec: {  	v59 =	vmax.f32 v54, $1.000000020e-16;
	v8 =	vsel @!p0 vm3, v8, v12;
	v55 =	vpsel p0, v16, v10  }
0xed: {  	v9 =	vsel @!p0 vm0, v22, v9;
	(erf) = vrcp.f32 v59;
	v12 =	vmax.f32 v55, $1.000000020e-16  }
0xee: {  	v56 =	vpsel p0, v14, v9;
	(erf) = vrcp.f32 v12  }
0xef: {  	v11 =	vmax.f32 v56, $1.000000020e-16  }
0xf0: {  	(erf) = vrcp.f32 v11;
	_ =	sdelay $0x5  }
0xf1: {  	v60 =	vpop (erf)  }
0xf2: {  	v12 =	vpop (erf)  }
0xf3: {  	v61 =	vadd.f32 v12, v60  }
0xf4: {  	v62 =	vpop (erf)  }
0xf5: {  	v57 =	vpsel p0, v13, v20;
	v13 =	vadd.f32 v62, v61;
	_ =	sdelay $0x1  }
0xf6: {  	(erf) = vrcp.f32 v13;
	_ =	sdelay $0x7  }
0xf7: {  	s0 =	sadd.s32 $0x1, s0;
	v8 =	vsel @!p0 vm0, v23, v8  }
0xf8: {  	[tilespmem:s1+$0x3D00] =	vst v57;
	v58 =	vpsel p0, v18, v24;
	v8 =	vpsel p0, v17, v8;
	p0 =	sne.s32 s0, $0x8;
	v13 =	vpop (erf)  }
.Ltmp2:
0xf9: {  	[tilespmem:s1+$0x3E00] =	vst v58;
	v11 =	vmul.f32 v13, v60;
	(pc) =	sbr.rel @!p0 .LBB2_7-.Ltmp2, $4  }
0xfa: {  	[tilespmem:s1+$0x3F00] =	vst v8;
	v12 =	vmul.f32 v13, v12  }
0xfb: {  	v63 =	vmul.f32 v13, v62;
	[tilespmem:s1+$0x4000] =	vst v11  }
0xfc: {  	[tilespmem:s1+$0x4100] =	vst v12  }
0xfd: {  	[tilespmem:s1+$0x4200] =	vst v63  }
.LBB2_4:
0xfe: {  	s1 =	sshll.u32 s0, $0x4  }
0xff: {  	v12 =	vld [tilespmem:s1+$0x3300];
	_ =	sdelay $0x7  }
0x100: {  	v8 =	vld.idx.msk [tilespmem:v12+s16+$0x0], $0xffff;
	_ =	sdelay $0x4  }
0x101: {  	v9 =	vxor.u32 $0x80000000, v8  }
0x102: {  	(xrf0) =	vmax.scan.msk.u32 $0xffff, v9;
	_ =	sdelay $0x5  }
0x103: {  	v9, _, _ =	vpop (xrf0)  }
0x104: {  	(v2sf) =	vpush v9, $0xF;
	_ =	sdelay $0xe  }
0x105: {  	s2 =	spop (v2sf)  }
0x106: {  	s3 =	sadd.s32 $0x80000001, s2;
	p0 =	slt.s32 s2, $0xFFFFFFFF;
	s2 =	simm.s32 $0x1  }
0x107: {  	s2 =	simm.s32 @!p0 $0x0;
	s13 =	sshra.s32 s3, $0x1F  }
0x108: {  	s26 =	sand.u32 $0x1, s3;
	s2 =	sadd.s32 s2, s13  }
0x109: {  	p1 =	seq.s32 s26, $0x1;
	p6 =	sne.s32 s2, $0x1  }
0x10a: {  	v9 =	vmov s1;
	s28 =	sshrl.u32 s3, $0x1F;
	p0 =	por !p6, !p1  }
0x10b: {  	v9 =	vmul.u32 $0x3, v9;
	s2 =	sadd.s32 s28, s3;
	s3 =	simm.s32 $0x1;
	p0 =	por !p0, !p0  }
0x10c: {  	s2 =	sshra.s32 s2, $0x1;
	s3 =	simm.s32 @!p0 $0x0  }
0x10d: {  	v9 =	vbroadcast v9, $0x0;
	s3 =	ssub.s32 s2, s3  }
0x10e: {  	s2 =	sshrl.u32 s3, $0x1F  }
0x10f: {  	v10 =	vadd.s32 v5, v9;
	s2 =	sadd.s32 s2, s3  }
0x110: {  	v11 =	vadd.s32 v6, v9;
	v9 =	vadd.s32 v7, v9;
	s2 =	sand.u32 $0xFFFFFFFE, s2  }
0x111: {  	p0 =	slt.s32 s2, $0x1  }
.Ltmp3:
0x112: {  	_ = 	snop;
	(pc) =	sbr.rel @p0 .LBB2_5-.Ltmp3, $4  }
0x113: {  	v12 =	vld.idx.msk [tilespmem:v12+s15+$0x0], $0xffff  }
0x114: {  	v10 =	vld.idx.msk [tilespmem:v10+s12+$0x0], $0xffff  }
0x115: {  	v9 =	vld.idx.msk [tilespmem:v9+s12+$0x0], $0xffff  }
0x116: {  	v11 =	vld.idx.msk [tilespmem:v11+s12+$0x0], $0xffff  }
0x117: {  	s13 =	simm.s32 $0x0  }
0x118: {  	v13 =	vmov s13  }
0x119: {  	vm1 =	vlt.s32 v13, v8;
	v13 =	vadd.s32 s13, v12  }
0x11a: {  	s28 =	simm.s32 $0x1;
	v19 =	vnsel vm1, $0x0, v13  }
0x11b: {  	v13 =	vmov s28  }
0x11c: {  	vm2 =	vlt.s32 v13, v8;
	v13 =	vadd.s32 s28, v12  }
0x11d: {  	v15 =	vnsel vm2, $0x0, v13;
	_ =	sdelay $0x1  }
0x11e: {  	v14 =	vld.idx.msk [tilespmem:v19+s18+$0x0], $0xffff  }
0x11f: {  	v18 =	vld.idx.msk [tilespmem:v19+s19+$0x0], $0xffff  }
0x120: {  	v20 =	vld.idx.msk [tilespmem:v19+s20+$0x0], $0xffff  }
0x121: {  	s13 =	simm.s32 $0x2;
	v21 =	vld.idx.msk [tilespmem:v15+s19+$0x0], $0xffff  }
0x122: {  	v13 =	vmov s13;
	v22 =	vld.idx.msk [tilespmem:v15+s18+$0x0], $0xffff  }
0x123: {  	v23 =	vadd.s32 s13, v12;
	vm3 =	vlt.s32 v13, v8  }
0x124: {  	v13 =	vnsel vm3, $0x0, v23;
	v23 =	vld.idx.msk [tilespmem:v15+s20+$0x0], $0xffff;
	v14 =	vsub.f32 v10, v14;
	v18 =	vsub.f32 v11, v18;
	_ =	sdelay $0x1  }
0x125: {  	v20 =	vsub.f32 v9, v20;
	v14 =	vmul.f32 v14, v14;
	v18 =	vmul.f32 v18, v18  }
0x126: {  	s23 =	simm.s32 $0x3;
	v22 =	vsub.f32 v10, v22;
	v21 =	vsub.f32 v11, v21  }
0x127: {  	v24 =	vmov s23;
	v20 =	vmul.f32 v20, v20;
	v14 =	vadd.f32 v18, v14  }
0x128: {  	v18 =	vsub.f32 v9, v23;
	v22 =	vmul.f32 v22, v22;
	v21 =	vmul.f32 v21, v21  }
0x129: {  	vm0 =	vlt.s32 v24, v8;
	v14 =	vadd.f32 v20, v14  }
0x12a: {  	v23 =	vld.idx.msk [tilespmem:v13+s18+$0x0], $0xffff;
	v20 =	vadd.s32 s23, v12;
	v18 =	vmul.f32 v18, v18;
	v21 =	vadd.f32 v21, v22  }
0x12b: {  	v17 =	vimm.f32 $+Inf;
	v24 =	vld.idx.msk [tilespmem:v13+s19+$0x0], $0xffff;
	v22 =	vnsel vm1, $0x7F800000, v14;
	v14 =	vnsel vm0, $0x0, v20  }
0x12c: {  	v25 =	vld.idx.msk [tilespmem:v13+s20+$0x0], $0xffff;
	v20 =	vadd.f32 v18, v21;
	vm5 =	vlt.f32 v22, v17  }
0x12d: {  	v18 =	vsel vm5, v22, v17  }
0x12e: {  	v16 =	vimm.s32 $0x0;
	p0 =	sgt.s32 s2, $0x2;
	v26 =	vsel vm5, v17, v18;
	v17 =	vnsel vm2, $0x7F800000, v20  }
.Ltmp4:
0x12f: {  	vm1 =	vmmov vm3;
	v29 =	vsub.f32 v10, v23;
	vm3 =	vlt.f32 v17, v26;
	(pc) =	sbr.rel @!p0 .LBB2_19-.Ltmp4, $4  }
0x130: {  	v19 =	vsel vm5, v19, v16;
	v20 =	vsub.f32 v11, v24;
	v23 =	vld.idx.msk [tilespmem:v14+s20+$0x0], $0xffff;
	v24 =	vsel vm3, v17, v26  }
0x131: {  	v21 =	vsub.f32 v9, v25;
	v28 =	vsel vm5, v16, v19;
	v29 =	vmul.f32 v29, v29;
	v22 =	vld.idx.msk [tilespmem:v14+s19+$0x0], $0xffff  }
0x132: {  	vm4 =	vlt.f32 v17, v18;
	v27 =	vmul.f32 v20, v20;
	v25 =	vld.idx.msk [tilespmem:v14+s18+$0x0], $0xffff;
	vm2 =	vmmov vm3  }
0x133: {  	s23 =	simm.s32 $0x4;
	v16 =	vsel vm4, v18, v24;
	v20 =	vsel vm3, v26, v24;
	v26 =	vsel vm3, v15, v28;
	v24 =	vmovc v28  }
.LBB2_18:
0x134: {  	v28 =	vsel vm3, v15, v28  }
0x135: {  	s26 =	sadd.s32 $0x2, s23;
	s25 =	sadd.s32 $0x3, s23;
	s13 =	sadd.s32 $0x2, s13;
	v30 =	vsel vm4, v15, v19;
	v15 =	vmul.f32 v21, v21;
	vm5 =	vmmov vm0  }
0x136: {  	v21 =	vmov s26;
	v31 =	vadd.s32 s26, v12;
	v32 =	vmov s25;
	p0 =	slt.s32 s13, s2  }
0x137: {  	v33 =	vmov s23;
	vm6 =	vlt.s32 v21, v8;
	v21 =	vsub.f32 v9, v23  }
0x138: {  	vm3 =	vlt.s32 v33, v8;
	v27 =	vadd.f32 v27, v29;
	v23 =	vadd.s32 s23, v12  }
0x139: {  	v24 =	vsel vm2, v24, v28;
	v23 =	vnsel vm3, $0x0, v23;
	v21 =	vmul.f32 v21, v21  }
0x13a: {  	v19 =	vsel vm4, v19, v26;
	s26 =	sadd.s32 $0x1, s23;
	vm0 =	vlt.s32 v32, v8;
	v25 =	vsub.f32 v10, v25  }
0x13b: {  	v22 =	vsub.f32 v11, v22;
	v26 =	vmov s26;
	v27 =	vadd.f32 v15, v27  }
0x13c: {  	vm2 =	vlt.s32 v26, v8;
	v15 =	vadd.s32 s26, v12;
	v25 =	vmul.f32 v25, v25  }
0x13d: {  	v17 =	vsel vm4, v17, v18;
	v15 =	vnsel vm2, $0x0, v15;
	v18 =	vnsel vm1, $0x7F800000, v27  }
0x13e: {  	v22 =	vmul.f32 v22, v22;
	vm1 =	vlt.f32 v18, v17;
	vm4 =	vlt.f32 v18, v20;
	v26 =	vld.idx.msk [tilespmem:v23+s20+$0x0], $0xffff  }
0x13f: {  	v20 =	vsel vm4, v18, v20;
	v24 =	vsel vm4, v13, v24;
	v28 =	vsel vm1, v18, v17;
	v27 =	vld.idx.msk [tilespmem:v23+s18+$0x0], $0xffff  }
0x140: {  	v22 =	vadd.f32 v22, v25;
	vm4 =	vlt.f32 v18, v16;
	v25 =	vsel vm1, v13, v30;
	v29 =	vld.idx.msk [tilespmem:v23+s19+$0x0], $0xffff  }
0x141: {  	v20 =	vsel vm4, v16, v20;
	v16 =	vsel vm4, v18, v16;
	v13 =	vsel vm4, v13, v19  }
0x142: {  	v21 =	vadd.f32 v21, v22;
	v19 =	vsel vm4, v19, v24;
	v22 =	vsel vm1, v30, v13;
	v18 =	vld.idx.msk [tilespmem:v15+s19+$0x0], $0xffff  }
0x143: {  	v13 =	vnsel vm6, $0x0, v31;
	v16 =	vsel vm1, v17, v16;
	vm1 =	vmmov vm6;
	v24 =	vld.idx.msk [tilespmem:v15+s18+$0x0], $0xffff  }
0x144: {  	v30 =	vadd.s32 s25, v12;
	v21 =	vnsel vm5, $0x7F800000, v21;
	v17 =	vsub.f32 v9, v26;
	v26 =	vld.idx.msk [tilespmem:v15+s20+$0x0], $0xffff  }
0x145: {  	vm4 =	vlt.f32 v21, v16;
	vm5 =	vlt.f32 v21, v20;
	v27 =	vsub.f32 v10, v27  }
0x146: {  	vm6 =	vlt.f32 v21, v28;
	v20 =	vsel vm5, v21, v20;
	v29 =	vsub.f32 v11, v29  }
0x147: {  	v19 =	vsel vm5, v14, v19;
	v31 =	vsel vm6, v14, v25;
	v27 =	vmul.f32 v27, v27  }
0x148: {  	v33 =	vsel vm6, v21, v28;
	v17 =	vmul.f32 v17, v17;
	v29 =	vmul.f32 v29, v29;
	v32 =	vld.idx.msk [tilespmem:v13+s20+$0x0], $0xffff  }
0x149: {  	v14 =	vsel vm4, v14, v22;
	v18 =	vsub.f32 v11, v18;
	v24 =	vsub.f32 v10, v24;
	v34 =	vld.idx.msk [tilespmem:v13+s18+$0x0], $0xffff  }
0x14a: {  	v21 =	vsel vm4, v21, v16;
	v27 =	vadd.f32 v29, v27;
	v26 =	vsub.f32 v9, v26  }
0x14b: {  	v16 =	vsel vm4, v16, v20;
	v18 =	vmul.f32 v18, v18;
	v24 =	vmul.f32 v24, v24  }
0x14c: {  	v17 =	vadd.f32 v17, v27;
	v20 =	vmul.f32 v26, v26;
	v27 =	vsel vm6, v28, v21;
	v26 =	vld.idx.msk [tilespmem:v13+s19+$0x0], $0xffff  }
0x14d: {  	v19 =	vsel vm4, v22, v19;
	v22 =	vsel vm6, v25, v14;
	v18 =	vadd.f32 v18, v24  }
0x14e: {  	v14 =	vnsel vm0, $0x0, v30;
	v25 =	vnsel vm3, $0x7F800000, v17;
	v21 =	vsub.f32 v9, v32  }
0x14f: {  	vm3 =	vlt.f32 v25, v33;
	vm4 =	vlt.f32 v25, v27;
	vm5 =	vlt.f32 v25, v16  }
0x150: {  	v29 =	vsub.f32 v10, v34;
	v16 =	vsel vm5, v25, v16;
	v17 =	vsel vm4, v25, v27  }
0x151: {  	v18 =	vadd.f32 v20, v18;
	v16 =	vsel vm4, v27, v16;
	v20 =	vsel vm3, v33, v17  }
0x152: {  	v27 =	vsel vm5, v23, v19;
	v19 =	vsel vm4, v23, v22;
	v26 =	vsub.f32 v11, v26  }
.Ltmp5:
0x153: {  	v17 =	vnsel vm2, $0x7F800000, v18;
	v24 =	vsel vm3, v31, v19;
	v19 =	vsel vm3, v23, v31;
	v23 =	vld.idx.msk [tilespmem:v14+s20+$0x0], $0xffff;
	(pc) =	sbr.rel @p0 .LBB2_18-.Ltmp5, $4  }
0x154: {  	v18 =	vsel vm3, v25, v33;
	v28 =	vsel vm4, v22, v27;
	vm2 =	vlt.f32 v17, v20;
	v22 =	vld.idx.msk [tilespmem:v14+s19+$0x0], $0xffff  }
0x155: {  	vm4 =	vlt.f32 v17, v18;
	vm3 =	vlt.f32 v17, v16;
	v27 =	vsel vm2, v17, v20;
	v25 =	vld.idx.msk [tilespmem:v14+s18+$0x0], $0xffff  }
0x156: {  	v30 =	vsel vm3, v17, v16;
	v16 =	vsel vm4, v18, v27;
	v27 =	vmul.f32 v26, v26  }
0x157: {  	s23 =	sadd.s32 $0x4, s23;
	v29 =	vmul.f32 v29, v29;
	v20 =	vsel vm2, v20, v30;
	v26 =	vsel vm2, v15, v24  }
.LBB2_19:
0x158: {  	_ =	sdelay $0x1  }
0x159: {  	v28 =	vsel vm3, v15, v28;
	v21 =	vmul.f32 v21, v21;
	v27 =	vadd.f32 v27, v29  }
0x15a: {  	v15 =	vsel vm4, v15, v19;
	v22 =	vsub.f32 v11, v22;
	v25 =	vsub.f32 v10, v25  }
0x15b: {  	vm0 =	vmmov vm0;
	v19 =	vsel vm4, v19, v26;
	v21 =	vadd.f32 v21, v27  }
0x15c: {  	v23 =	vsub.f32 v9, v23;
	v22 =	vmul.f32 v22, v22;
	v25 =	vmul.f32 v25, v25  }
0x15d: {  	v17 =	vsel vm4, v17, v18;
	v24 =	vsel vm2, v24, v28;
	v21 =	vnsel vm1, $0x7F800000, v21  }
0x15e: {  	v23 =	vmul.f32 v23, v23;
	vm1 =	vlt.f32 v21, v20;
	v18 =	vadd.f32 v22, v25  }
0x15f: {  	vm12 =	vlt.f32 v21, v17;
	vm13 =	vlt.f32 v21, v16;
	v20 =	vsel vm1, v21, v20  }
0x160: {  	v60 =	vsel vm1, v13, v24;
	v61 =	vsel vm12, v21, v17;
	v18 =	vadd.f32 v23, v18  }
0x161: {  	v62 =	vsel vm12, v13, v15;
	v13 =	vsel vm13, v13, v19;
	v20 =	vsel vm13, v16, v20  }
0x162: {  	v16 =	vsel vm13, v21, v16;
	v19 =	vsel vm13, v19, v60;
	v18 =	vnsel vm0, $0x7F800000, v18  }
.Ltmp6:
0x163: {  	v63 =	vsel vm12, v15, v13;
	v16 =	vsel vm12, v17, v16;
	vm0 =	vlt.f32 v18, v20;
	(pc) =	sbr.rel .LBB2_6-.Ltmp6, $4  }
0x164: {  	vm14 =	vlt.f32 v18, v16;
	vm15 =	vlt.f32 v18, v61;
	v17 =	vsel vm0, v18, v20  }
0x165: {  	v19 =	vsel vm0, v14, v19;
	v13 =	vsel vm15, v14, v62;
	v15 =	vsel vm15, v18, v61  }
0x166: {  	v20 =	vsel vm14, v14, v63;
	v18 =	vsel vm14, v18, v16;
	v14 =	vsel vm14, v16, v17  }
0x167: {  	v16 =	vsel vm15, v61, v18;
	v17 =	vsel vm14, v63, v19;
	v18 =	vsel vm15, v62, v20  }
.LBB2_7:
0x168: {  	s0 =	simm.s32 $0x3D00  }
0x169: {  	[tilespmem:s8], [sflag:$0x1] =	stream.indirect.gather [hbm4b:s4+s21], $0x80, s0, s21, $0xb8;
	[tilespmem:$0x18300] =	vst v63  }
.Ltmp7:
0x16a: {  	_ = 	snop;
	(pc) =	sbr.rel .LBB2_8-.Ltmp7, $4  }
0x16b: {  	s25 =	simm.s32 $0x3E00;
	s1 =	simm.s32 $0x8300  }
0x16c: {  	[tilespmem:s1], [sflag:$0x1] =	stream.indirect.gather [hbm4b:s4+s21], $0x80, s25, s21, $0xb8;
	[tilespmem:$0x18300] =	vst v63  }
0x16d: {  	s26 =	simm.s32 $0x3F00;
	s28 =	simm.s32 $0xC300;
	s0 =	simm.s32 $0x8  }
0x16e: {  	[tilespmem:s28], [sflag:$0x1] =	stream.indirect.gather [hbm4b:s4+s21], $0x80, s26, s21, $0xb8;
	[tilespmem:$0x18300] =	vst v63  }
.LBB2_9:
0x16f: {  	v13 =	vimm.s32 $0x0;
	v15 =	vimm.f32 $+Inf;
	v16 =	vimm.f32 $+Inf  }
0x170: {  	v14 =	vimm.f32 $+Inf;
	v18 =	vimm.s32 $0x0;
	v17 =	vimm.s32 $0x0  }
.LBB2_10:
0x171: {  	s3 =	ssub.s32 s3, s2  }
0x172: {  	p0 =	slt.s32 s3, $0x1  }
0x173: {  	s3 =	sshll.u32 @!p0 s2, $0x1  }
0x174: {  	v19 =	vmov @!p0 s3  }
0x175: {  	s2 =	sshllo.u32 @!p0 s2, $0x1;
	vm0 =	vlt.s32 @!p0 v19, v8;
	v19 =	vadd.s32 @!p0 s3, v12  }
0x176: {  	v20 =	vmov @!p0 s2;
	v19 =	vnsel @!p0 vm0, $0x0, v19  }
0x177: {  	vm1 =	vlt.s32 @!p0 v20, v8;
	v8 =	vadd.s32 @!p0 s2, v12  }
0x178: {  	v8 =	vnsel @!p0 vm1, $0x0, v8;
	_ =	sdelay $0x1  }
0x179: {  	s2 =	simm.s32 @!p0 $0x1800  }
0x17a: {  	s3 =	simm.s32 @!p0 $0x2000;
	v12 =	vld.idx.msk @!p0 [tilespmem:v19+s2+$0x0], $0xffff  }
0x17b: {  	v20 =	vld.idx.msk @!p0 [tilespmem:v19+s3+$0x0], $0xffff  }
0x17c: {  	v21 =	vld.idx.msk @!p0 [tilespmem:v8+s2+$0x0], $0xffff  }
0x17d: {  	s2 =	simm.s32 @!p0 $0x2800;
	v22 =	vld.idx.msk @!p0 [tilespmem:v8+s3+$0x0], $0xffff  }
0x17e: {  	v23 =	vld.idx.msk @!p0 [tilespmem:v19+s2+$0x0], $0xffff  }
0x17f: {  	v24 =	vld.idx.msk @!p0 [tilespmem:v8+s2+$0x0], $0xffff;
	_ =	sdelay $0x1  }
0x180: {  	v12 =	vsub.f32 @!p0 v10, v12  }
0x181: {  	v20 =	vsub.f32 @!p0 v11, v20;
	v10 =	vsub.f32 @!p0 v10, v21  }
0x182: {  	v11 =	vsub.f32 @!p0 v11, v22;
	v21 =	vsub.f32 @!p0 v9, v23  }
0x183: {  	v9 =	vsub.f32 @!p0 v9, v24;
	v12 =	vmul.f32 @!p0 v12, v12;
	v20 =	vmul.f32 @!p0 v20, v20  }
0x184: {  	v10 =	vmul.f32 @!p0 v10, v10;
	v11 =	vmul.f32 @!p0 v11, v11  }
0x185: {  	v9 =	vmul.f32 @!p0 v9, v9  }
0x186: {  	v12 =	vadd.f32 @!p0 v20, v12;
	v20 =	vmul.f32 @!p0 v21, v21;
	v10 =	vadd.f32 @!p0 v11, v10;
	_ =	sdelay $0x1  }
0x187: {  	v11 =	vadd.f32 @!p0 v20, v12;
	v9 =	vadd.f32 @!p0 v9, v10;
	_ =	sdelay $0x1  }
0x188: {  	v10 =	vnsel @!p0 vm0, $0x7F800000, v11;
	v9 =	vnsel @!p0 vm1, $0x7F800000, v9  }
0x189: {  	vm0 =	vlt.f32 @!p0 v10, v15;
	vm2 =	vlt.f32 @!p0 v10, v16;
	vm3 =	vlt.f32 @!p0 v10, v14  }
0x18a: {  	v11 =	vsel @!p0 vm0, v10, v15;
	v12 =	vsel @!p0 vm0, v19, v13;
	v22 =	vsel @!p0 vm2, v10, v16  }
0x18b: {  	v23 =	vsel @!p0 vm2, v19, v18;
	v10 =	vsel @!p0 vm3, v10, v14;
	v19 =	vsel @!p0 vm3, v19, v17  }
0x18c: {  	vm1 =	vlt.f32 @!p0 v9, v11;
	v22 =	vsel @!p0 vm0, v15, v22;
	v23 =	vsel @!p0 vm0, v13, v23  }
0x18d: {  	v10 =	vsel @!p0 vm2, v16, v10;
	v20 =	vsel @!p0 vm1, v8, v12;
	vm0 =	vlt.f32 @!p0 v9, v22  }
0x18e: {  	v21 =	vsel @!p0 vm1, v9, v11;
	vm3 =	vlt.f32 @!p0 v9, v10;
	v24 =	vsel @!p0 vm0, v8, v23  }
0x18f: {  	v24 =	vsel @!p0 vm1, v12, v24;
	v12 =	vsel @!p0 vm2, v18, v19;
	v19 =	vsel @!p0 vm0, v9, v22  }
0x190: {  	v54 =	vpsel p0, v15, v21;
	v9 =	vsel @!p0 vm3, v9, v10;
	v10 =	vsel @!p0 vm1, v11, v19  }
0x191: {  	v59 =	vmax.f32 v54, $1.000000020e-16;
	v8 =	vsel @!p0 vm3, v8, v12;
	v55 =	vpsel p0, v16, v10  }
0x192: {  	v9 =	vsel @!p0 vm0, v22, v9;
	(erf) = vrcp.f32 v59;
	v12 =	vmax.f32 v55, $1.000000020e-16  }
0x193: {  	v56 =	vpsel p0, v14, v9;
	(erf) = vrcp.f32 v12  }
0x194: {  	v11 =	vmax.f32 v56, $1.000000020e-16  }
0x195: {  	(erf) = vrcp.f32 v11;
	_ =	sdelay $0x5  }
0x196: {  	v60 =	vpop (erf)  }
0x197: {  	v12 =	vpop (erf)  }
0x198: {  	v61 =	vadd.f32 v12, v60  }
0x199: {  	v62 =	vpop (erf)  }
0x19a: {  	v57 =	vpsel p0, v13, v20;
	v13 =	vadd.f32 v62, v61;
	_ =	sdelay $0x1  }
0x19b: {  	(erf) = vrcp.f32 v13;
	_ =	sdelay $0x7  }
0x19c: {  	s0 =	sadd.s32 $0x1, s0;
	v8 =	vsel @!p0 vm0, v23, v8  }
0x19d: {  	[tilespmem:s1+$0x3D00] =	vst v57;
	v58 =	vpsel p0, v18, v24;
	v8 =	vpsel p0, v17, v8;
	p0 =	sne.s32 s0, $0x10;
	v13 =	vpop (erf)  }
.Ltmp8:
0x19e: {  	[tilespmem:s1+$0x3E00] =	vst v58;
	v11 =	vmul.f32 v13, v60;
	(pc) =	sbr.rel @!p0 .LBB2_11-.Ltmp8, $4  }
0x19f: {  	[tilespmem:s1+$0x3F00] =	vst v8;
	v12 =	vmul.f32 v13, v12  }
0x1a0: {  	v63 =	vmul.f32 v13, v62;
	[tilespmem:s1+$0x4000] =	vst v11  }
0x1a1: {  	[tilespmem:s1+$0x4100] =	vst v12  }
0x1a2: {  	[tilespmem:s1+$0x4200] =	vst v63  }
.LBB2_8:
0x1a3: {  	s1 =	sshll.u32 s0, $0x4  }
0x1a4: {  	v12 =	vld [tilespmem:s1+$0x3300];
	_ =	sdelay $0x7  }
0x1a5: {  	v8 =	vld.idx.msk [tilespmem:v12+s16+$0x0], $0xffff;
	_ =	sdelay $0x4  }
0x1a6: {  	v9 =	vxor.u32 $0x80000000, v8  }
0x1a7: {  	(xrf0) =	vmax.scan.msk.u32 $0xffff, v9;
	_ =	sdelay $0x5  }
0x1a8: {  	v9, _, _ =	vpop (xrf0)  }
0x1a9: {  	(v2sf) =	vpush v9, $0xF;
	_ =	sdelay $0xe  }
0x1aa: {  	s2 =	spop (v2sf)  }
0x1ab: {  	s3 =	sadd.s32 $0x80000001, s2;
	p0 =	slt.s32 s2, $0xFFFFFFFF;
	s2 =	simm.s32 $0x1  }
0x1ac: {  	s2 =	simm.s32 @!p0 $0x0;
	s13 =	sshra.s32 s3, $0x1F  }
0x1ad: {  	s26 =	sand.u32 $0x1, s3;
	s2 =	sadd.s32 s2, s13  }
0x1ae: {  	p1 =	seq.s32 s26, $0x1;
	p6 =	sne.s32 s2, $0x1  }
0x1af: {  	v9 =	vmov s1;
	s28 =	sshrl.u32 s3, $0x1F;
	p0 =	por !p6, !p1  }
0x1b0: {  	v9 =	vmul.u32 $0x3, v9;
	s2 =	sadd.s32 s28, s3;
	s3 =	simm.s32 $0x1;
	p0 =	por !p0, !p0  }
0x1b1: {  	s2 =	sshra.s32 s2, $0x1;
	s3 =	simm.s32 @!p0 $0x0  }
0x1b2: {  	v9 =	vbroadcast v9, $0x0;
	s3 =	ssub.s32 s2, s3  }
0x1b3: {  	s2 =	sshrl.u32 s3, $0x1F  }
0x1b4: {  	v10 =	vadd.s32 v5, v9;
	s2 =	sadd.s32 s2, s3  }
0x1b5: {  	v11 =	vadd.s32 v6, v9;
	v9 =	vadd.s32 v7, v9;
	s2 =	sand.u32 $0xFFFFFFFE, s2  }
0x1b6: {  	p0 =	slt.s32 s2, $0x1  }
.Ltmp9:
0x1b7: {  	_ = 	snop;
	(pc) =	sbr.rel @p0 .LBB2_9-.Ltmp9, $4  }
0x1b8: {  	v12 =	vld.idx.msk [tilespmem:v12+s15+$0x0], $0xffff  }
0x1b9: {  	v10 =	vld.idx.msk [tilespmem:v10+s12+$0x0], $0xffff  }
0x1ba: {  	v9 =	vld.idx.msk [tilespmem:v9+s12+$0x0], $0xffff  }
0x1bb: {  	v11 =	vld.idx.msk [tilespmem:v11+s12+$0x0], $0xffff  }
0x1bc: {  	s13 =	simm.s32 $0x0  }
0x1bd: {  	v13 =	vmov s13  }
0x1be: {  	vm1 =	vlt.s32 v13, v8;
	v13 =	vadd.s32 s13, v12  }
0x1bf: {  	s28 =	simm.s32 $0x1;
	v19 =	vnsel vm1, $0x0, v13  }
0x1c0: {  	v13 =	vmov s28  }
0x1c1: {  	vm2 =	vlt.s32 v13, v8;
	v13 =	vadd.s32 s28, v12  }
0x1c2: {  	v15 =	vnsel vm2, $0x0, v13;
	_ =	sdelay $0x1  }
0x1c3: {  	v14 =	vld.idx.msk [tilespmem:v19+s18+$0x0], $0xffff  }
0x1c4: {  	v18 =	vld.idx.msk [tilespmem:v19+s19+$0x0], $0xffff  }
0x1c5: {  	v20 =	vld.idx.msk [tilespmem:v19+s20+$0x0], $0xffff  }
0x1c6: {  	s13 =	simm.s32 $0x2;
	v21 =	vld.idx.msk [tilespmem:v15+s19+$0x0], $0xffff  }
0x1c7: {  	v13 =	vmov s13;
	v22 =	vld.idx.msk [tilespmem:v15+s18+$0x0], $0xffff  }
0x1c8: {  	v23 =	vadd.s32 s13, v12;
	vm3 =	vlt.s32 v13, v8  }
0x1c9: {  	v13 =	vnsel vm3, $0x0, v23;
	v23 =	vld.idx.msk [tilespmem:v15+s20+$0x0], $0xffff;
	v14 =	vsub.f32 v10, v14;
	v18 =	vsub.f32 v11, v18;
	_ =	sdelay $0x1  }
0x1ca: {  	v20 =	vsub.f32 v9, v20;
	v14 =	vmul.f32 v14, v14;
	v18 =	vmul.f32 v18, v18  }
0x1cb: {  	s23 =	simm.s32 $0x3;
	v22 =	vsub.f32 v10, v22;
	v21 =	vsub.f32 v11, v21  }
0x1cc: {  	v24 =	vmov s23;
	v20 =	vmul.f32 v20, v20;
	v14 =	vadd.f32 v18, v14  }
0x1cd: {  	v18 =	vsub.f32 v9, v23;
	v22 =	vmul.f32 v22, v22;
	v21 =	vmul.f32 v21, v21  }
0x1ce: {  	vm0 =	vlt.s32 v24, v8;
	v14 =	vadd.f32 v20, v14  }
0x1cf: {  	v23 =	vld.idx.msk [tilespmem:v13+s18+$0x0], $0xffff;
	v20 =	vadd.s32 s23, v12;
	v18 =	vmul.f32 v18, v18;
	v21 =	vadd.f32 v21, v22  }
0x1d0: {  	v17 =	vimm.f32 $+Inf;
	v24 =	vld.idx.msk [tilespmem:v13+s19+$0x0], $0xffff;
	v22 =	vnsel vm1, $0x7F800000, v14;
	v14 =	vnsel vm0, $0x0, v20  }
0x1d1: {  	v25 =	vld.idx.msk [tilespmem:v13+s20+$0x0], $0xffff;
	v20 =	vadd.f32 v18, v21;
	vm5 =	vlt.f32 v22, v17  }
0x1d2: {  	v18 =	vsel vm5, v22, v17  }
0x1d3: {  	v16 =	vimm.s32 $0x0;
	p0 =	sgt.s32 s2, $0x2;
	v26 =	vsel vm5, v17, v18;
	v17 =	vnsel vm2, $0x7F800000, v20  }
.Ltmp10:
0x1d4: {  	vm1 =	vmmov vm3;
	v29 =	vsub.f32 v10, v23;
	vm3 =	vlt.f32 v17, v26;
	(pc) =	sbr.rel @!p0 .LBB2_22-.Ltmp10, $4  }
0x1d5: {  	v19 =	vsel vm5, v19, v16;
	v20 =	vsub.f32 v11, v24;
	v23 =	vld.idx.msk [tilespmem:v14+s20+$0x0], $0xffff;
	v24 =	vsel vm3, v17, v26  }
0x1d6: {  	v21 =	vsub.f32 v9, v25;
	v28 =	vsel vm5, v16, v19;
	v29 =	vmul.f32 v29, v29;
	v22 =	vld.idx.msk [tilespmem:v14+s19+$0x0], $0xffff  }
0x1d7: {  	vm4 =	vlt.f32 v17, v18;
	v27 =	vmul.f32 v20, v20;
	v25 =	vld.idx.msk [tilespmem:v14+s18+$0x0], $0xffff;
	vm2 =	vmmov vm3  }
0x1d8: {  	s23 =	simm.s32 $0x4;
	v16 =	vsel vm4, v18, v24;
	v20 =	vsel vm3, v26, v24;
	v26 =	vsel vm3, v15, v28;
	v24 =	vmovc v28  }
.LBB2_21:
0x1d9: {  	v28 =	vsel vm3, v15, v28  }
0x1da: {  	s26 =	sadd.s32 $0x2, s23;
	s25 =	sadd.s32 $0x3, s23;
	s13 =	sadd.s32 $0x2, s13;
	v30 =	vsel vm4, v15, v19;
	v15 =	vmul.f32 v21, v21;
	vm5 =	vmmov vm0  }
0x1db: {  	v21 =	vmov s26;
	v31 =	vadd.s32 s26, v12;
	v32 =	vmov s25;
	p0 =	slt.s32 s13, s2  }
0x1dc: {  	v33 =	vmov s23;
	vm6 =	vlt.s32 v21, v8;
	v21 =	vsub.f32 v9, v23  }
0x1dd: {  	vm3 =	vlt.s32 v33, v8;
	v27 =	vadd.f32 v27, v29;
	v23 =	vadd.s32 s23, v12  }
0x1de: {  	v24 =	vsel vm2, v24, v28;
	v23 =	vnsel vm3, $0x0, v23;
	v21 =	vmul.f32 v21, v21  }
0x1df: {  	v19 =	vsel vm4, v19, v26;
	s26 =	sadd.s32 $0x1, s23;
	vm0 =	vlt.s32 v32, v8;
	v25 =	vsub.f32 v10, v25  }
0x1e0: {  	v22 =	vsub.f32 v11, v22;
	v26 =	vmov s26;
	v27 =	vadd.f32 v15, v27  }
0x1e1: {  	vm2 =	vlt.s32 v26, v8;
	v15 =	vadd.s32 s26, v12;
	v25 =	vmul.f32 v25, v25  }
0x1e2: {  	v17 =	vsel vm4, v17, v18;
	v15 =	vnsel vm2, $0x0, v15;
	v18 =	vnsel vm1, $0x7F800000, v27  }
0x1e3: {  	v22 =	vmul.f32 v22, v22;
	vm1 =	vlt.f32 v18, v17;
	vm4 =	vlt.f32 v18, v20;
	v26 =	vld.idx.msk [tilespmem:v23+s20+$0x0], $0xffff  }
0x1e4: {  	v20 =	vsel vm4, v18, v20;
	v24 =	vsel vm4, v13, v24;
	v28 =	vsel vm1, v18, v17;
	v27 =	vld.idx.msk [tilespmem:v23+s18+$0x0], $0xffff  }
0x1e5: {  	v22 =	vadd.f32 v22, v25;
	vm4 =	vlt.f32 v18, v16;
	v25 =	vsel vm1, v13, v30;
	v29 =	vld.idx.msk [tilespmem:v23+s19+$0x0], $0xffff  }
0x1e6: {  	v20 =	vsel vm4, v16, v20;
	v16 =	vsel vm4, v18, v16;
	v13 =	vsel vm4, v13, v19  }
0x1e7: {  	v21 =	vadd.f32 v21, v22;
	v19 =	vsel vm4, v19, v24;
	v22 =	vsel vm1, v30, v13;
	v18 =	vld.idx.msk [tilespmem:v15+s19+$0x0], $0xffff  }
0x1e8: {  	v13 =	vnsel vm6, $0x0, v31;
	v16 =	vsel vm1, v17, v16;
	vm1 =	vmmov vm6;
	v24 =	vld.idx.msk [tilespmem:v15+s18+$0x0], $0xffff  }
0x1e9: {  	v30 =	vadd.s32 s25, v12;
	v21 =	vnsel vm5, $0x7F800000, v21;
	v17 =	vsub.f32 v9, v26;
	v26 =	vld.idx.msk [tilespmem:v15+s20+$0x0], $0xffff  }
0x1ea: {  	vm4 =	vlt.f32 v21, v16;
	vm5 =	vlt.f32 v21, v20;
	v27 =	vsub.f32 v10, v27  }
0x1eb: {  	vm6 =	vlt.f32 v21, v28;
	v20 =	vsel vm5, v21, v20;
	v29 =	vsub.f32 v11, v29  }
0x1ec: {  	v19 =	vsel vm5, v14, v19;
	v31 =	vsel vm6, v14, v25;
	v27 =	vmul.f32 v27, v27  }
0x1ed: {  	v33 =	vsel vm6, v21, v28;
	v17 =	vmul.f32 v17, v17;
	v29 =	vmul.f32 v29, v29;
	v32 =	vld.idx.msk [tilespmem:v13+s20+$0x0], $0xffff  }
0x1ee: {  	v14 =	vsel vm4, v14, v22;
	v18 =	vsub.f32 v11, v18;
	v24 =	vsub.f32 v10, v24;
	v34 =	vld.idx.msk [tilespmem:v13+s18+$0x0], $0xffff  }
0x1ef: {  	v21 =	vsel vm4, v21, v16;
	v27 =	vadd.f32 v29, v27;
	v26 =	vsub.f32 v9, v26  }
0x1f0: {  	v16 =	vsel vm4, v16, v20;
	v18 =	vmul.f32 v18, v18;
	v24 =	vmul.f32 v24, v24  }
0x1f1: {  	v17 =	vadd.f32 v17, v27;
	v20 =	vmul.f32 v26, v26;
	v27 =	vsel vm6, v28, v21;
	v26 =	vld.idx.msk [tilespmem:v13+s19+$0x0], $0xffff  }
0x1f2: {  	v19 =	vsel vm4, v22, v19;
	v22 =	vsel vm6, v25, v14;
	v18 =	vadd.f32 v18, v24  }
0x1f3: {  	v14 =	vnsel vm0, $0x0, v30;
	v25 =	vnsel vm3, $0x7F800000, v17;
	v21 =	vsub.f32 v9, v32  }
0x1f4: {  	vm3 =	vlt.f32 v25, v33;
	vm4 =	vlt.f32 v25, v27;
	vm5 =	vlt.f32 v25, v16  }
0x1f5: {  	v29 =	vsub.f32 v10, v34;
	v16 =	vsel vm5, v25, v16;
	v17 =	vsel vm4, v25, v27  }
0x1f6: {  	v18 =	vadd.f32 v20, v18;
	v16 =	vsel vm4, v27, v16;
	v20 =	vsel vm3, v33, v17  }
0x1f7: {  	v27 =	vsel vm5, v23, v19;
	v19 =	vsel vm4, v23, v22;
	v26 =	vsub.f32 v11, v26  }
.Ltmp11:
0x1f8: {  	v17 =	vnsel vm2, $0x7F800000, v18;
	v24 =	vsel vm3, v31, v19;
	v19 =	vsel vm3, v23, v31;
	v23 =	vld.idx.msk [tilespmem:v14+s20+$0x0], $0xffff;
	(pc) =	sbr.rel @p0 .LBB2_21-.Ltmp11, $4  }
0x1f9: {  	v18 =	vsel vm3, v25, v33;
	v28 =	vsel vm4, v22, v27;
	vm2 =	vlt.f32 v17, v20;
	v22 =	vld.idx.msk [tilespmem:v14+s19+$0x0], $0xffff  }
0x1fa: {  	vm4 =	vlt.f32 v17, v18;
	vm3 =	vlt.f32 v17, v16;
	v27 =	vsel vm2, v17, v20;
	v25 =	vld.idx.msk [tilespmem:v14+s18+$0x0], $0xffff  }
0x1fb: {  	v30 =	vsel vm3, v17, v16;
	v16 =	vsel vm4, v18, v27;
	v27 =	vmul.f32 v26, v26  }
0x1fc: {  	s23 =	sadd.s32 $0x4, s23;
	v29 =	vmul.f32 v29, v29;
	v20 =	vsel vm2, v20, v30;
	v26 =	vsel vm2, v15, v24  }
.LBB2_22:
0x1fd: {  	_ =	sdelay $0x1  }
0x1fe: {  	v28 =	vsel vm3, v15, v28;
	v21 =	vmul.f32 v21, v21;
	v27 =	vadd.f32 v27, v29  }
0x1ff: {  	v15 =	vsel vm4, v15, v19;
	v22 =	vsub.f32 v11, v22;
	v25 =	vsub.f32 v10, v25  }
0x200: {  	vm0 =	vmmov vm0;
	v19 =	vsel vm4, v19, v26;
	v21 =	vadd.f32 v21, v27  }
0x201: {  	v23 =	vsub.f32 v9, v23;
	v22 =	vmul.f32 v22, v22;
	v25 =	vmul.f32 v25, v25  }
0x202: {  	v17 =	vsel vm4, v17, v18;
	v24 =	vsel vm2, v24, v28;
	v21 =	vnsel vm1, $0x7F800000, v21  }
0x203: {  	v23 =	vmul.f32 v23, v23;
	vm1 =	vlt.f32 v21, v20;
	v18 =	vadd.f32 v22, v25  }
0x204: {  	vm12 =	vlt.f32 v21, v17;
	vm13 =	vlt.f32 v21, v16;
	v20 =	vsel vm1, v21, v20  }
0x205: {  	v60 =	vsel vm1, v13, v24;
	v61 =	vsel vm12, v21, v17;
	v18 =	vadd.f32 v23, v18  }
0x206: {  	v62 =	vsel vm12, v13, v15;
	v13 =	vsel vm13, v13, v19;
	v20 =	vsel vm13, v16, v20  }
0x207: {  	v16 =	vsel vm13, v21, v16;
	v19 =	vsel vm13, v19, v60;
	v18 =	vnsel vm0, $0x7F800000, v18  }
.Ltmp12:
0x208: {  	v63 =	vsel vm12, v15, v13;
	v16 =	vsel vm12, v17, v16;
	vm0 =	vlt.f32 v18, v20;
	(pc) =	sbr.rel .LBB2_10-.Ltmp12, $4  }
0x209: {  	vm14 =	vlt.f32 v18, v16;
	vm15 =	vlt.f32 v18, v61;
	v17 =	vsel vm0, v18, v20  }
0x20a: {  	v19 =	vsel vm0, v14, v19;
	v13 =	vsel vm15, v14, v62;
	v15 =	vsel vm15, v18, v61  }
0x20b: {  	v20 =	vsel vm14, v14, v63;
	v18 =	vsel vm14, v18, v16;
	v14 =	vsel vm14, v16, v17  }
0x20c: {  	v16 =	vsel vm15, v61, v18;
	v17 =	vsel vm14, v63, v19;
	v18 =	vsel vm15, v62, v20  }
.LBB2_11:
0x20d: {  	_ =	swait.ge [sflag:s17], $0x4000  }
0x20e: {  	[sflag:s17] =	ssyncset.done $0x0  }
0x20f: {  	[sflag:s17] =	ssyncadd.s32 $0xFFFFC000  }
0x210: {  	s0 =	simm.s32 $0x3;
	s1 =	simm.s32 $0x2;
	_ =	swait.ge [sflag:s17], $0x4000  }
0x211: {  	v14 =	vmov s0;
	v6 =	vmov s1;
	[sflag:s17] =	ssyncset.done $0x0  }
0x212: {  	v6 =	vand.u32 $0xFFFFFFFE, v6;
	[sflag:s17] =	ssyncadd.s32 $0xFFFFC000  }
0x213: {  	v8 =	vbroadcast v6, $0x0;
	_ =	swait.ge [sflag:s17], $0x4000  }
0x214: {  	[sflag:s17] =	ssyncset.done $0x0  }
0x215: {  	s26 =	simm.s32 $0x0;
	[sflag:s17] =	ssyncadd.s32 $0xFFFFC000  }
0x216: {  	v7 =	vmov s26;
	v6 =	vld.idx.msk [tilespmem:v14+s29+$0x0], $0xffff  }
0x217: {  	s2 =	simm.s32 $0x4400;
	v9 =	vand.u32 $0xFFFFFFFC, v7;
	v7 =	vld.idx.msk [tilespmem:v14+s30+$0x0], $0xffff  }
0x218: {  	v10 =	vbroadcast v9, $0x0;
	v11 =	vld [tilespmem:s2+$0x0]  }
0x219: {  	v22 =	vld.idx.msk [tilespmem:v8+s29+$0x0], $0xffff  }
0x21a: {  	s23 =	simm.s32 $0x8400;
	v23 =	vld.idx.msk [tilespmem:v8+s30+$0x0], $0xffff  }
0x21b: {  	s1 =	simm.s32 $0x1;
	v12 =	vld [tilespmem:s23+$0x0]  }
0x21c: {  	s25 =	simm.s32 $0xC400;
	v9 =	vmov s1;
	v21 =	vld.idx.msk [tilespmem:v8+s31+$0x0], $0xffff  }
0x21d: {  	v9 =	vand.u32 $0xFFFFFFFD, v9;
	v15 =	vld [tilespmem:s25+$0x0]  }
0x21e: {  	v13 =	vbroadcast v9, $0x0;
	v8 =	vld.idx.msk [tilespmem:v10+s31+$0x0], $0xffff  }
0x21f: {  	v9 =	vld.idx.msk [tilespmem:v10+s29+$0x0], $0xffff  }
0x220: {  	v10 =	vld.idx.msk [tilespmem:v10+s30+$0x0], $0xffff;
	v16 =	vmul.f32 v11, v22;
	v17 =	vmul.f32 v12, v23  }
0x221: {  	v18 =	vld [tilespmem:s23+$0xFFFFFF00]  }
0x222: {  	v19 =	vld [tilespmem:s23+$0xFFFFFF80];
	v15 =	vmul.f32 v15, v21;
	v16 =	vadd.f32 v17, v16  }
0x223: {  	v24 =	vld [tilespmem:s25+$0xFFFFFF00]  }
0x224: {  	v11 =	vld.idx.msk [tilespmem:v13+s29+$0x0], $0xffff;
	v15 =	vadd.f32 v15, v16  }
0x225: {  	s0 =	simm.s32 $0x10400;
	v12 =	vld.idx.msk [tilespmem:v13+s30+$0x0], $0xffff  }
0x226: {  	v17 =	vld [tilespmem:s2+$0xFFFFFF00];
	[tilespmem:s0+$0x0] =	vst v15  }
0x227: {  	v15 =	vld [tilespmem:s2+$0x10]  }
0x228: {  	v20 =	vld [tilespmem:s23+$0x10]  }
0x229: {  	v16 =	vld [tilespmem:s2+$0xFFFFFF80]  }
0x22a: {  	v25 =	vld [tilespmem:s25+$0x10]  }
0x22b: {  	v26 =	vld [tilespmem:s25+$0xFFFFFF80]  }
0x22c: {  	v13 =	vld.idx.msk [tilespmem:v13+s31+$0x0], $0xffff;
	v18 =	vmul.f32 v18, v10;
	v17 =	vmul.f32 v17, v9  }
0x22d: {  	v27 =	vld [tilespmem:s2+$0x80];
	v15 =	vmul.f32 v15, v22;
	v20 =	vmul.f32 v20, v23  }
0x22e: {  	v28 =	vld [tilespmem:s23+$0x80];
	v19 =	vmul.f32 v19, v12;
	v17 =	vadd.f32 v18, v17;
	v18 =	vmul.f32 v24, v8  }
0x22f: {  	v14 =	vld.idx.msk [tilespmem:v14+s31+$0x0], $0xffff;
	v16 =	vmul.f32 v16, v11;
	v15 =	vadd.f32 v20, v15;
	v20 =	vmul.f32 v25, v21  }
0x230: {  	v24 =	vld [tilespmem:s25+$0x80];
	v17 =	vadd.f32 v18, v17  }
0x231: {  	v16 =	vadd.f32 v19, v16;
	v18 =	vmul.f32 v26, v13;
	v15 =	vadd.f32 v20, v15  }
0x232: {  	[tilespmem:s0+$0xFFFFFF00] =	vst v17  }
0x233: {  	v19 =	vmul.f32 v28, v7;
	v17 =	vmul.f32 v27, v6;
	v16 =	vadd.f32 v18, v16;
	v18 =	vld [tilespmem:s2+$0xFFFFFF10];
	[tilespmem:s0+$0x10] =	vst v15  }
0x234: {  	v15 =	vld [tilespmem:s2+$0x20]  }
0x235: {  	v17 =	vadd.f32 v19, v17;
	v19 =	vmul.f32 v24, v14;
	[tilespmem:s0+$0xFFFFFF80] =	vst v16;
	v16 =	vld [tilespmem:s23+$0x20]  }
0x236: {  	v20 =	vld [tilespmem:s2+$0xFFFFFF90]  }
0x237: {  	v17 =	vadd.f32 v19, v17;
	v19 =	vld [tilespmem:s25+$0x20]  }
0x238: {  	v24 =	vld [tilespmem:s23+$0xFFFFFF90]  }
0x239: {  	v26 =	vld [tilespmem:s25+$0xFFFFFF90]  }
0x23a: {  	[tilespmem:s0+$0x80] =	vst v17;
	v17 =	vld [tilespmem:s23+$0xFFFFFF10];
	v15 =	vmul.f32 v15, v22;
	v16 =	vmul.f32 v16, v23  }
0x23b: {  	v25 =	vld [tilespmem:s2+$0x90]  }
0x23c: {  	v27 =	vld [tilespmem:s23+$0x90];
	v15 =	vadd.f32 v16, v15;
	v16 =	vmul.f32 v19, v21  }
0x23d: {  	v19 =	vld [tilespmem:s25+$0xFFFFFF10]  }
0x23e: {  	v20 =	vmul.f32 v20, v11;
	v24 =	vmul.f32 v24, v12;
	v15 =	vadd.f32 v16, v15  }
0x23f: {  	v17 =	vmul.f32 v17, v10;
	v16 =	vmul.f32 v18, v9;
	v18 =	vld [tilespmem:s25+$0x90]  }
0x240: {  	v20 =	vadd.f32 v24, v20;
	v24 =	vmul.f32 v26, v13;
	[tilespmem:s0+$0x20] =	vst v15  }
0x241: {  	v15 =	vmul.f32 v25, v6;
	v16 =	vadd.f32 v17, v16;
	v17 =	vld [tilespmem:s2+$0x30]  }
0x242: {  	v20 =	vadd.f32 v24, v20;
	v25 =	vmul.f32 v27, v7;
	v19 =	vmul.f32 v19, v8;
	v24 =	vld [tilespmem:s23+$0x30];
	_ =	sdelay $0x1  }
0x243: {  	[tilespmem:s0+$0xFFFFFF90] =	vst v20;
	v15 =	vadd.f32 v25, v15;
	v18 =	vmul.f32 v18, v14;
	v16 =	vadd.f32 v19, v16;
	v19 =	vld [tilespmem:s25+$0x30]  }
0x244: {  	v20 =	vld [tilespmem:s2+$0xFFFFFFA0]  }
0x245: {  	v15 =	vadd.f32 v18, v15;
	[tilespmem:s0+$0xFFFFFF10] =	vst v16;
	v16 =	vld [tilespmem:s23+$0xFFFFFFA0]  }
0x246: {  	v18 =	vld [tilespmem:s2+$0xFFFFFF20];
	v17 =	vmul.f32 v17, v22;
	v24 =	vmul.f32 v24, v23  }
0x247: {  	[tilespmem:s0+$0x90] =	vst v15;
	v15 =	vld [tilespmem:s23+$0xFFFFFF20]  }
0x248: {  	v25 =	vld [tilespmem:s2+$0xA0];
	v17 =	vadd.f32 v24, v17;
	v19 =	vmul.f32 v19, v21  }
0x249: {  	v24 =	vld [tilespmem:s25+$0xFFFFFFA0]  }
0x24a: {  	v26 =	vld [tilespmem:s23+$0xA0];
	v17 =	vadd.f32 v19, v17  }
0x24b: {  	v19 =	vld [tilespmem:s25+$0xFFFFFF20]  }
0x24c: {  	v20 =	vmul.f32 v20, v11;
	v27 =	vld [tilespmem:s25+$0xA0];
	v16 =	vmul.f32 v16, v12;
	[tilespmem:s0+$0x30] =	vst v17  }
0x24d: {  	v17 =	vmul.f32 v18, v9;
	v15 =	vmul.f32 v15, v10;
	v18 =	vld [tilespmem:s2+$0x40]  }
0x24e: {  	v16 =	vadd.f32 v16, v20;
	v20 =	vmul.f32 v24, v13;
	v24 =	vld [tilespmem:s23+$0x40]  }
0x24f: {  	v25 =	vmul.f32 v25, v6;
	v15 =	vadd.f32 v15, v17  }
0x250: {  	v17 =	vmul.f32 v26, v7;
	v19 =	vmul.f32 v19, v8;
	v16 =	vadd.f32 v20, v16;
	v20 =	vld [tilespmem:s25+$0x40];
	_ =	sdelay $0x1  }
0x251: {  	v17 =	vadd.f32 v17, v25;
	v25 =	vmul.f32 v27, v14;
	v15 =	vadd.f32 v19, v15;
	[tilespmem:s0+$0xFFFFFFA0] =	vst v16  }
0x252: {  	v16 =	vld [tilespmem:s2+$0xFFFFFFB0];
	v18 =	vmul.f32 v18, v22;
	v19 =	vmul.f32 v24, v23  }
0x253: {  	v17 =	vadd.f32 v25, v17;
	[tilespmem:s0+$0xFFFFFF20] =	vst v15;
	v15 =	vld [tilespmem:s23+$0xFFFFFFB0]  }
0x254: {  	v24 =	vld [tilespmem:s2+$0xFFFFFF30];
	v18 =	vadd.f32 v19, v18;
	v19 =	vmul.f32 v20, v21  }
0x255: {  	[tilespmem:s0+$0xA0] =	vst v17;
	v17 =	vld [tilespmem:s23+$0xFFFFFF30]  }
0x256: {  	v25 =	vld [tilespmem:s25+$0xFFFFFF30];
	v18 =	vadd.f32 v19, v18  }
0x257: {  	v20 =	vld [tilespmem:s2+$0xB0]  }
0x258: {  	v19 =	vld [tilespmem:s25+$0xFFFFFFB0];
	[tilespmem:s0+$0x40] =	vst v18  }
0x259: {  	v18 =	vld [tilespmem:s2+$0x50]  }
0x25a: {  	s3 =	simm.s32 $0x7;
	v26 =	vld [tilespmem:s23+$0x50]  }
0x25b: {  	v27 =	vmov s3;
	v28 =	vld [tilespmem:s23+$0xB0];
	v16 =	vmul.f32 v16, v11;
	v15 =	vmul.f32 v15, v12  }
0x25c: {  	v24 =	vmul.f32 v24, v9;
	v17 =	vmul.f32 v17, v10;
	v29 =	vld [tilespmem:s25+$0x50]  }
0x25d: {  	v15 =	vadd.f32 v15, v16;
	v16 =	vmul.f32 v19, v13  }
0x25e: {  	v17 =	vadd.f32 v17, v24;
	v19 =	vld [tilespmem:s25+$0xB0];
	v24 =	vmul.f32 v25, v8  }
0x25f: {  	v16 =	vadd.f32 v16, v15;
	v18 =	vmul.f32 v18, v22;
	v25 =	vmul.f32 v26, v23  }
0x260: {  	v20 =	vmul.f32 v20, v6;
	v15 =	vld.idx.msk [tilespmem:v27+s31+$0x0], $0xffff;
	v17 =	vadd.f32 v24, v17  }
0x261: {  	v26 =	vmul.f32 v28, v7;
	[tilespmem:s0+$0xFFFFFFB0] =	vst v16;
	v16 =	vadd.f32 v25, v18;
	v18 =	vmul.f32 v29, v21  }
0x262: {  	v24 =	vld [tilespmem:s2+$0xFFFFFFC0]  }
0x263: {  	[tilespmem:s0+$0xFFFFFF30] =	vst v17;
	v20 =	vadd.f32 v26, v20;
	v19 =	vmul.f32 v19, v14;
	v17 =	vld [tilespmem:s23+$0xFFFFFFC0];
	v16 =	vadd.f32 v18, v16  }
0x264: {  	v25 =	vld [tilespmem:s2+$0xFFFFFF40]  }
0x265: {  	v31 =	vld [tilespmem:s25+$0xFFFFFF40];
	v18 =	vadd.f32 v19, v20;
	[tilespmem:s0+$0x50] =	vst v16  }
0x266: {  	v16 =	vld [tilespmem:s2+$0x60]  }
0x267: {  	s6 =	simm.s32 $0x4;
	[tilespmem:s0+$0xB0] =	vst v18;
	v18 =	vld [tilespmem:s23+$0x60]  }
0x268: {  	v19 =	vld [tilespmem:s23+$0xFFFFFF40];
	v20 =	vmov s6  }
0x269: {  	v20 =	vand.u32 $0xFFFFFFFC, v20;
	v28 =	vld [tilespmem:s25+$0x60]  }
0x26a: {  	v30 =	vbroadcast v20, $0x0;
	v20 =	vld [tilespmem:s25+$0xFFFFFFC0]  }
0x26b: {  	v26 =	vld [tilespmem:s2+$0xC0]  }
0x26c: {  	v29 =	vld [tilespmem:s23+$0xC0];
	v16 =	vmul.f32 v16, v22;
	v32 =	vmul.f32 v18, v23  }
0x26d: {  	v24 =	vmul.f32 v24, v11;
	v33 =	vld [tilespmem:s25+$0xC0];
	v34 =	vmul.f32 v17, v12  }
0x26e: {  	v17 =	vld.idx.msk [tilespmem:v27+s30+$0x0], $0xffff;
	v28 =	vmul.f32 v28, v21;
	v32 =	vadd.f32 v32, v16  }
0x26f: {  	v24 =	vadd.f32 v34, v24;
	v18 =	vld.idx.msk [tilespmem:v27+s29+$0x0], $0xffff;
	v27 =	vmul.f32 v20, v13  }
0x270: {  	v25 =	vmul.f32 v25, v9;
	v60 =	vmul.f32 v19, v10;
	v28 =	vadd.f32 v28, v32  }
0x271: {  	v26 =	vmul.f32 v26, v6;
	v24 =	vadd.f32 v27, v24;
	v27 =	vmul.f32 v29, v7  }
0x272: {  	v25 =	vadd.f32 v60, v25;
	v20 =	vld.idx.msk [tilespmem:v30+s29+$0x0], $0xffff;
	[tilespmem:s0+$0x60] =	vst v28;
	v28 =	vmul.f32 v31, v8  }
0x273: {  	v19 =	vld.idx.msk [tilespmem:v30+s30+$0x0], $0xffff;
	v26 =	vadd.f32 v27, v26;
	v27 =	vmul.f32 v33, v14  }
0x274: {  	v16 =	vld.idx.msk [tilespmem:v30+s31+$0x0], $0xffff;
	[tilespmem:s0+$0xFFFFFFC0] =	vst v24;
	v25 =	vadd.f32 v28, v25  }
0x275: {  	v26 =	vadd.f32 v27, v26;
	v27 =	vld [tilespmem:s23+$0xFFFFFFD0]  }
0x276: {  	v29 =	vld [tilespmem:s2+$0x70];
	[tilespmem:s0+$0xFFFFFF40] =	vst v25  }
0x277: {  	v31 =	vld [tilespmem:s2+$0xFFFFFF50]  }
0x278: {  	[tilespmem:s0+$0xC0] =	vst v26;
	v26 =	vld [tilespmem:s23+$0xFFFFFF50]  }
0x279: {  	s13 =	simm.s32 $0x5;
	v24 =	vld [tilespmem:s23+$0x70]  }
0x27a: {  	v30 =	vld [tilespmem:s25+$0x70];
	v25 =	vmov s13  }
0x27b: {  	s26 =	simm.s32 $0x6;
	v28 =	vld [tilespmem:s2+$0xFFFFFFD0];
	v25 =	vand.u32 $0xFFFFFFFD, v25  }
0x27c: {  	v61 =	vld [tilespmem:s2+$0xD0];
	v25 =	vbroadcast v25, $0x0;
	v22 =	vmul.f32 v29, v22;
	v29 =	vmov s26  }
0x27d: {  	v62 =	vld [tilespmem:s23+$0xD0];
	v35 =	vand.u32 $0xFFFFFFFE, v29;
	v29 =	vmul.f32 v31, v9;
	v26 =	vmul.f32 v26, v10  }
0x27e: {  	v23 =	vmul.f32 v24, v23;
	v24 =	vld [tilespmem:s25+$0xFFFFFFD0]  }
0x27f: {  	v63 =	vld [tilespmem:s25+$0xFFFFFF50];
	v29 =	vadd.f32 v26, v29;
	v26 =	vbroadcast v35, $0x0  }
0x280: {  	s3 =	simm.s32 $0x4600;
	v22 =	vadd.f32 v23, v22;
	v23 =	vmul.f32 v30, v21;
	v30 =	vmul.f32 v27, v12;
	v27 =	vld [tilespmem:s25+$0xD0]  }
0x281: {  	v33 =	vld [tilespmem:s3+$0x0];
	v28 =	vmul.f32 v28, v11  }
0x282: {  	v36 =	vmul.f32 v61, v6;
	v37 =	vmul.f32 v62, v7;
	v31 =	vadd.f32 v23, v22;
	v21 =	vld.idx.msk [tilespmem:v25+s31+$0x0], $0xffff  }
0x283: {  	s28 =	simm.s32 $0x8;
	v30 =	vadd.f32 v30, v28;
	v32 =	vmul.f32 v24, v13;
	v22 =	vld.idx.msk [tilespmem:v25+s29+$0x0], $0xffff  }
0x284: {  	s1 =	simm.s32 $0x10400;
	s13 =	simm.s32 $0xC400;
	s26 =	simm.s32 $0x8400;
	v28 =	vadd.f32 v37, v36;
	v23 =	vld.idx.msk [tilespmem:v25+s30+$0x0], $0xffff;
	[tilespmem:s0+$0x70] =	vst v31;
	v31 =	vmul.f32 v63, v8  }
.LBB2_12:
0x285: {  	p0 =	slt.u32 s28, $0x7C;
	v24 =	vld.idx.msk [tilespmem:v26+s29+$0x0], $0xffff;
	v30 =	vadd.f32 v32, v30;
	v27 =	vmul.f32 v27, v14  }
0x286: {  	s23 =	sadd.s32 $0x200, s23;
	v25 =	vld.idx.msk [tilespmem:v26+s30+$0x0], $0xffff;
	v29 =	vadd.f32 v31, v29  }
0x287: {  	v31 =	vld [tilespmem:s23+$0x0];
	[tilespmem:s0+$0xFFFFFFD0] =	vst v30;
	v27 =	vadd.f32 v27, v28  }
0x288: {  	s25 =	sadd.s32 $0x200, s25;
	v26 =	vld.idx.msk [tilespmem:v26+s31+$0x0], $0xffff;
	[tilespmem:s0+$0xFFFFFF50] =	vst v29  }
0x289: {  	v28 =	vld [tilespmem:s25+$0x0];
	[tilespmem:s0+$0xD0] =	vst v27  }
0x28a: {  	v27 =	vld [tilespmem:s3+$0xFFFFFF00]  }
0x28b: {  	v29 =	vld [tilespmem:s23+$0xFFFFFF00]  }
0x28c: {  	v32 =	vmul.f32 v33, v24;
	v30 =	vld [tilespmem:s3+$0xFFFFFF80];
	v31 =	vmul.f32 v31, v25  }
0x28d: {  	v33 =	vld [tilespmem:s23+$0xFFFFFF80]  }
0x28e: {  	v31 =	vadd.f32 v31, v32;
	v28 =	vmul.f32 v28, v26;
	v32 =	vld [tilespmem:s3+$0x80]  }
0x28f: {  	v27 =	vmul.f32 v27, v20;
	v34 =	vld [tilespmem:s23+$0x80]  }
0x290: {  	v29 =	vmul.f32 v29, v19;
	v35 =	vld [tilespmem:s25+$0xFFFFFF00];
	v28 =	vadd.f32 v28, v31  }
0x291: {  	s0 =	sadd.s32 $0x200, s0;
	v30 =	vmul.f32 v30, v22;
	v31 =	vld [tilespmem:s25+$0xFFFFFF80]  }
0x292: {  	v27 =	vadd.f32 v29, v27;
	v29 =	vmul.f32 v33, v23;
	[tilespmem:s0+$0x0] =	vst v28;
	v28 =	vld [tilespmem:s25+$0x80]  }
0x293: {  	v33 =	vld [tilespmem:s3+$0x10];
	v32 =	vmul.f32 v32, v18  }
0x294: {  	v29 =	vadd.f32 v29, v30;
	v30 =	vld [tilespmem:s23+$0x10];
	v34 =	vmul.f32 v34, v17  }
0x295: {  	v35 =	vmul.f32 v35, v16;
	v36 =	vld [tilespmem:s2+$0xFFFFFFE0]  }
0x296: {  	v31 =	vmul.f32 v31, v21;
	v37 =	vld [tilespmem:s25+$0x10];
	v32 =	vadd.f32 v34, v32  }
0x297: {  	v27 =	vadd.f32 v35, v27;
	v28 =	vmul.f32 v28, v15;
	v34 =	vld [tilespmem:s26+$0xFFFFFFE0]  }
0x298: {  	v29 =	vadd.f32 v31, v29;
	v31 =	vld [tilespmem:s2+$0xFFFFFF60]  }
0x299: {  	[tilespmem:s0+$0xFFFFFF00] =	vst v27;
	v27 =	vmul.f32 v33, v24;
	v30 =	vmul.f32 v30, v25;
	v28 =	vadd.f32 v28, v32;
	v32 =	vld [tilespmem:s26+$0xFFFFFF60]  }
0x29a: {  	v33 =	vld [tilespmem:s3+$0xFFFFFF10];
	[tilespmem:s0+$0xFFFFFF80] =	vst v29;
	v29 =	vmul.f32 v36, v11  }
0x29b: {  	v35 =	vld [tilespmem:s3+$0xFFFFFF90];
	v27 =	vadd.f32 v30, v27;
	v30 =	vmul.f32 v37, v26;
	[tilespmem:s0+$0x80] =	vst v28  }
0x29c: {  	v28 =	vld [tilespmem:s23+$0xFFFFFF90];
	v34 =	vmul.f32 v34, v12  }
0x29d: {  	v36 =	vld [tilespmem:s23+$0xFFFFFF10];
	v27 =	vadd.f32 v30, v27;
	v30 =	vmul.f32 v31, v9  }
0x29e: {  	v31 =	vld [tilespmem:s3+$0x90];
	v32 =	vmul.f32 v32, v10;
	v29 =	vadd.f32 v34, v29  }
0x29f: {  	v33 =	vmul.f32 v33, v20;
	[tilespmem:s0+$0x10] =	vst v27;
	v27 =	vld [tilespmem:s23+$0x90]  }
0x2a0: {  	v34 =	vmul.f32 v35, v22;
	v35 =	vld [tilespmem:s3+$0x20];
	v30 =	vadd.f32 v32, v30  }
0x2a1: {  	v28 =	vmul.f32 v28, v23;
	v32 =	vld [tilespmem:s23+$0x20]  }
0x2a2: {  	v36 =	vmul.f32 v36, v19;
	v37 =	vld [tilespmem:s25+$0xFFFFFF90]  }
0x2a3: {  	v28 =	vadd.f32 v28, v34;
	v34 =	vld [tilespmem:s25+$0x20];
	v31 =	vmul.f32 v31, v18  }
0x2a4: {  	s6 =	sadd.s32 $0x3, s28;
	v33 =	vadd.f32 v36, v33;
	v36 =	vld [tilespmem:s25+$0xFFFFFF10];
	v38 =	vmul.f32 v27, v17  }
0x2a5: {  	v27 =	vmov s6;
	v39 =	vld [tilespmem:s25+$0x90]  }
0x2a6: {  	v35 =	vmul.f32 v35, v24;
	v32 =	vmul.f32 v32, v25;
	v31 =	vadd.f32 v38, v31;
	v38 =	vld [tilespmem:s2+$0xE0]  }
0x2a7: {  	v37 =	vmul.f32 v37, v21;
	v40 =	vld [tilespmem:s26+$0xE0]  }
0x2a8: {  	v32 =	vadd.f32 v32, v35;
	v34 =	vmul.f32 v34, v26;
	v35 =	vld [tilespmem:s13+$0xFFFFFFE0]  }
0x2a9: {  	v36 =	vmul.f32 v36, v16;
	v37 =	vadd.f32 v37, v28;
	v41 =	vld [tilespmem:s13+$0xFFFFFF60]  }
0x2aa: {  	v32 =	vadd.f32 v34, v32;
	v34 =	vmul.f32 v39, v15;
	v39 =	vld [tilespmem:s13+$0xE0]  }
0x2ab: {  	v28 =	vld.idx.msk [tilespmem:v27+s31+$0x0], $0xffff;
	v33 =	vadd.f32 v36, v33;
	[tilespmem:s0+$0xFFFFFF90] =	vst v37;
	v36 =	vmul.f32 v38, v6  }
0x2ac: {  	v37 =	vld [tilespmem:s3+$0xFFFFFFA0];
	[tilespmem:s0+$0x20] =	vst v32;
	v31 =	vadd.f32 v34, v31;
	v32 =	vmul.f32 v40, v7  }
0x2ad: {  	[tilespmem:s0+$0xFFFFFF10] =	vst v33;
	v33 =	vld [tilespmem:s3+$0x30];
	v34 =	vmul.f32 v35, v13  }
0x2ae: {  	v35 =	vld [tilespmem:s23+$0x30];
	[tilespmem:s0+$0x90] =	vst v31;
	v31 =	vmul.f32 v41, v8;
	v32 =	vadd.f32 v32, v36  }
0x2af: {  	v36 =	vld [tilespmem:s23+$0xFFFFFFA0];
	v29 =	vadd.f32 v34, v29;
	v34 =	vmul.f32 v39, v14  }
0x2b0: {  	v38 =	vld [tilespmem:s25+$0x30];
	v30 =	vadd.f32 v31, v30  }
0x2b1: {  	v31 =	vld [tilespmem:s3+$0xFFFFFF20];
	v37 =	vmul.f32 v37, v22;
	[tilespmem:s1+$0xFFFFFFE0] =	vst v29;
	v29 =	vadd.f32 v34, v32  }
0x2b2: {  	v32 =	vld [tilespmem:s23+$0xFFFFFF20];
	[tilespmem:s1+$0xFFFFFF60] =	vst v30  }
0x2b3: {  	v30 =	vmul.f32 v33, v24;
	v33 =	vmul.f32 v35, v25;
	v34 =	vld [tilespmem:s3+$0xA0];
	[tilespmem:s1+$0xE0] =	vst v29  }
0x2b4: {  	v29 =	vmul.f32 v36, v23;
	v35 =	vld [tilespmem:s23+$0xA0]  }
0x2b5: {  	v36 =	vld [tilespmem:s25+$0xFFFFFFA0];
	v30 =	vadd.f32 v33, v30;
	v33 =	vmul.f32 v38, v26  }
0x2b6: {  	v31 =	vmul.f32 v31, v20;
	v38 =	vld [tilespmem:s25+$0xFFFFFF20];
	v29 =	vadd.f32 v29, v37  }
0x2b7: {  	v32 =	vmul.f32 v32, v19;
	v30 =	vadd.f32 v33, v30;
	v33 =	vld [tilespmem:s25+$0xA0]  }
0x2b8: {  	v34 =	vmul.f32 v34, v18;
	v37 =	vld [tilespmem:s2+$0xFFFFFFF0]  }
0x2b9: {  	v31 =	vadd.f32 v32, v31;
	[tilespmem:s0+$0x30] =	vst v30;
	v30 =	vmul.f32 v35, v17;
	v32 =	vld [tilespmem:s26+$0xFFFFFFF0]  }
0x2ba: {  	v35 =	vmul.f32 v36, v21;
	v36 =	vld [tilespmem:s3+$0x40]  }
0x2bb: {  	v38 =	vmul.f32 v38, v16;
	v39 =	vld [tilespmem:s23+$0x40];
	v30 =	vadd.f32 v30, v34  }
0x2bc: {  	v29 =	vadd.f32 v35, v29;
	v33 =	vmul.f32 v33, v15;
	v34 =	vld [tilespmem:s2+$0xFFFFFF70]  }
0x2bd: {  	v31 =	vadd.f32 v38, v31;
	v35 =	vld [tilespmem:s25+$0x40];
	v37 =	vmul.f32 v37, v11;
	v11 =	vmov v22  }
0x2be: {  	[tilespmem:s0+$0xFFFFFFA0] =	vst v29;
	v22 =	vadd.f32 v33, v30;
	v29 =	vld [tilespmem:s26+$0xFFFFFF70];
	v30 =	vmul.f32 v32, v12;
	v12 =	vmov v23  }
0x2bf: {  	[tilespmem:s0+$0xFFFFFF20] =	vst v31;
	v23 =	vld [tilespmem:s3+$0xFFFFFFB0]  }
0x2c0: {  	v32 =	vmul.f32 v36, v24;
	v31 =	vld [tilespmem:s23+$0xFFFFFFB0];
	v33 =	vmul.f32 v39, v25;
	[tilespmem:s0+$0xA0] =	vst v22;
	v22 =	vadd.f32 v30, v37  }
0x2c1: {  	v30 =	vld [tilespmem:s3+$0xFFFFFF30];
	v34 =	vmul.f32 v34, v9;
	v9 =	vmov v20  }
0x2c2: {  	v20 =	vld [tilespmem:s23+$0xFFFFFF30];
	v32 =	vadd.f32 v33, v32;
	v33 =	vmul.f32 v35, v26  }
0x2c3: {  	v35 =	vld [tilespmem:s3+$0xB0];
	v29 =	vmul.f32 v29, v10;
	v10 =	vmov v19  }
0x2c4: {  	v19 =	vmul.f32 v23, v11;
	v23 =	vadd.f32 v33, v32;
	v32 =	vld [tilespmem:s23+$0xB0]  }
0x2c5: {  	v31 =	vmul.f32 v31, v12;
	v33 =	vld [tilespmem:s25+$0xFFFFFFB0];
	v29 =	vadd.f32 v29, v34  }
0x2c6: {  	v30 =	vmul.f32 v30, v9;
	v34 =	vld [tilespmem:s25+$0xFFFFFF30];
	[tilespmem:s0+$0x40] =	vst v23  }
0x2c7: {  	v20 =	vmul.f32 v20, v10;
	v19 =	vadd.f32 v31, v19;
	v23 =	vld [tilespmem:s3+$0x50]  }
0x2c8: {  	v31 =	vld [tilespmem:s23+$0x50];
	v35 =	vmul.f32 v35, v18  }
0x2c9: {  	v20 =	vadd.f32 v20, v30;
	v30 =	vmul.f32 v32, v17;
	v32 =	vld [tilespmem:s25+$0xB0]  }
0x2ca: {  	v33 =	vmul.f32 v33, v21;
	v36 =	vld [tilespmem:s25+$0x50]  }
0x2cb: {  	v34 =	vmul.f32 v34, v16;
	v30 =	vadd.f32 v30, v35;
	v35 =	vld [tilespmem:s2+$0xF0];
	s2 =	smov.u32 s3  }
0x2cc: {  	v19 =	vadd.f32 v33, v19;
	v33 =	vld [tilespmem:s26+$0xF0];
	s26 =	smov.u32 s23  }
0x2cd: {  	v23 =	vmul.f32 v23, v24;
	v20 =	vadd.f32 v34, v20;
	v31 =	vmul.f32 v31, v25;
	v34 =	vld [tilespmem:s13+$0xFFFFFFF0]  }
0x2ce: {  	[tilespmem:s0+$0xFFFFFFB0] =	vst v19;
	v19 =	vmul.f32 v32, v15;
	v32 =	vld [tilespmem:s13+$0xFFFFFF70]  }
0x2cf: {  	[tilespmem:s0+$0xFFFFFF30] =	vst v20;
	v20 =	vld [tilespmem:s3+$0xFFFFFFC0];
	v23 =	vadd.f32 v31, v23;
	v31 =	vmul.f32 v36, v26  }
0x2d0: {  	v36 =	vld [tilespmem:s23+$0xFFFFFFC0];
	v19 =	vadd.f32 v19, v30;
	v30 =	vmul.f32 v35, v6;
	v6 =	vmov v18  }
0x2d1: {  	v18 =	vld [tilespmem:s3+$0xFFFFFF40];
	v23 =	vadd.f32 v31, v23;
	v31 =	vmul.f32 v33, v7;
	v7 =	vmov v17  }
0x2d2: {  	v17 =	vld [tilespmem:s23+$0xFFFFFF40];
	[tilespmem:s0+$0xB0] =	vst v19;
	v19 =	vmul.f32 v34, v13;
	v13 =	vmov v21  }
0x2d3: {  	[tilespmem:s0+$0x50] =	vst v23;
	v21 =	vld [tilespmem:s3+$0xC0];
	v23 =	vmul.f32 v32, v8;
	v30 =	vadd.f32 v31, v30;
	v8 =	vmov v16  }
0x2d4: {  	v16 =	vmul.f32 v20, v11;
	v20 =	vld [tilespmem:s3+$0x60];
	v19 =	vadd.f32 v19, v22  }
0x2d5: {  	v22 =	vmul.f32 v36, v12;
	v31 =	vld [tilespmem:s23+$0x60];
	v23 =	vadd.f32 v23, v29  }
0x2d6: {  	v29 =	vmov s28;
	v18 =	vmul.f32 v18, v9;
	v32 =	vld [tilespmem:s23+$0xC0];
	[tilespmem:s1+$0xFFFFFFF0] =	vst v19  }
0x2d7: {  	v19 =	vand.u32 $0xFFFFFFFC, v29;
	v17 =	vmul.f32 v17, v10;
	v22 =	vadd.f32 v22, v16;
	v16 =	vld [tilespmem:s25+$0x60];
	[tilespmem:s1+$0xFFFFFF70] =	vst v23  }
0x2d8: {  	v19 =	vbroadcast v19, $0x0;
	v23 =	vld [tilespmem:s25+$0xFFFFFFC0];
	v21 =	vmul.f32 v21, v6  }
0x2d9: {  	v29 =	vadd.f32 v17, v18;
	v33 =	vld [tilespmem:s25+$0xFFFFFF40]  }
0x2da: {  	v17 =	vmul.f32 v20, v24;
	v20 =	vmul.f32 v31, v25;
	v31 =	vld [tilespmem:s25+$0xC0]  }
0x2db: {  	v32 =	vmul.f32 v32, v7;
	v34 =	vld [tilespmem:s13+$0xF0];
	s13 =	smov.u32 s25  }
0x2dc: {  	v18 =	vld.idx.msk [tilespmem:v27+s29+$0x0], $0xffff;
	v20 =	vadd.f32 v20, v17;
	v35 =	vmul.f32 v16, v26  }
0x2dd: {  	v17 =	vld.idx.msk [tilespmem:v27+s30+$0x0], $0xffff;
	v23 =	vmul.f32 v23, v13;
	v21 =	vadd.f32 v32, v21  }
0x2de: {  	v16 =	vld.idx.msk [tilespmem:v19+s31+$0x0], $0xffff;
	v27 =	vmul.f32 v33, v8;
	v32 =	vadd.f32 v35, v20  }
0x2df: {  	v20 =	vld.idx.msk [tilespmem:v19+s29+$0x0], $0xffff;
	v22 =	vadd.f32 v23, v22;
	v23 =	vmul.f32 v31, v15  }
0x2e0: {  	v19 =	vld.idx.msk [tilespmem:v19+s30+$0x0], $0xffff;
	v27 =	vadd.f32 v27, v29;
	[tilespmem:s0+$0x60] =	vst v32;
	v29 =	vmul.f32 v34, v14;
	v14 =	vmov v15  }
0x2e1: {  	v15 =	vmov v28;
	[tilespmem:s0+$0xFFFFFFC0] =	vst v22;
	v22 =	vld [tilespmem:s3+$0x70];
	v21 =	vadd.f32 v23, v21  }
0x2e2: {  	[tilespmem:s0+$0xFFFFFF40] =	vst v27;
	v23 =	vld [tilespmem:s23+$0x70];
	v27 =	vadd.f32 v29, v30  }
0x2e3: {  	s6 =	sadd.s32 $0x1, s28;
	v28 =	vld [tilespmem:s3+$0xFFFFFFD0];
	[tilespmem:s0+$0xC0] =	vst v21  }
0x2e4: {  	v21 =	vmov s6;
	v29 =	vld [tilespmem:s25+$0x70];
	[tilespmem:s1+$0xF0] =	vst v27;
	s1 =	smov.u32 s0  }
0x2e5: {  	v21 =	vand.u32 $0xFFFFFFFD, v21;
	v27 =	vld [tilespmem:s23+$0xFFFFFFD0]  }
0x2e6: {  	v31 =	vbroadcast v21, $0x0;
	v21 =	vld [tilespmem:s3+$0xFFFFFF50]  }
0x2e7: {  	v22 =	vmul.f32 v22, v24;
	v30 =	vld [tilespmem:s23+$0xFFFFFF50];
	v23 =	vmul.f32 v23, v25  }
0x2e8: {  	s6 =	sadd.s32 $0x2, s28;
	v24 =	vmul.f32 v28, v11;
	v25 =	vld [tilespmem:s3+$0xD0]  }
0x2e9: {  	v28 =	vmov s6;
	v22 =	vadd.f32 v23, v22;
	v23 =	vmul.f32 v29, v26;
	v32 =	vld [tilespmem:s23+$0xD0]  }
0x2ea: {  	v26 =	vand.u32 $0xFFFFFFFE, v28;
	v27 =	vmul.f32 v27, v12;
	v28 =	vld [tilespmem:s25+$0xFFFFFFD0]  }
0x2eb: {  	v26 =	vbroadcast v26, $0x0;
	v29 =	vmul.f32 v21, v9;
	v34 =	vld [tilespmem:s25+$0xFFFFFF50];
	v22 =	vadd.f32 v23, v22  }
.Ltmp13:
0x2ec: {  	v23 =	vmul.f32 v30, v10;
	v30 =	vadd.f32 v27, v24;
	v27 =	vld [tilespmem:s25+$0xD0];
	(pc) =	sbr.rel @p0 .LBB2_12-.Ltmp13, $4  }
0x2ed: {  	v21 =	vld.idx.msk [tilespmem:v31+s31+$0x0], $0xffff;
	[tilespmem:s0+$0x70] =	vst v22;
	v24 =	vmul.f32 v25, v6  }
0x2ee: {  	v22 =	vld.idx.msk [tilespmem:v31+s29+$0x0], $0xffff;
	v29 =	vadd.f32 v23, v29;
	v25 =	vmul.f32 v32, v7  }
0x2ef: {  	s3 =	sadd.s32 $0x200, s3;
	v23 =	vld.idx.msk [tilespmem:v31+s30+$0x0], $0xffff;
	v32 =	vmul.f32 v28, v13  }
0x2f0: {  	s28 =	sadd.s32 $0x4, s28;
	v33 =	vld [tilespmem:s3+$0x0];
	v31 =	vmul.f32 v34, v8;
	v28 =	vadd.f32 v25, v24  }
0x2f1: {  	_ =	sdelay $0x3  }
0x2f2: {  	v24 =	vld.idx.msk [tilespmem:v26+s29+$0x0], $0xffff  }
0x2f3: {  	v25 =	vld.idx.msk [tilespmem:v26+s30+$0x0], $0xffff  }
0x2f4: {  	v26 =	vld.idx.msk [tilespmem:v26+s31+$0x0], $0xffff  }
0x2f5: {  	v36 =	vld [tilespmem:s3+$0xFFFFFF00]  }
0x2f6: {  	s28 =	sadd.s32 $0x200, s23;
	v38 =	vld [tilespmem:s3+$0xFFFFFF80]  }
0x2f7: {  	v34 =	vld [tilespmem:s28+$0x0]  }
0x2f8: {  	s25 =	sadd.s32 $0x200, s25;
	v40 =	vld [tilespmem:s3+$0x80]  }
0x2f9: {  	v35 =	vld [tilespmem:s25+$0x0]  }
0x2fa: {  	v37 =	vld [tilespmem:s28+$0xFFFFFF00]  }
0x2fb: {  	v39 =	vld [tilespmem:s28+$0xFFFFFF80]  }
0x2fc: {  	v41 =	vld [tilespmem:s25+$0xFFFFFF00];
	v33 =	vmul.f32 v33, v24;
	v34 =	vmul.f32 v34, v25  }
0x2fd: {  	v30 =	vadd.f32 v32, v30;
	v42 =	vld [tilespmem:s25+$0xFFFFFF80]  }
0x2fe: {  	v54 =	vld [tilespmem:s28+$0x80];
	v53 =	vmul.f32 v35, v26;
	v33 =	vadd.f32 v34, v33  }
0x2ff: {  	v57 =	vld [tilespmem:s25+$0x80];
	v29 =	vadd.f32 v31, v29;
	[tilespmem:s0+$0xFFFFFFD0] =	vst v30;
	v36 =	vmul.f32 v36, v20;
	v37 =	vmul.f32 v37, v19  }
0x300: {  	v31 =	vld [tilespmem:s2+$0xFFFFFFE0];
	v55 =	vmul.f32 v38, v22;
	v33 =	vadd.f32 v53, v33  }
0x301: {  	s6 =	sadd.s32 $0x200, s0;
	[tilespmem:s0+$0xFFFFFF50] =	vst v29;
	v29 =	vld [tilespmem:s26+$0xFFFFFFE0];
	v56 =	vmul.f32 v39, v23;
	v58 =	vmul.f32 v41, v16;
	v36 =	vadd.f32 v37, v36  }
0x302: {  	v38 =	vld [tilespmem:s2+$0xFFFFFF60];
	[tilespmem:s6+$0x0] =	vst v33  }
0x303: {  	v60 =	vmul.f32 v42, v21;
	v59 =	vadd.f32 v56, v55;
	v36 =	vadd.f32 v58, v36;
	v61 =	vld [tilespmem:s3+$0x10]  }
0x304: {  	v62 =	vld [tilespmem:s28+$0x10]  }
0x305: {  	v40 =	vmul.f32 v40, v18;
	v35 =	vmul.f32 v54, v17;
	v33 =	vadd.f32 v60, v59;
	[tilespmem:s6+$0xFFFFFF00] =	vst v36;
	v63 =	vld [tilespmem:s25+$0x10]  }
0x306: {  	v36 =	vld [tilespmem:s3+$0xFFFFFF10]  }
0x307: {  	v39 =	vmul.f32 v57, v15;
	v35 =	vadd.f32 v35, v40;
	v46 =	vld [tilespmem:s28+$0xFFFFFF10];
	[tilespmem:s6+$0xFFFFFF80] =	vst v33  }
0x308: {  	v44 =	vld [tilespmem:s3+$0xFFFFFF90]  }
0x309: {  	v43 =	vadd.f32 v39, v35;
	v45 =	vld [tilespmem:s28+$0xFFFFFF90]  }
0x30a: {  	v52 =	vld [tilespmem:s25+$0xFFFFFF10];
	v48 =	vmul.f32 v61, v24;
	v37 =	vmul.f32 v62, v25  }
0x30b: {  	v27 =	vmul.f32 v27, v14;
	[tilespmem:s6+$0x80] =	vst v43;
	v49 =	vld [tilespmem:s25+$0xFFFFFF90]  }
0x30c: {  	v47 =	vld [tilespmem:s3+$0x90];
	v51 =	vmul.f32 v63, v26;
	v30 =	vadd.f32 v37, v48  }
0x30d: {  	v27 =	vadd.f32 v27, v28;
	v50 =	vld [tilespmem:s28+$0x90];
	v54 =	vmul.f32 v36, v20;
	v33 =	vmul.f32 v46, v19  }
0x30e: {  	v40 =	vld [tilespmem:s26+$0xFFFFFF60];
	v35 =	vmul.f32 v44, v22;
	v53 =	vmul.f32 v45, v23;
	v30 =	vadd.f32 v51, v30  }
0x30f: {  	[tilespmem:s0+$0xD0] =	vst v27;
	v55 =	vld [tilespmem:s25+$0x90];
	v34 =	vmul.f32 v52, v16;
	v32 =	vadd.f32 v33, v54  }
0x310: {  	v39 =	vld [tilespmem:s26+$0xE0];
	v56 =	vmul.f32 v49, v21;
	v35 =	vadd.f32 v53, v35;
	[tilespmem:s6+$0x10] =	vst v30  }
0x311: {  	v32 =	vadd.f32 v34, v32;
	v57 =	vld [tilespmem:s3+$0x20]  }
0x312: {  	v58 =	vmul.f32 v50, v17;
	v30 =	vmul.f32 v47, v18;
	v35 =	vadd.f32 v56, v35;
	v59 =	vld [tilespmem:s28+$0x20]  }
0x313: {  	[tilespmem:s6+$0xFFFFFF10] =	vst v32;
	v60 =	vld [tilespmem:s25+$0x20]  }
0x314: {  	v36 =	vmul.f32 v55, v15;
	v63 =	vld [tilespmem:s3+$0xFFFFFF20];
	v30 =	vadd.f32 v58, v30;
	[tilespmem:s6+$0xFFFFFF90] =	vst v35  }
0x315: {  	v61 =	vld [tilespmem:s3+$0xFFFFFFA0]  }
0x316: {  	v62 =	vld [tilespmem:s28+$0xFFFFFFA0];
	v30 =	vadd.f32 v36, v30  }
0x317: {  	v45 =	vld [tilespmem:s25+$0xFFFFFFA0]  }
0x318: {  	[tilespmem:s6+$0x90] =	vst v30;
	v30 =	vld [tilespmem:s28+$0xFFFFFF20];
	v33 =	vmul.f32 v57, v24;
	v37 =	vmul.f32 v59, v25  }
0x319: {  	v48 =	vld [tilespmem:s25+$0xFFFFFF20]  }
0x31a: {  	v47 =	vmul.f32 v60, v26;
	v44 =	vld [tilespmem:s3+$0xA0];
	v28 =	vadd.f32 v37, v33  }
0x31b: {  	v46 =	vld [tilespmem:s28+$0xA0];
	v34 =	vmul.f32 v61, v22;
	v32 =	vmul.f32 v62, v23  }
0x31c: {  	v43 =	vld [tilespmem:s13+$0xFFFFFFE0];
	v50 =	vmul.f32 v45, v21;
	v27 =	vadd.f32 v47, v28  }
0x31d: {  	v49 =	vld [tilespmem:s25+$0xA0];
	v28 =	vmul.f32 v63, v20;
	v32 =	vadd.f32 v32, v34;
	v30 =	vmul.f32 v30, v19  }
0x31e: {  	v35 =	vld [tilespmem:s2+$0xE0];
	[tilespmem:s6+$0x20] =	vst v27  }
0x31f: {  	v37 =	vmul.f32 v48, v16;
	v32 =	vadd.f32 v50, v32;
	v28 =	vadd.f32 v30, v28;
	v30 =	vld [tilespmem:s3+$0x30]  }
0x320: {  	v27 =	vmul.f32 v44, v18;
	v51 =	vmul.f32 v46, v17;
	v52 =	vld [tilespmem:s28+$0x30]  }
0x321: {  	v53 =	vld [tilespmem:s25+$0x30];
	[tilespmem:s6+$0xFFFFFFA0] =	vst v32  }
0x322: {  	v33 =	vmul.f32 v49, v15;
	v27 =	vadd.f32 v51, v27;
	v28 =	vadd.f32 v37, v28;
	v32 =	vld [tilespmem:s3+$0xFFFFFFB0]  }
0x323: {  	v56 =	vld [tilespmem:s25+$0xFFFFFFB0]  }
0x324: {  	v27 =	vadd.f32 v33, v27;
	[tilespmem:s6+$0xFFFFFF20] =	vst v28;
	v28 =	vld [tilespmem:s28+$0xFFFFFFB0]  }
0x325: {  	v54 =	vld [tilespmem:s3+$0xFFFFFF30]  }
0x326: {  	[tilespmem:s6+$0xA0] =	vst v27;
	v27 =	vld [tilespmem:s28+$0xFFFFFF30];
	v30 =	vmul.f32 v30, v24;
	v34 =	vmul.f32 v52, v25  }
0x327: {  	v62 =	vld [tilespmem:s13+$0xE0]  }
0x328: {  	v58 =	vmul.f32 v53, v26;
	v59 =	vld [tilespmem:s25+$0xFFFFFF30];
	v30 =	vadd.f32 v34, v30  }
0x329: {  	v55 =	vld [tilespmem:s3+$0xB0];
	v32 =	vmul.f32 v32, v22;
	v28 =	vmul.f32 v28, v23  }
0x32a: {  	v57 =	vld [tilespmem:s28+$0xB0];
	v61 =	vmul.f32 v56, v21;
	v30 =	vadd.f32 v58, v30  }
0x32b: {  	v44 =	vld [tilespmem:s13+$0xFFFFFF60];
	v33 =	vmul.f32 v54, v20;
	v27 =	vmul.f32 v27, v19;
	v28 =	vadd.f32 v28, v32  }
0x32c: {  	v60 =	vld [tilespmem:s25+$0xB0];
	[tilespmem:s6+$0x30] =	vst v30  }
0x32d: {  	v41 =	vmul.f32 v59, v16;
	v27 =	vadd.f32 v27, v33;
	v63 =	vld [tilespmem:s3+$0x40];
	v28 =	vadd.f32 v61, v28  }
0x32e: {  	v31 =	vmul.f32 v31, v11;
	v29 =	vmul.f32 v29, v12;
	v46 =	vld [tilespmem:s28+$0x40]  }
0x32f: {  	v30 =	vmul.f32 v55, v18;
	v45 =	vmul.f32 v57, v17;
	v47 =	vld [tilespmem:s25+$0x40];
	v27 =	vadd.f32 v41, v27;
	[tilespmem:s6+$0xFFFFFFB0] =	vst v28  }
0x330: {  	v29 =	vadd.f32 v29, v31;
	v31 =	vmul.f32 v43, v13;
	v48 =	vld [tilespmem:s3+$0xFFFFFFC0]  }
0x331: {  	v30 =	vadd.f32 v45, v30;
	v28 =	vmul.f32 v60, v15;
	[tilespmem:s6+$0xFFFFFF30] =	vst v27;
	v27 =	vld [tilespmem:s28+$0xFFFFFFC0]  }
0x332: {  	v29 =	vadd.f32 v31, v29;
	v52 =	vld [tilespmem:s25+$0xFFFFFFC0]  }
0x333: {  	v35 =	vmul.f32 v35, v6;
	v61 =	vmul.f32 v39, v7;
	v28 =	vadd.f32 v28, v30;
	v30 =	vld [tilespmem:s3+$0xFFFFFF40]  }
0x334: {  	v37 =	vmul.f32 v62, v14;
	v49 =	vld [tilespmem:s28+$0xFFFFFF40]  }
0x335: {  	[tilespmem:s1+$0xFFFFFFE0] =	vst v29;
	v35 =	vadd.f32 v61, v35;
	v31 =	vmul.f32 v63, v24;
	v32 =	vmul.f32 v46, v25;
	v55 =	vld [tilespmem:s25+$0xFFFFFF40]  }
0x336: {  	[tilespmem:s6+$0xB0] =	vst v28;
	v28 =	vmul.f32 v38, v9;
	v38 =	vld [tilespmem:s2+$0xFFFFFFF0]  }
0x337: {  	v35 =	vadd.f32 v37, v35;
	v29 =	vadd.f32 v32, v31;
	v31 =	vmul.f32 v47, v26;
	v51 =	vld [tilespmem:s3+$0xC0]  }
0x338: {  	v50 =	vmul.f32 v40, v10;
	v54 =	vld [tilespmem:s28+$0xC0]  }
0x339: {  	[tilespmem:s1+$0xE0] =	vst v35;
	v56 =	vld [tilespmem:s25+$0xC0];
	v34 =	vmul.f32 v48, v22;
	v27 =	vmul.f32 v27, v23;
	v29 =	vadd.f32 v31, v29  }
0x33a: {  	v35 =	vld [tilespmem:s2+$0xF0];
	v30 =	vmul.f32 v30, v20;
	v31 =	vmul.f32 v49, v19  }
0x33b: {  	v53 =	vmul.f32 v44, v8;
	v28 =	vadd.f32 v50, v28;
	v48 =	vld [tilespmem:s26+$0xF0];
	[tilespmem:s6+$0x40] =	vst v29  }
0x33c: {  	v33 =	vmul.f32 v52, v21;
	v27 =	vadd.f32 v27, v34;
	v30 =	vadd.f32 v31, v30;
	v31 =	vld [tilespmem:s3+$0x50]  }
0x33d: {  	v28 =	vadd.f32 v53, v28;
	v58 =	vld [tilespmem:s28+$0x50]  }
0x33e: {  	v32 =	vmul.f32 v55, v16;
	v59 =	vld [tilespmem:s25+$0x50];
	v27 =	vadd.f32 v33, v27  }
0x33f: {  	[tilespmem:s1+$0xFFFFFF60] =	vst v28;
	v28 =	vld [tilespmem:s26+$0xFFFFFFF0]  }
0x340: {  	v29 =	vmul.f32 v51, v18;
	v57 =	vmul.f32 v54, v17;
	v34 =	vld [tilespmem:s2+$0xFFFFFF70];
	v30 =	vadd.f32 v32, v30;
	[tilespmem:s6+$0xFFFFFFC0] =	vst v27  }
0x341: {  	v27 =	vld [tilespmem:s3+$0xFFFFFFD0]  }
0x342: {  	v36 =	vmul.f32 v56, v15;
	v29 =	vadd.f32 v57, v29;
	[tilespmem:s6+$0xFFFFFF40] =	vst v30;
	v30 =	vld [tilespmem:s28+$0xFFFFFFD0]  }
0x343: {  	v63 =	vld [tilespmem:s25+$0xFFFFFFD0]  }
0x344: {  	v29 =	vadd.f32 v36, v29;
	v60 =	vld [tilespmem:s3+$0xFFFFFF50]  }
0x345: {  	v31 =	vmul.f32 v31, v24;
	v33 =	vmul.f32 v58, v25;
	v46 =	vld [tilespmem:s25+$0xFFFFFF50]  }
0x346: {  	[tilespmem:s6+$0xC0] =	vst v29;
	v29 =	vld [tilespmem:s28+$0xFFFFFF50]  }
0x347: {  	v45 =	vmul.f32 v59, v26;
	v31 =	vadd.f32 v33, v31;
	v62 =	vld [tilespmem:s3+$0xD0]  }
0x348: {  	v44 =	vld [tilespmem:s28+$0xD0];
	v27 =	vmul.f32 v27, v22;
	v30 =	vmul.f32 v30, v23  }
0x349: {  	v41 =	vld [tilespmem:s26+$0xFFFFFF70];
	v31 =	vadd.f32 v45, v31  }
0x34a: {  	v47 =	vld [tilespmem:s25+$0xD0];
	v27 =	vadd.f32 v30, v27;
	v30 =	vmul.f32 v63, v21  }
0x34b: {  	v61 =	vld [tilespmem:s13+$0xFFFFFF70];
	v32 =	vmul.f32 v60, v20;
	[tilespmem:s6+$0x50] =	vst v31;
	v29 =	vmul.f32 v29, v19  }
0x34c: {  	v37 =	vmul.f32 v46, v16;
	v49 =	vld [tilespmem:s3+$0x60];
	v27 =	vadd.f32 v30, v27  }
0x34d: {  	v51 =	vld [tilespmem:s25+$0x60];
	v31 =	vmul.f32 v62, v18;
	v50 =	vmul.f32 v44, v17;
	v29 =	vadd.f32 v29, v32  }
0x34e: {  	v30 =	vld [tilespmem:s28+$0x60];
	[tilespmem:s6+$0xFFFFFFD0] =	vst v27  }
0x34f: {  	v33 =	vmul.f32 v47, v15;
	v31 =	vadd.f32 v50, v31;
	v29 =	vadd.f32 v37, v29;
	v27 =	vld [tilespmem:s3+$0xFFFFFFE0]  }
0x350: {  	v54 =	vld [tilespmem:s25+$0xFFFFFFE0]  }
0x351: {  	v31 =	vadd.f32 v33, v31;
	[tilespmem:s6+$0xFFFFFF50] =	vst v29;
	v29 =	vld [tilespmem:s28+$0xFFFFFFE0]  }
0x352: {  	v52 =	vld [tilespmem:s3+$0xFFFFFF60]  }
0x353: {  	v32 =	vmul.f32 v49, v24;
	v30 =	vmul.f32 v30, v25;
	[tilespmem:s6+$0xD0] =	vst v31;
	v31 =	vld [tilespmem:s28+$0xFFFFFF60]  }
0x354: {  	v57 =	vld [tilespmem:s25+$0xFFFFFF60]  }
0x355: {  	v56 =	vmul.f32 v51, v26;
	v53 =	vld [tilespmem:s3+$0xE0];
	v30 =	vadd.f32 v30, v32  }
0x356: {  	v55 =	vld [tilespmem:s28+$0xE0];
	v27 =	vmul.f32 v27, v22;
	v29 =	vmul.f32 v29, v23  }
0x357: {  	v58 =	vld [tilespmem:s13+$0xFFFFFFF0];
	v30 =	vadd.f32 v56, v30;
	v59 =	vmul.f32 v52, v20  }
0x358: {  	v60 =	vld [tilespmem:s25+$0xE0];
	v31 =	vmul.f32 v31, v19;
	v27 =	vadd.f32 v29, v27;
	v29 =	vmul.f32 v54, v21  }
0x359: {  	v62 =	vld [tilespmem:s13+$0xF0];
	[tilespmem:s6+$0x60] =	vst v30  }
0x35a: {  	v40 =	vmul.f32 v57, v16;
	v63 =	vld [tilespmem:s3+$0x70];
	v30 =	vadd.f32 v31, v59;
	v27 =	vadd.f32 v29, v27  }
0x35b: {  	v45 =	vmul.f32 v55, v17;
	v46 =	vld [tilespmem:s25+$0x70];
	v31 =	vmul.f32 v53, v18  }
0x35c: {  	v9 =	vmul.f32 v34, v9;
	v29 =	vld [tilespmem:s28+$0x70];
	v30 =	vadd.f32 v40, v30;
	[tilespmem:s6+$0xFFFFFFE0] =	vst v27  }
0x35d: {  	v10 =	vmul.f32 v41, v10;
	v33 =	vmul.f32 v60, v15;
	v31 =	vadd.f32 v45, v31;
	v27 =	vld [tilespmem:s3+$0xFFFFFFF0]  }
0x35e: {  	v11 =	vmul.f32 v38, v11;
	[tilespmem:s6+$0xFFFFFF60] =	vst v30;
	v30 =	vld [tilespmem:s28+$0xFFFFFFF0]  }
0x35f: {  	v9 =	vadd.f32 v10, v9;
	v10 =	vmul.f32 v58, v13;
	v31 =	vadd.f32 v33, v31;
	v13 =	vld [tilespmem:s25+$0xFFFFFFF0]  }
0x360: {  	v6 =	vmul.f32 v35, v6;
	v12 =	vmul.f32 v28, v12;
	v28 =	vld [tilespmem:s3+$0xFFFFFF70]  }
0x361: {  	v7 =	vmul.f32 v48, v7;
	v8 =	vmul.f32 v61, v8;
	[tilespmem:s6+$0xE0] =	vst v31;
	v31 =	vld [tilespmem:s28+$0xFFFFFF70]  }
0x362: {  	v11 =	vadd.f32 v12, v11;
	v47 =	vld [tilespmem:s3+$0xF0]  }
0x363: {  	v6 =	vadd.f32 v7, v6;
	v8 =	vadd.f32 v8, v9;
	v7 =	vmul.f32 v62, v14;
	v12 =	vld [tilespmem:s28+$0xF0]  }
0x364: {  	v10 =	vadd.f32 v10, v11;
	v11 =	vmul.f32 v63, v24;
	v9 =	vmul.f32 v46, v26;
	v24 =	vld [tilespmem:s25+$0xFFFFFF70]  }
0x365: {  	v14 =	vmul.f32 v29, v25;
	v25 =	vld [tilespmem:s25+$0xF0];
	v22 =	vmul.f32 v27, v22  }
0x366: {  	v6 =	vadd.f32 v7, v6;
	v7 =	vmul.f32 v30, v23;
	v20 =	vmul.f32 v28, v20  }
0x367: {  	v11 =	vadd.f32 v14, v11;
	v14 =	vmul.f32 v31, v19;
	v18 =	vmul.f32 v47, v18  }
0x368: {  	[tilespmem:s1+$0xFFFFFFF0] =	vst v10;
	v7 =	vadd.f32 v7, v22;
	v10 =	vmul.f32 v12, v17;
	v12 =	vmul.f32 v13, v21  }
0x369: {  	[tilespmem:s1+$0xFFFFFF70] =	vst v8;
	v8 =	vadd.f32 v9, v11;
	v11 =	vmul.f32 v24, v16;
	v9 =	vadd.f32 v14, v20  }
0x36a: {  	[tilespmem:s1+$0xF0] =	vst v6;
	v6 =	vadd.f32 v10, v18;
	v7 =	vadd.f32 v12, v7;
	v10 =	vmul.f32 v25, v15  }
0x36b: {  	[tilespmem:s6+$0x70] =	vst v8;
	v8 =	vadd.f32 v11, v9  }
0x36c: {  	[tilespmem:s6+$0xFFFFFFF0] =	vst v7;
	v6 =	vadd.f32 v10, v6  }
0x36d: {  	[tilespmem:s6+$0xFFFFFF70] =	vst v8  }
0x36e: {  	[tilespmem:s6+$0xF0] =	vst v6;
	s6 =	simm.s32 $0x3D80  }
0x36f: {  	[tilespmem:s8], [sflag:$0x1] =	stream.indirect.gather [hbm4b:s4+s21], $0x80, s6, s21, $0xb8;
	[tilespmem:$0x18300] =	vst v63  }
0x370: {  	s23 =	simm.s32 $0x3E80;
	s13 =	simm.s32 $0x8300  }
0x371: {  	[tilespmem:s13], [sflag:$0x1] =	stream.indirect.gather [hbm4b:s4+s21], $0x80, s23, s21, $0xb8;
	[tilespmem:$0x18300] =	vst v63  }
0x372: {  	s26 =	simm.s32 $0x3F80;
	s25 =	simm.s32 $0xC300  }
0x373: {  	[tilespmem:s25], [sflag:$0x1] =	stream.indirect.gather [hbm4b:s4+s21], $0x80, s26, s21, $0xb8;
	[tilespmem:$0x18300] =	vst v63  }
0x374: {  	s1 =	simm.s32 $0x10300  }
0x375: {  	[hbm4b:s7+s5] =	stream.linear.scatter [tilespmem:s1], [sflag:$0x2], $0x4000, $0x38;
	[tilespmem:$0x18300] =	vst v63  }
0x376: {  	_ =	swait.ge [sflag:s17], $0x4000  }
0x377: {  	[sflag:s17] =	ssyncset.done $0x0  }
0x378: {  	s3 =	simm.s32 $0x82;
	[sflag:s17] =	ssyncadd.s32 $0xFFFFC000  }
0x379: {  	s2 =	simm.s32 $0x83;
	v6 =	vmov s3;
	_ =	swait.ge [sflag:s17], $0x4000  }
0x37a: {  	v14 =	vmov s2;
	v6 =	vand.u32 $0xFFFFFFFE, v6;
	[sflag:s17] =	ssyncset.done $0x0  }
0x37b: {  	v8 =	vbroadcast v6, $0x0;
	[sflag:s17] =	ssyncadd.s32 $0xFFFFC000  }
0x37c: {  	_ =	swait.ge [sflag:s17], $0x4000  }
0x37d: {  	[sflag:s17] =	ssyncset.done $0x0  }
0x37e: {  	s6 =	simm.s32 $0x80;
	[sflag:s17] =	ssyncadd.s32 $0xFFFFC000  }
0x37f: {  	s3 =	simm.s32 $0x4400;
	s8 =	simm.s32 $0x81;
	v7 =	vmov s6;
	v6 =	vld.idx.msk [tilespmem:v14+s29+$0x0], $0xffff  }
0x380: {  	v9 =	vmov s8;
	v10 =	vand.u32 $0xFFFFFFFC, v7;
	v12 =	vld [tilespmem:s3+$0x0]  }
0x381: {  	v9 =	vand.u32 $0xFFFFFFFD, v9;
	v11 =	vbroadcast v10, $0x0;
	v28 =	vld.idx.msk [tilespmem:v8+s29+$0x0], $0xffff  }
0x382: {  	s0 =	simm.s32 $0x8400;
	v13 =	vbroadcast v9, $0x0;
	v29 =	vld.idx.msk [tilespmem:v8+s30+$0x0], $0xffff  }
0x383: {  	v15 =	vld [tilespmem:s0+$0x0]  }
0x384: {  	s2 =	simm.s32 $0xC400;
	v27 =	vld.idx.msk [tilespmem:v8+s31+$0x0], $0xffff  }
0x385: {  	v16 =	vld [tilespmem:s2+$0x0]  }
0x386: {  	v7 =	vld.idx.msk [tilespmem:v14+s30+$0x0], $0xffff  }
0x387: {  	v8 =	vld.idx.msk [tilespmem:v11+s31+$0x0], $0xffff  }
0x388: {  	v9 =	vld.idx.msk [tilespmem:v13+s31+$0x0], $0xffff;
	v17 =	vmul.f32 v12, v28;
	v15 =	vmul.f32 v15, v29  }
0x389: {  	v10 =	vld.idx.msk [tilespmem:v11+s29+$0x0], $0xffff  }
0x38a: {  	v18 =	vld [tilespmem:s3+$0xFFFFFF80];
	v16 =	vmul.f32 v16, v27;
	v15 =	vadd.f32 v15, v17  }
0x38b: {  	v20 =	vld [tilespmem:s2+$0xFFFFFF00]  }
0x38c: {  	v12 =	vld.idx.msk [tilespmem:v11+s30+$0x0], $0xffff;
	v15 =	vadd.f32 v16, v15  }
0x38d: {  	s26 =	simm.s32 $0x14400;
	v17 =	vld [tilespmem:s3+$0xFFFFFF00]  }
0x38e: {  	v16 =	vld [tilespmem:s0+$0xFFFFFF00];
	[tilespmem:s26+$0x0] =	vst v15  }
0x38f: {  	v15 =	vld [tilespmem:s3+$0x10]  }
0x390: {  	v19 =	vld [tilespmem:s0+$0x10]  }
0x391: {  	v22 =	vld [tilespmem:s0+$0xFFFFFF80]  }
0x392: {  	v21 =	vld [tilespmem:s2+$0x10]  }
0x393: {  	v11 =	vld.idx.msk [tilespmem:v13+s29+$0x0], $0xffff  }
0x394: {  	v13 =	vld.idx.msk [tilespmem:v13+s30+$0x0], $0xffff;
	v17 =	vmul.f32 v17, v10;
	v16 =	vmul.f32 v16, v12  }
0x395: {  	v23 =	vld [tilespmem:s3+$0x80];
	v15 =	vmul.f32 v15, v28;
	v19 =	vmul.f32 v19, v29  }
0x396: {  	v25 =	vld [tilespmem:s2+$0xFFFFFF80];
	v16 =	vadd.f32 v16, v17;
	v17 =	vmul.f32 v20, v8  }
0x397: {  	v24 =	vld [tilespmem:s0+$0x80];
	v15 =	vadd.f32 v19, v15;
	v19 =	vmul.f32 v21, v27  }
0x398: {  	v14 =	vld.idx.msk [tilespmem:v14+s31+$0x0], $0xffff;
	v16 =	vadd.f32 v17, v16  }
0x399: {  	v20 =	vld [tilespmem:s2+$0x80];
	v17 =	vmul.f32 v18, v11;
	v18 =	vmul.f32 v22, v13;
	v15 =	vadd.f32 v19, v15  }
0x39a: {  	[tilespmem:s26+$0xFFFFFF00] =	vst v16  }
0x39b: {  	v16 =	vadd.f32 v18, v17;
	v18 =	vmul.f32 v25, v9;
	v21 =	vld [tilespmem:s3+$0xFFFFFF10];
	[tilespmem:s26+$0x10] =	vst v15  }
0x39c: {  	v17 =	vmul.f32 v24, v7;
	v19 =	vmul.f32 v23, v6;
	v15 =	vld [tilespmem:s3+$0x20]  }
0x39d: {  	v16 =	vadd.f32 v18, v16;
	v18 =	vld [tilespmem:s0+$0x20]  }
0x39e: {  	v23 =	vld [tilespmem:s2+$0xFFFFFF10];
	v17 =	vadd.f32 v17, v19;
	v19 =	vmul.f32 v20, v14  }
0x39f: {  	[tilespmem:s26+$0xFFFFFF80] =	vst v16;
	v16 =	vld [tilespmem:s2+$0x20]  }
0x3a0: {  	v20 =	vld [tilespmem:s0+$0xFFFFFF10];
	v17 =	vadd.f32 v19, v17  }
0x3a1: {  	v19 =	vld [tilespmem:s3+$0xFFFFFF90]  }
0x3a2: {  	[tilespmem:s26+$0x80] =	vst v17;
	v17 =	vld [tilespmem:s0+$0xFFFFFF90];
	v15 =	vmul.f32 v15, v28;
	v18 =	vmul.f32 v18, v29  }
0x3a3: {  	v22 =	vld [tilespmem:s3+$0x90]  }
0x3a4: {  	v24 =	vld [tilespmem:s0+$0x90];
	v16 =	vmul.f32 v16, v27;
	v15 =	vadd.f32 v18, v15  }
0x3a5: {  	v18 =	vld [tilespmem:s2+$0xFFFFFF90]  }
0x3a6: {  	v21 =	vmul.f32 v21, v10;
	v20 =	vmul.f32 v20, v12;
	v15 =	vadd.f32 v16, v15  }
0x3a7: {  	v17 =	vmul.f32 v17, v13;
	v16 =	vmul.f32 v19, v11;
	v19 =	vld [tilespmem:s2+$0x90]  }
0x3a8: {  	v20 =	vadd.f32 v20, v21;
	v21 =	vmul.f32 v23, v8;
	[tilespmem:s26+$0x20] =	vst v15  }
0x3a9: {  	v15 =	vmul.f32 v22, v6;
	v16 =	vadd.f32 v17, v16;
	v17 =	vld [tilespmem:s3+$0x30]  }
0x3aa: {  	v20 =	vadd.f32 v21, v20;
	v22 =	vmul.f32 v24, v7;
	v18 =	vmul.f32 v18, v9;
	v21 =	vld [tilespmem:s0+$0x30];
	_ =	sdelay $0x1  }
0x3ab: {  	[tilespmem:s26+$0xFFFFFF10] =	vst v20;
	v15 =	vadd.f32 v22, v15;
	v19 =	vmul.f32 v19, v14;
	v16 =	vadd.f32 v18, v16;
	v18 =	vld [tilespmem:s2+$0x30]  }
0x3ac: {  	v20 =	vld [tilespmem:s3+$0xFFFFFF20]  }
0x3ad: {  	v15 =	vadd.f32 v19, v15;
	[tilespmem:s26+$0xFFFFFF90] =	vst v16;
	v16 =	vld [tilespmem:s0+$0xFFFFFF20]  }
0x3ae: {  	v19 =	vld [tilespmem:s3+$0xFFFFFFA0];
	v17 =	vmul.f32 v17, v28;
	v21 =	vmul.f32 v21, v29  }
0x3af: {  	[tilespmem:s26+$0x90] =	vst v15;
	v15 =	vld [tilespmem:s0+$0xFFFFFFA0]  }
0x3b0: {  	v22 =	vld [tilespmem:s3+$0xA0];
	v17 =	vadd.f32 v21, v17;
	v18 =	vmul.f32 v18, v27  }
0x3b1: {  	v21 =	vld [tilespmem:s2+$0xFFFFFF20]  }
0x3b2: {  	v23 =	vld [tilespmem:s0+$0xA0];
	v17 =	vadd.f32 v18, v17  }
0x3b3: {  	v18 =	vld [tilespmem:s2+$0xFFFFFFA0]  }
0x3b4: {  	v20 =	vmul.f32 v20, v10;
	v24 =	vld [tilespmem:s2+$0xA0];
	v16 =	vmul.f32 v16, v12;
	[tilespmem:s26+$0x30] =	vst v17  }
0x3b5: {  	v17 =	vmul.f32 v19, v11;
	v15 =	vmul.f32 v15, v13;
	v19 =	vld [tilespmem:s3+$0x40]  }
0x3b6: {  	v16 =	vadd.f32 v16, v20;
	v20 =	vmul.f32 v21, v8;
	v21 =	vld [tilespmem:s0+$0x40]  }
0x3b7: {  	v22 =	vmul.f32 v22, v6;
	v15 =	vadd.f32 v15, v17;
	v17 =	vmul.f32 v23, v7  }
0x3b8: {  	s13 =	simm.s32 $0x87;
	v18 =	vmul.f32 v18, v9;
	v16 =	vadd.f32 v20, v16;
	v20 =	vld [tilespmem:s2+$0x40]  }
0x3b9: {  	v17 =	vadd.f32 v17, v22;
	v22 =	vmul.f32 v24, v14;
	v24 =	vmov s13;
	s13 =	simm.s32 $0xC600  }
0x3ba: {  	v15 =	vadd.f32 v18, v15;
	[tilespmem:s26+$0xFFFFFF20] =	vst v16;
	v59 =	vld [tilespmem:s13+$0x0]  }
0x3bb: {  	v16 =	vld [tilespmem:s3+$0xFFFFFF30];
	v18 =	vmul.f32 v19, v28;
	v19 =	vmul.f32 v21, v29  }
0x3bc: {  	v17 =	vadd.f32 v22, v17;
	[tilespmem:s26+$0xFFFFFFA0] =	vst v15;
	v15 =	vld [tilespmem:s0+$0xFFFFFF30]  }
0x3bd: {  	v21 =	vld [tilespmem:s3+$0xFFFFFFB0];
	v18 =	vadd.f32 v19, v18;
	v19 =	vmul.f32 v20, v27  }
0x3be: {  	[tilespmem:s26+$0xA0] =	vst v17;
	v17 =	vld [tilespmem:s0+$0xFFFFFFB0]  }
0x3bf: {  	v18 =	vadd.f32 v19, v18;
	v19 =	vld [tilespmem:s2+$0xFFFFFF30]  }
0x3c0: {  	v22 =	vld [tilespmem:s2+$0xFFFFFFB0]  }
0x3c1: {  	v20 =	vld [tilespmem:s3+$0xB0];
	[tilespmem:s26+$0x40] =	vst v18  }
0x3c2: {  	v16 =	vmul.f32 v16, v10;
	v15 =	vmul.f32 v15, v12;
	v18 =	vld [tilespmem:s3+$0x50]  }
0x3c3: {  	v23 =	vld [tilespmem:s0+$0x50];
	v21 =	vmul.f32 v21, v11  }
0x3c4: {  	v25 =	vld [tilespmem:s0+$0xB0];
	v17 =	vmul.f32 v17, v13;
	v15 =	vadd.f32 v15, v16;
	v16 =	vmul.f32 v19, v8  }
0x3c5: {  	v26 =	vld [tilespmem:s2+$0x50]  }
0x3c6: {  	v17 =	vadd.f32 v17, v21;
	v19 =	vld [tilespmem:s2+$0xB0];
	v21 =	vmul.f32 v22, v9;
	v16 =	vadd.f32 v16, v15  }
0x3c7: {  	v15 =	vld.idx.msk [tilespmem:v24+s31+$0x0], $0xffff  }
0x3c8: {  	v63 =	vld [tilespmem:s13+$0xFFFFFF80];
	v17 =	vadd.f32 v21, v17;
	v18 =	vmul.f32 v18, v28;
	v22 =	vmul.f32 v23, v29;
	[tilespmem:s26+$0xFFFFFF30] =	vst v16  }
0x3c9: {  	v20 =	vmul.f32 v20, v6;
	v23 =	vmul.f32 v25, v7;
	v21 =	vld [tilespmem:s3+$0xFFFFFF40]  }
0x3ca: {  	[tilespmem:s26+$0xFFFFFFB0] =	vst v17;
	v16 =	vadd.f32 v22, v18;
	v17 =	vld [tilespmem:s0+$0xFFFFFF40]  }
0x3cb: {  	v18 =	vmul.f32 v26, v27;
	v20 =	vadd.f32 v23, v20;
	v19 =	vmul.f32 v19, v14;
	v22 =	vld [tilespmem:s3+$0xFFFFFFC0]  }
0x3cc: {  	s23 =	simm.s32 $0x84;
	v49 =	vld [tilespmem:s2+$0xFFFFFFC0]  }
0x3cd: {  	v16 =	vadd.f32 v18, v16;
	v18 =	vadd.f32 v19, v20;
	v20 =	vld [tilespmem:s0+$0xFFFFFFC0];
	v19 =	vmov s23;
	s23 =	simm.s32 $0x4600  }
0x3ce: {  	v45 =	vld [tilespmem:s23+$0xFFFFFF00]  }
0x3cf: {  	s6 =	simm.s32 $0x85;
	v47 =	vld [tilespmem:s23+$0xFFFFFF80]  }
0x3d0: {  	v25 =	vmov s6;
	v19 =	vand.u32 $0xFFFFFFFC, v19;
	v61 =	vld [tilespmem:s23+$0x80]  }
0x3d1: {  	[tilespmem:s26+$0x50] =	vst v16;
	v31 =	vbroadcast v19, $0x0;
	v19 =	vand.u32 $0xFFFFFFFD, v25;
	v25 =	vld [tilespmem:s2+$0xFFFFFF40]  }
0x3d2: {  	v16 =	vld [tilespmem:s3+$0x60]  }
0x3d3: {  	[tilespmem:s26+$0xB0] =	vst v18;
	v18 =	vld [tilespmem:s0+$0x60]  }
0x3d4: {  	v23 =	vld [tilespmem:s3+$0xC0]  }
0x3d5: {  	v26 =	vld [tilespmem:s2+$0x60];
	v48 =	vbroadcast v19, $0x0  }
0x3d6: {  	v30 =	vld [tilespmem:s0+$0xC0];
	v21 =	vmul.f32 v21, v10;
	v51 =	vmul.f32 v17, v12  }
0x3d7: {  	v19 =	vld.idx.msk [tilespmem:v24+s29+$0x0], $0xffff;
	v22 =	vmul.f32 v22, v11  }
0x3d8: {  	v17 =	vld.idx.msk [tilespmem:v24+s30+$0x0], $0xffff;
	v21 =	vadd.f32 v51, v21;
	v20 =	vmul.f32 v20, v13;
	v24 =	vmul.f32 v25, v8  }
0x3d9: {  	v50 =	vld [tilespmem:s2+$0xC0];
	v16 =	vmul.f32 v16, v28;
	v18 =	vmul.f32 v18, v29  }
0x3da: {  	v20 =	vadd.f32 v20, v22;
	v21 =	vadd.f32 v24, v21;
	v24 =	vmul.f32 v49, v9;
	v49 =	vld [tilespmem:s13+$0xFFFFFF00]  }
0x3db: {  	v26 =	vmul.f32 v26, v27;
	v16 =	vadd.f32 v18, v16;
	v18 =	vld.idx.msk [tilespmem:v31+s31+$0x0], $0xffff  }
0x3dc: {  	v20 =	vadd.f32 v24, v20;
	v24 =	vld.idx.msk [tilespmem:v48+s30+$0x0], $0xffff  }
0x3dd: {  	v25 =	vadd.f32 v26, v16;
	v16 =	vld.idx.msk [tilespmem:v48+s31+$0x0], $0xffff  }
0x3de: {  	[tilespmem:s26+$0xFFFFFF40] =	vst v21;
	v26 =	vmul.f32 v23, v6;
	v23 =	vld.idx.msk [tilespmem:v31+s29+$0x0], $0xffff  }
0x3df: {  	v22 =	vmul.f32 v30, v7;
	v52 =	vld [tilespmem:s3+$0xFFFFFF50]  }
0x3e0: {  	s25 =	simm.s32 $0x86;
	v53 =	vld [tilespmem:s0+$0xFFFFFF50]  }
0x3e1: {  	v56 =	vld [tilespmem:s2+$0xFFFFFF50];
	[tilespmem:s26+$0xFFFFFFC0] =	vst v20;
	v20 =	vmov s25;
	v21 =	vadd.f32 v22, v26;
	v22 =	vmul.f32 v50, v14  }
0x3e2: {  	v54 =	vld [tilespmem:s3+$0xFFFFFFD0];
	v20 =	vand.u32 $0xFFFFFFFE, v20  }
0x3e3: {  	v55 =	vld [tilespmem:s0+$0xFFFFFFD0];
	v21 =	vadd.f32 v22, v21;
	v22 =	vbroadcast v20, $0x0  }
0x3e4: {  	v57 =	vld [tilespmem:s2+$0xFFFFFFD0]  }
0x3e5: {  	v26 =	vld.idx.msk [tilespmem:v31+s30+$0x0], $0xffff  }
0x3e6: {  	[tilespmem:s26+$0x60] =	vst v25;
	v25 =	vld.idx.msk [tilespmem:v48+s29+$0x0], $0xffff  }
0x3e7: {  	s25 =	simm.s32 $0x8600;
	v31 =	vld [tilespmem:s23+$0x0]  }
0x3e8: {  	v58 =	vld [tilespmem:s25+$0x0]  }
0x3e9: {  	v20 =	vld.idx.msk [tilespmem:v22+s29+$0x0], $0xffff  }
0x3ea: {  	[tilespmem:s26+$0xC0] =	vst v21;
	v21 =	vld.idx.msk [tilespmem:v22+s30+$0x0], $0xffff  }
0x3eb: {  	v46 =	vld [tilespmem:s25+$0xFFFFFF00]  }
0x3ec: {  	v22 =	vld.idx.msk [tilespmem:v22+s31+$0x0], $0xffff  }
0x3ed: {  	v48 =	vld [tilespmem:s25+$0xFFFFFF80]  }
0x3ee: {  	v62 =	vld [tilespmem:s25+$0x80]  }
0x3ef: {  	v30 =	vld [tilespmem:s3+$0x70];
	v31 =	vmul.f32 v31, v20;
	v32 =	vmul.f32 v58, v21  }
0x3f0: {  	v33 =	vld [tilespmem:s0+$0x70];
	v34 =	vmul.f32 v52, v10  }
0x3f1: {  	v35 =	vld [tilespmem:s2+$0x70];
	v36 =	vmul.f32 v53, v12;
	v60 =	vmul.f32 v59, v22;
	v31 =	vadd.f32 v32, v31  }
0x3f2: {  	v41 =	vmul.f32 v56, v8;
	v39 =	vld [tilespmem:s3+$0xD0];
	v37 =	vmul.f32 v54, v11  }
0x3f3: {  	v40 =	vld [tilespmem:s0+$0xD0];
	v34 =	vadd.f32 v36, v34;
	v38 =	vmul.f32 v55, v13;
	v31 =	vadd.f32 v60, v31  }
0x3f4: {  	s1 =	simm.s32 $0x14600;
	v51 =	vmul.f32 v45, v23;
	v43 =	vld [tilespmem:s2+$0xD0];
	v50 =	vmul.f32 v57, v9  }
0x3f5: {  	v52 =	vmul.f32 v46, v26;
	v37 =	vadd.f32 v38, v37;
	v34 =	vadd.f32 v41, v34;
	[tilespmem:s1+$0x0] =	vst v31;
	v31 =	vld [tilespmem:s13+$0x80]  }
0x3f6: {  	v53 =	vld [tilespmem:s23+$0x10]  }
0x3f7: {  	v57 =	vmul.f32 v49, v18;
	v41 =	vadd.f32 v52, v51;
	v37 =	vadd.f32 v50, v37;
	[tilespmem:s26+$0xFFFFFF50] =	vst v34;
	v55 =	vld [tilespmem:s25+$0x10]  }
0x3f8: {  	v54 =	vmul.f32 v47, v25;
	v56 =	vmul.f32 v48, v24;
	v47 =	vld [tilespmem:s3+$0xFFFFFF60]  }
0x3f9: {  	v44 =	vmul.f32 v61, v19;
	v36 =	vmul.f32 v62, v17;
	[tilespmem:s26+$0xFFFFFFD0] =	vst v37;
	v59 =	vadd.f32 v57, v41;
	v58 =	vld [tilespmem:s13+$0x10]  }
0x3fa: {  	v34 =	vadd.f32 v56, v54;
	v61 =	vld [tilespmem:s3+$0xFFFFFFE0];
	v32 =	vmul.f32 v63, v16  }
0x3fb: {  	v36 =	vadd.f32 v36, v44;
	v49 =	vld [tilespmem:s0+$0xFFFFFFE0];
	[tilespmem:s1+$0xFFFFFF00] =	vst v59;
	v31 =	vmul.f32 v31, v15  }
0x3fc: {  	v50 =	vld [tilespmem:s23+$0xFFFFFF10];
	v32 =	vadd.f32 v32, v34;
	v62 =	vmul.f32 v53, v20;
	v63 =	vmul.f32 v55, v21  }
0x3fd: {  	v60 =	vld [tilespmem:s0+$0xFFFFFF60]  }
0x3fe: {  	v52 =	vld [tilespmem:s25+$0xFFFFFF10];
	[tilespmem:s1+$0xFFFFFF80] =	vst v32;
	v53 =	vmul.f32 v58, v22;
	v31 =	vadd.f32 v31, v36;
	v51 =	vadd.f32 v63, v62  }
0x3ff: {  	v28 =	vmul.f32 v30, v28;
	v29 =	vmul.f32 v33, v29;
	v54 =	vld [tilespmem:s23+$0xFFFFFF90]  }
0x400: {  	v30 =	vmul.f32 v39, v6;
	v55 =	vld [tilespmem:s25+$0xFFFFFF90];
	[tilespmem:s1+$0x80] =	vst v31;
	v31 =	vmul.f32 v40, v7;
	v32 =	vadd.f32 v53, v51  }
0x401: {  	v28 =	vadd.f32 v29, v28;
	v29 =	vmul.f32 v35, v27;
	v56 =	vmul.f32 v43, v14;
	v57 =	vld [tilespmem:s23+$0x90]  }
0x402: {  	v38 =	vmul.f32 v49, v13;
	v59 =	vmul.f32 v60, v12;
	v27 =	vld [tilespmem:s25+$0x90];
	v30 =	vadd.f32 v31, v30;
	[tilespmem:s1+$0x10] =	vst v32  }
0x403: {  	v29 =	vadd.f32 v29, v28;
	v60 =	vmul.f32 v61, v11;
	v58 =	vmul.f32 v47, v10;
	v28 =	vld [tilespmem:s23+$0x20]  }
0x404: {  	v62 =	vmul.f32 v50, v23;
	v63 =	vmul.f32 v52, v26;
	v61 =	vadd.f32 v56, v30;
	v31 =	vld [tilespmem:s25+$0x20]  }
0x405: {  	[tilespmem:s26+$0x70] =	vst v29;
	v34 =	vld [tilespmem:s13+$0xFFFFFF10];
	v29 =	vadd.f32 v38, v60;
	v35 =	vmul.f32 v54, v25;
	v37 =	vmul.f32 v55, v24  }
0x406: {  	s28 =	simm.s32 $0x4;
	v33 =	vadd.f32 v63, v62;
	v30 =	vadd.f32 v59, v58;
	v32 =	vld [tilespmem:s13+$0x20];
	[tilespmem:s26+$0xD0] =	vst v61;
	v36 =	vmul.f32 v57, v19  }
.LBB2_14:
0x407: {  	s6 =	sadd.s32 $0x87, s28;
	v35 =	vadd.f32 v37, v35;
	v37 =	vld [tilespmem:s13+$0xFFFFFF90];
	v38 =	vmul.f32 v27, v17  }
0x408: {  	v27 =	vmov s6;
	v39 =	vld [tilespmem:s13+$0x90]  }
0x409: {  	v28 =	vmul.f32 v28, v20;
	v31 =	vmul.f32 v31, v21;
	v36 =	vadd.f32 v38, v36;
	v38 =	vld [tilespmem:s3+$0xE0]  }
0x40a: {  	v34 =	vmul.f32 v34, v18;
	v40 =	vld [tilespmem:s0+$0xE0]  }
0x40b: {  	v28 =	vadd.f32 v31, v28;
	v31 =	vmul.f32 v32, v22;
	v32 =	vld [tilespmem:s2+$0xFFFFFF60]  }
0x40c: {  	v33 =	vadd.f32 v34, v33;
	v34 =	vmul.f32 v37, v16;
	v37 =	vld [tilespmem:s2+$0xFFFFFFE0]  }
0x40d: {  	v31 =	vadd.f32 v31, v28;
	v39 =	vmul.f32 v39, v15;
	v41 =	vld [tilespmem:s2+$0xE0]  }
0x40e: {  	v28 =	vld.idx.msk [tilespmem:v27+s31+$0x0], $0xffff;
	[tilespmem:s1+$0xFFFFFF10] =	vst v33;
	v33 =	vadd.f32 v34, v35;
	v34 =	vmul.f32 v38, v6  }
0x40f: {  	v35 =	vld [tilespmem:s23+$0xFFFFFF20];
	[tilespmem:s1+$0x20] =	vst v31;
	v31 =	vadd.f32 v39, v36;
	v36 =	vmul.f32 v40, v7  }
0x410: {  	[tilespmem:s1+$0xFFFFFF90] =	vst v33;
	v33 =	vld [tilespmem:s23+$0x30];
	v32 =	vmul.f32 v32, v8  }
0x411: {  	v38 =	vld [tilespmem:s25+$0x30];
	[tilespmem:s1+$0x90] =	vst v31;
	v31 =	vmul.f32 v37, v9;
	v34 =	vadd.f32 v36, v34  }
0x412: {  	v36 =	vld [tilespmem:s25+$0xFFFFFF20];
	v30 =	vadd.f32 v32, v30;
	v32 =	vmul.f32 v41, v14  }
0x413: {  	v37 =	vld [tilespmem:s13+$0x30];
	v29 =	vadd.f32 v31, v29  }
0x414: {  	v31 =	vmul.f32 v35, v23;
	v35 =	vld [tilespmem:s23+$0xFFFFFFA0];
	[tilespmem:s26+$0xFFFFFF60] =	vst v30;
	v30 =	vadd.f32 v32, v34  }
0x415: {  	v32 =	vld [tilespmem:s25+$0xFFFFFFA0];
	[tilespmem:s26+$0xFFFFFFE0] =	vst v29  }
0x416: {  	v29 =	vmul.f32 v33, v20;
	v33 =	vmul.f32 v38, v21;
	v34 =	vld [tilespmem:s23+$0xA0];
	[tilespmem:s26+$0xE0] =	vst v30  }
0x417: {  	v30 =	vmul.f32 v36, v26;
	v36 =	vld [tilespmem:s25+$0xA0]  }
0x418: {  	v38 =	vld [tilespmem:s13+$0xFFFFFF20];
	v29 =	vadd.f32 v33, v29;
	v33 =	vmul.f32 v37, v22  }
0x419: {  	v30 =	vadd.f32 v30, v31;
	v31 =	vmul.f32 v35, v25;
	v35 =	vld [tilespmem:s13+$0xFFFFFFA0]  }
0x41a: {  	v32 =	vmul.f32 v32, v24;
	v29 =	vadd.f32 v33, v29;
	v33 =	vld [tilespmem:s13+$0xA0]  }
0x41b: {  	v34 =	vmul.f32 v34, v19;
	v37 =	vld [tilespmem:s3+$0xFFFFFF70]  }
0x41c: {  	v31 =	vadd.f32 v32, v31;
	[tilespmem:s1+$0x30] =	vst v29;
	v29 =	vmul.f32 v36, v17;
	v32 =	vld [tilespmem:s0+$0xFFFFFF70]  }
0x41d: {  	v36 =	vmul.f32 v38, v18;
	v38 =	vld [tilespmem:s23+$0x40]  }
0x41e: {  	v35 =	vmul.f32 v35, v16;
	v39 =	vld [tilespmem:s25+$0x40];
	v29 =	vadd.f32 v29, v34  }
0x41f: {  	v30 =	vadd.f32 v36, v30;
	v33 =	vmul.f32 v33, v15;
	v34 =	vld [tilespmem:s3+$0xFFFFFFF0]  }
0x420: {  	v31 =	vadd.f32 v35, v31;
	v35 =	vld [tilespmem:s13+$0x40];
	v36 =	vmul.f32 v37, v10;
	v10 =	vmov v23  }
0x421: {  	[tilespmem:s1+$0xFFFFFF20] =	vst v30;
	v23 =	vadd.f32 v33, v29;
	v29 =	vmul.f32 v32, v12;
	v30 =	vld [tilespmem:s0+$0xFFFFFFF0];
	v12 =	vmov v26  }
0x422: {  	v26 =	vld [tilespmem:s23+$0xFFFFFF30];
	[tilespmem:s1+$0xFFFFFFA0] =	vst v31  }
0x423: {  	v32 =	vmul.f32 v38, v20;
	v31 =	vld [tilespmem:s25+$0xFFFFFF30];
	v33 =	vmul.f32 v39, v21;
	[tilespmem:s1+$0xA0] =	vst v23;
	v23 =	vadd.f32 v29, v36  }
0x424: {  	v29 =	vld [tilespmem:s23+$0xFFFFFFB0];
	v34 =	vmul.f32 v34, v11;
	v11 =	vmov v25  }
0x425: {  	v25 =	vld [tilespmem:s25+$0xFFFFFFB0];
	v32 =	vadd.f32 v33, v32;
	v33 =	vmul.f32 v35, v22  }
0x426: {  	v35 =	vld [tilespmem:s23+$0xB0];
	v30 =	vmul.f32 v30, v13;
	v13 =	vmov v24  }
0x427: {  	v24 =	vmul.f32 v26, v10;
	v26 =	vadd.f32 v33, v32;
	v32 =	vld [tilespmem:s25+$0xB0]  }
0x428: {  	v31 =	vmul.f32 v31, v12;
	v33 =	vld [tilespmem:s13+$0xFFFFFF30];
	v30 =	vadd.f32 v30, v34  }
0x429: {  	v29 =	vmul.f32 v29, v11;
	v34 =	vld [tilespmem:s13+$0xFFFFFFB0];
	[tilespmem:s1+$0x40] =	vst v26  }
0x42a: {  	v24 =	vadd.f32 v31, v24;
	v25 =	vmul.f32 v25, v13;
	v26 =	vld [tilespmem:s23+$0x50]  }
0x42b: {  	v31 =	vld [tilespmem:s25+$0x50];
	v35 =	vmul.f32 v35, v19  }
0x42c: {  	v25 =	vadd.f32 v25, v29;
	v29 =	vmul.f32 v32, v17;
	v32 =	vld [tilespmem:s13+$0xB0]  }
0x42d: {  	v33 =	vmul.f32 v33, v18;
	v36 =	vld [tilespmem:s13+$0x50]  }
0x42e: {  	v34 =	vmul.f32 v34, v16;
	v29 =	vadd.f32 v29, v35;
	v35 =	vld [tilespmem:s3+$0xF0];
	s3 =	smov.u32 s23  }
0x42f: {  	v24 =	vadd.f32 v33, v24;
	v33 =	vld [tilespmem:s0+$0xF0];
	s0 =	smov.u32 s25  }
0x430: {  	v26 =	vmul.f32 v26, v20;
	v25 =	vadd.f32 v34, v25;
	v31 =	vmul.f32 v31, v21;
	v34 =	vld [tilespmem:s2+$0xFFFFFF70]  }
0x431: {  	[tilespmem:s1+$0xFFFFFF30] =	vst v24;
	v24 =	vmul.f32 v32, v15;
	v32 =	vld [tilespmem:s2+$0xFFFFFFF0]  }
0x432: {  	v37 =	vld [tilespmem:s23+$0xFFFFFF40];
	[tilespmem:s1+$0xFFFFFFB0] =	vst v25;
	v25 =	vadd.f32 v31, v26;
	v26 =	vmul.f32 v36, v22  }
0x433: {  	v31 =	vld [tilespmem:s25+$0xFFFFFF40];
	v24 =	vadd.f32 v24, v29;
	v29 =	vmul.f32 v35, v6;
	v6 =	vmov v19  }
0x434: {  	v19 =	vld [tilespmem:s23+$0xFFFFFFC0];
	v25 =	vadd.f32 v26, v25;
	v26 =	vmul.f32 v33, v7;
	v7 =	vmov v17  }
0x435: {  	v17 =	vld [tilespmem:s25+$0xFFFFFFC0];
	[tilespmem:s1+$0xB0] =	vst v24;
	v24 =	vmul.f32 v34, v8;
	v8 =	vmov v18  }
0x436: {  	[tilespmem:s1+$0x50] =	vst v25;
	v18 =	vld [tilespmem:s23+$0xC0];
	v25 =	vmul.f32 v32, v9;
	v26 =	vadd.f32 v26, v29;
	v9 =	vmov v16  }
0x437: {  	v16 =	vmul.f32 v37, v10;
	v29 =	vld [tilespmem:s23+$0x60];
	v23 =	vadd.f32 v24, v23  }
0x438: {  	s8 =	sadd.s32 $0x85, s28;
	s6 =	sadd.s32 $0x84, s28;
	v24 =	vmul.f32 v31, v12;
	v31 =	vld [tilespmem:s25+$0x60];
	v25 =	vadd.f32 v25, v30  }
0x439: {  	v32 =	vmov s8;
	v30 =	vmov s6;
	v19 =	vmul.f32 v19, v11;
	v33 =	vld [tilespmem:s25+$0xC0];
	[tilespmem:s26+$0xFFFFFF70] =	vst v23  }
0x43a: {  	v23 =	vand.u32 $0xFFFFFFFC, v30;
	v24 =	vadd.f32 v24, v16;
	v16 =	vmul.f32 v17, v13;
	v17 =	vld [tilespmem:s13+$0x60];
	[tilespmem:s26+$0xFFFFFFF0] =	vst v25  }
0x43b: {  	v25 =	vbroadcast v23, $0x0;
	v23 =	vand.u32 $0xFFFFFFFD, v32;
	v30 =	vld [tilespmem:s13+$0xFFFFFF40];
	v18 =	vmul.f32 v18, v6  }
0x43c: {  	v32 =	vbroadcast v23, $0x0;
	v34 =	vadd.f32 v16, v19;
	v16 =	vld [tilespmem:s13+$0xFFFFFFC0]  }
0x43d: {  	v23 =	vmul.f32 v29, v20;
	v29 =	vmul.f32 v31, v21;
	v31 =	vld [tilespmem:s13+$0xC0]  }
0x43e: {  	v33 =	vmul.f32 v33, v7;
	v35 =	vld [tilespmem:s2+$0xF0];
	s2 =	smov.u32 s13  }
0x43f: {  	v19 =	vld.idx.msk [tilespmem:v27+s29+$0x0], $0xffff;
	v23 =	vadd.f32 v29, v23;
	v29 =	vmul.f32 v17, v22  }
0x440: {  	v17 =	vld.idx.msk [tilespmem:v27+s30+$0x0], $0xffff;
	v27 =	vmul.f32 v30, v8;
	v30 =	vadd.f32 v33, v18  }
0x441: {  	v18 =	vld.idx.msk [tilespmem:v25+s31+$0x0], $0xffff;
	v33 =	vmul.f32 v16, v9;
	v29 =	vadd.f32 v29, v23  }
0x442: {  	v16 =	vld.idx.msk [tilespmem:v32+s31+$0x0], $0xffff;
	v24 =	vadd.f32 v27, v24;
	v27 =	vmul.f32 v31, v15  }
0x443: {  	v23 =	vld.idx.msk [tilespmem:v25+s29+$0x0], $0xffff;
	v31 =	vadd.f32 v33, v34;
	[tilespmem:s1+$0x60] =	vst v29;
	v29 =	vmul.f32 v35, v14;
	v14 =	vmov v15  }
0x444: {  	v15 =	vmov v28;
	[tilespmem:s1+$0xFFFFFF40] =	vst v24;
	v24 =	vld [tilespmem:s23+$0x70];
	v27 =	vadd.f32 v27, v30  }
0x445: {  	[tilespmem:s1+$0xFFFFFFC0] =	vst v31;
	v28 =	vld [tilespmem:s25+$0x70];
	v26 =	vadd.f32 v29, v26  }
0x446: {  	v29 =	vld [tilespmem:s23+$0xFFFFFF50];
	[tilespmem:s1+$0xC0] =	vst v27  }
0x447: {  	v27 =	vld [tilespmem:s13+$0x70];
	[tilespmem:s26+$0xF0] =	vst v26;
	s26 =	smov.u32 s1  }
0x448: {  	v26 =	vld [tilespmem:s25+$0xFFFFFF50]  }
0x449: {  	v30 =	vld [tilespmem:s23+$0xFFFFFFD0]  }
0x44a: {  	v20 =	vmul.f32 v24, v20;
	v31 =	vld [tilespmem:s25+$0xFFFFFFD0];
	v21 =	vmul.f32 v28, v21  }
0x44b: {  	s6 =	sadd.s32 $0x86, s28;
	v24 =	vmul.f32 v29, v10;
	v28 =	vld [tilespmem:s23+$0xD0]  }
0x44c: {  	v29 =	vmov s6;
	v20 =	vadd.f32 v21, v20;
	v21 =	vmul.f32 v27, v22;
	v22 =	vld [tilespmem:s25+$0xD0]  }
0x44d: {  	v27 =	vand.u32 $0xFFFFFFFE, v29;
	v26 =	vmul.f32 v26, v12;
	v29 =	vld [tilespmem:s13+$0xFFFFFF50]  }
0x44e: {  	v27 =	vbroadcast v27, $0x0;
	v30 =	vmul.f32 v30, v11;
	v33 =	vld [tilespmem:s13+$0xFFFFFFD0];
	v20 =	vadd.f32 v21, v20  }
0x44f: {  	v21 =	vadd.f32 v26, v24;
	v24 =	vmul.f32 v31, v13;
	v31 =	vld [tilespmem:s13+$0xD0]  }
0x450: {  	v26 =	vld.idx.msk [tilespmem:v25+s30+$0x0], $0xffff;
	[tilespmem:s1+$0x70] =	vst v20;
	v20 =	vmul.f32 v28, v6  }
0x451: {  	v25 =	vld.idx.msk [tilespmem:v32+s29+$0x0], $0xffff;
	v28 =	vadd.f32 v24, v30;
	v22 =	vmul.f32 v22, v7  }
0x452: {  	s23 =	sadd.s32 $0x200, s23;
	v24 =	vld.idx.msk [tilespmem:v32+s30+$0x0], $0xffff;
	v29 =	vmul.f32 v29, v8  }
0x453: {  	s28 =	sadd.s32 $0x4, s28;
	v30 =	vld [tilespmem:s23+$0x0];
	v32 =	vmul.f32 v33, v9;
	v22 =	vadd.f32 v22, v20  }
0x454: {  	p0 =	slt.u32 s28, $0x7C;
	v20 =	vld.idx.msk [tilespmem:v27+s29+$0x0], $0xffff;
	v29 =	vadd.f32 v29, v21;
	v31 =	vmul.f32 v31, v14  }
0x455: {  	s25 =	sadd.s32 $0x200, s25;
	v21 =	vld.idx.msk [tilespmem:v27+s30+$0x0], $0xffff;
	v28 =	vadd.f32 v32, v28  }
0x456: {  	v32 =	vld [tilespmem:s25+$0x0];
	[tilespmem:s1+$0xFFFFFF50] =	vst v29;
	v29 =	vadd.f32 v31, v22  }
0x457: {  	s13 =	sadd.s32 $0x200, s13;
	v22 =	vld.idx.msk [tilespmem:v27+s31+$0x0], $0xffff;
	[tilespmem:s1+$0xFFFFFFD0] =	vst v28  }
0x458: {  	v27 =	vld [tilespmem:s13+$0x0];
	[tilespmem:s1+$0xD0] =	vst v29  }
0x459: {  	v28 =	vld [tilespmem:s23+$0xFFFFFF00]  }
0x45a: {  	v29 =	vld [tilespmem:s25+$0xFFFFFF00]  }
0x45b: {  	v30 =	vmul.f32 v30, v20;
	v31 =	vld [tilespmem:s23+$0xFFFFFF80];
	v32 =	vmul.f32 v32, v21  }
0x45c: {  	v33 =	vld [tilespmem:s25+$0xFFFFFF80]  }
0x45d: {  	v30 =	vadd.f32 v32, v30;
	v27 =	vmul.f32 v27, v22;
	v32 =	vld [tilespmem:s23+$0x80]  }
0x45e: {  	v28 =	vmul.f32 v28, v23;
	v34 =	vld [tilespmem:s25+$0x80]  }
0x45f: {  	v29 =	vmul.f32 v29, v26;
	v35 =	vld [tilespmem:s13+$0xFFFFFF00];
	v27 =	vadd.f32 v27, v30  }
0x460: {  	s1 =	sadd.s32 $0x200, s1;
	v30 =	vmul.f32 v31, v25;
	v31 =	vld [tilespmem:s13+$0xFFFFFF80]  }
0x461: {  	v28 =	vadd.f32 v29, v28;
	v29 =	vmul.f32 v33, v24;
	[tilespmem:s1+$0x0] =	vst v27;
	v27 =	vld [tilespmem:s13+$0x80]  }
0x462: {  	v33 =	vld [tilespmem:s23+$0x10];
	v32 =	vmul.f32 v32, v19  }
0x463: {  	v29 =	vadd.f32 v29, v30;
	v30 =	vld [tilespmem:s25+$0x10];
	v34 =	vmul.f32 v34, v17  }
0x464: {  	v35 =	vmul.f32 v35, v18;
	v36 =	vld [tilespmem:s3+$0xFFFFFF60]  }
0x465: {  	v31 =	vmul.f32 v31, v16;
	v37 =	vld [tilespmem:s13+$0x10];
	v32 =	vadd.f32 v34, v32  }
0x466: {  	v28 =	vadd.f32 v35, v28;
	v27 =	vmul.f32 v27, v15;
	v34 =	vld [tilespmem:s0+$0xFFFFFF60]  }
0x467: {  	v29 =	vadd.f32 v31, v29;
	v31 =	vld [tilespmem:s3+$0xFFFFFFE0]  }
0x468: {  	[tilespmem:s1+$0xFFFFFF00] =	vst v28;
	v28 =	vmul.f32 v33, v20;
	v30 =	vmul.f32 v30, v21;
	v27 =	vadd.f32 v27, v32;
	v32 =	vld [tilespmem:s0+$0xFFFFFFE0]  }
0x469: {  	v33 =	vld [tilespmem:s23+$0xFFFFFF10];
	[tilespmem:s1+$0xFFFFFF80] =	vst v29;
	v29 =	vmul.f32 v36, v10  }
0x46a: {  	v35 =	vld [tilespmem:s25+$0xFFFFFF10];
	v28 =	vadd.f32 v30, v28;
	v30 =	vmul.f32 v37, v22;
	[tilespmem:s1+$0x80] =	vst v27  }
0x46b: {  	v36 =	vld [tilespmem:s23+$0xFFFFFF90];
	v27 =	vmul.f32 v34, v12  }
0x46c: {  	v37 =	vld [tilespmem:s25+$0xFFFFFF90];
	v28 =	vadd.f32 v30, v28;
	v31 =	vmul.f32 v31, v11  }
0x46d: {  	v38 =	vld [tilespmem:s23+$0x90];
	v30 =	vadd.f32 v27, v29;
	v29 =	vmul.f32 v32, v13  }
.Ltmp14:
0x46e: {  	v32 =	vmul.f32 v33, v23;
	[tilespmem:s1+$0x10] =	vst v28;
	v27 =	vld [tilespmem:s25+$0x90];
	(pc) =	sbr.rel @p0 .LBB2_14-.Ltmp14, $4  }
0x46f: {  	v33 =	vmul.f32 v35, v26;
	v28 =	vld [tilespmem:s23+$0x20];
	v29 =	vadd.f32 v29, v31  }
0x470: {  	v35 =	vmul.f32 v36, v25;
	v31 =	vld [tilespmem:s25+$0x20]  }
0x471: {  	v33 =	vadd.f32 v33, v32;
	v34 =	vld [tilespmem:s13+$0xFFFFFF10];
	v37 =	vmul.f32 v37, v24  }
0x472: {  	v32 =	vld [tilespmem:s13+$0x20];
	v36 =	vmul.f32 v38, v19  }
0x473: {  	_ = 	snop  }
0x474: {  	v38 =	vld [tilespmem:s13+$0xFFFFFF90]  }
0x475: {  	v39 =	vld [tilespmem:s13+$0x90]  }
0x476: {  	v34 =	vmul.f32 v34, v18  }
0x477: {  	v27 =	vmul.f32 v27, v17  }
0x478: {  	v35 =	vadd.f32 v37, v35;
	v37 =	vld [tilespmem:s0+$0xE0];
	v33 =	vadd.f32 v34, v33  }
0x479: {  	v27 =	vadd.f32 v27, v36;
	v36 =	vld [tilespmem:s2+$0xE0];
	v60 =	vmul.f32 v38, v16  }
0x47a: {  	v61 =	vmul.f32 v39, v15;
	v39 =	vld [tilespmem:s3+$0xE0];
	[tilespmem:s1+$0xFFFFFF10] =	vst v33  }
0x47b: {  	v62 =	vadd.f32 v60, v35;
	v63 =	vld [tilespmem:s23+$0xFFFFFF20]  }
0x47c: {  	v28 =	vmul.f32 v28, v20;
	v31 =	vmul.f32 v31, v21;
	v40 =	vld [tilespmem:s25+$0xFFFFFF20]  }
0x47d: {  	v27 =	vadd.f32 v61, v27;
	v44 =	vld [tilespmem:s13+$0xFFFFFF20];
	[tilespmem:s1+$0xFFFFFF90] =	vst v62  }
0x47e: {  	v28 =	vadd.f32 v31, v28;
	v46 =	vmul.f32 v32, v22;
	v41 =	vld [tilespmem:s23+$0xFFFFFFA0]  }
0x47f: {  	[tilespmem:s1+$0x90] =	vst v27;
	v42 =	vld [tilespmem:s25+$0xFFFFFFA0]  }
0x480: {  	v28 =	vadd.f32 v46, v28;
	v43 =	vld [tilespmem:s23+$0xA0]  }
0x481: {  	v45 =	vld [tilespmem:s25+$0xA0]  }
0x482: {  	[tilespmem:s1+$0x20] =	vst v28;
	v47 =	vld [tilespmem:s13+$0xFFFFFFA0];
	v34 =	vmul.f32 v63, v23;
	v33 =	vmul.f32 v40, v26  }
0x483: {  	v52 =	vld [tilespmem:s23+$0x30]  }
0x484: {  	v49 =	vld [tilespmem:s13+$0xA0];
	v50 =	vmul.f32 v44, v18;
	v33 =	vadd.f32 v33, v34  }
0x485: {  	v54 =	vld [tilespmem:s25+$0x30];
	v48 =	vmul.f32 v41, v25;
	v27 =	vmul.f32 v42, v24  }
0x486: {  	v55 =	vld [tilespmem:s13+$0x30];
	v51 =	vmul.f32 v43, v19;
	v33 =	vadd.f32 v50, v33  }
0x487: {  	v53 =	vmul.f32 v45, v17;
	v32 =	vmul.f32 v47, v16;
	v41 =	vld [tilespmem:s2+$0xFFFFFF60];
	v27 =	vadd.f32 v27, v48  }
0x488: {  	v42 =	vld [tilespmem:s2+$0xFFFFFFE0];
	[tilespmem:s1+$0xFFFFFF20] =	vst v33  }
0x489: {  	v35 =	vmul.f32 v49, v15;
	v28 =	vadd.f32 v53, v51;
	v27 =	vadd.f32 v32, v27;
	v56 =	vld [tilespmem:s23+$0xFFFFFF30]  }
0x48a: {  	v57 =	vld [tilespmem:s25+$0xFFFFFF30]  }
0x48b: {  	v31 =	vmul.f32 v52, v20;
	v34 =	vmul.f32 v54, v21;
	v28 =	vadd.f32 v35, v28;
	v61 =	vld [tilespmem:s13+$0xFFFFFF30];
	[tilespmem:s1+$0xFFFFFFA0] =	vst v27  }
0x48c: {  	v58 =	vld [tilespmem:s23+$0xFFFFFFB0]  }
0x48d: {  	v62 =	vmul.f32 v55, v22;
	v31 =	vadd.f32 v34, v31;
	[tilespmem:s1+$0xA0] =	vst v28;
	v59 =	vld [tilespmem:s25+$0xFFFFFFB0]  }
0x48e: {  	v60 =	vld [tilespmem:s23+$0xB0]  }
0x48f: {  	v31 =	vadd.f32 v62, v31;
	v40 =	vld [tilespmem:s25+$0xB0];
	v32 =	vmul.f32 v56, v23;
	v27 =	vmul.f32 v57, v26  }
0x490: {  	v63 =	vld [tilespmem:s13+$0xFFFFFFB0];
	v56 =	vmul.f32 v41, v8  }
0x491: {  	[tilespmem:s1+$0x30] =	vst v31;
	v45 =	vld [tilespmem:s13+$0xB0];
	v46 =	vmul.f32 v61, v18;
	v27 =	vadd.f32 v27, v32  }
0x492: {  	v48 =	vld [tilespmem:s23+$0x40];
	v28 =	vmul.f32 v59, v24;
	v30 =	vadd.f32 v56, v30;
	v59 =	vmul.f32 v42, v9  }
0x493: {  	v50 =	vld [tilespmem:s25+$0x40];
	v33 =	vmul.f32 v58, v25;
	v27 =	vadd.f32 v46, v27  }
0x494: {  	v51 =	vld [tilespmem:s13+$0x40];
	v47 =	vmul.f32 v60, v19;
	[tilespmem:s26+$0xFFFFFF60] =	vst v30;
	v29 =	vadd.f32 v59, v29  }
0x495: {  	v49 =	vmul.f32 v40, v17;
	v38 =	vmul.f32 v63, v16;
	v28 =	vadd.f32 v28, v33;
	v40 =	vld [tilespmem:s3+$0xFFFFFF70];
	[tilespmem:s1+$0xFFFFFF30] =	vst v27  }
0x496: {  	[tilespmem:s26+$0xFFFFFFE0] =	vst v29;
	v29 =	vld [tilespmem:s0+$0xFFFFFF70]  }
0x497: {  	v52 =	vmul.f32 v45, v15;
	v31 =	vadd.f32 v49, v47;
	v28 =	vadd.f32 v38, v28;
	v53 =	vld [tilespmem:s23+$0xFFFFFF40]  }
0x498: {  	v54 =	vld [tilespmem:s25+$0xFFFFFF40]  }
0x499: {  	v27 =	vadd.f32 v52, v31;
	v58 =	vld [tilespmem:s13+$0xFFFFFF40];
	[tilespmem:s1+$0xFFFFFFB0] =	vst v28  }
0x49a: {  	v55 =	vld [tilespmem:s23+$0xFFFFFFC0]  }
0x49b: {  	v32 =	vmul.f32 v50, v21;
	v33 =	vmul.f32 v48, v20;
	[tilespmem:s1+$0xB0] =	vst v27;
	v57 =	vld [tilespmem:s25+$0xFFFFFFC0]  }
0x49c: {  	v27 =	vld [tilespmem:s23+$0xC0]  }
0x49d: {  	v62 =	vmul.f32 v51, v22;
	v61 =	vadd.f32 v32, v33;
	v60 =	vld [tilespmem:s25+$0xC0]  }
0x49e: {  	v63 =	vld [tilespmem:s13+$0xFFFFFFC0];
	v34 =	vmul.f32 v53, v23;
	v28 =	vmul.f32 v54, v26  }
0x49f: {  	v35 =	vld [tilespmem:s3+$0xFFFFFFF0];
	v30 =	vadd.f32 v62, v61  }
0x4a0: {  	v45 =	vld [tilespmem:s13+$0xC0];
	v46 =	vmul.f32 v58, v18;
	v28 =	vadd.f32 v28, v34  }
0x4a1: {  	v41 =	vld [tilespmem:s0+$0xFFFFFFF0];
	[tilespmem:s1+$0x40] =	vst v30;
	v31 =	vmul.f32 v55, v25;
	v44 =	vmul.f32 v57, v24  }
0x4a2: {  	v48 =	vld [tilespmem:s23+$0x50];
	v27 =	vmul.f32 v27, v19;
	v28 =	vadd.f32 v46, v28  }
0x4a3: {  	v50 =	vld [tilespmem:s25+$0x50];
	v49 =	vmul.f32 v60, v17;
	v33 =	vmul.f32 v63, v16;
	v47 =	vadd.f32 v44, v31  }
0x4a4: {  	v51 =	vld [tilespmem:s13+$0x50];
	[tilespmem:s1+$0xFFFFFF40] =	vst v28  }
0x4a5: {  	v52 =	vmul.f32 v45, v15;
	v27 =	vadd.f32 v49, v27;
	v30 =	vadd.f32 v33, v47;
	v28 =	vld [tilespmem:s23+$0xFFFFFF50]  }
0x4a6: {  	v53 =	vld [tilespmem:s25+$0xFFFFFF50]  }
0x4a7: {  	v37 =	vmul.f32 v37, v7;
	v55 =	vmul.f32 v39, v6;
	v27 =	vadd.f32 v52, v27;
	v58 =	vld [tilespmem:s13+$0xFFFFFF50];
	[tilespmem:s1+$0xFFFFFFC0] =	vst v30  }
0x4a8: {  	v36 =	vmul.f32 v36, v14;
	v54 =	vld [tilespmem:s23+$0xFFFFFFD0]  }
0x4a9: {  	v31 =	vmul.f32 v48, v20;
	v34 =	vmul.f32 v50, v21;
	v33 =	vadd.f32 v37, v55;
	[tilespmem:s1+$0xC0] =	vst v27;
	v56 =	vld [tilespmem:s25+$0xFFFFFFD0]  }
0x4aa: {  	v57 =	vld [tilespmem:s23+$0xD0]  }
0x4ab: {  	v60 =	vmul.f32 v51, v22;
	v31 =	vadd.f32 v34, v31;
	v33 =	vadd.f32 v36, v33;
	v59 =	vld [tilespmem:s25+$0xD0]  }
0x4ac: {  	v61 =	vld [tilespmem:s13+$0xFFFFFFD0]  }
0x4ad: {  	v31 =	vadd.f32 v60, v31;
	v62 =	vld [tilespmem:s13+$0xD0];
	[tilespmem:s26+$0xE0] =	vst v33;
	v28 =	vmul.f32 v28, v23;
	v30 =	vmul.f32 v53, v26  }
0x4ae: {  	v34 =	vld [tilespmem:s3+$0xF0]  }
0x4af: {  	[tilespmem:s1+$0x50] =	vst v31;
	v37 =	vld [tilespmem:s0+$0xF0];
	v63 =	vmul.f32 v58, v18;
	v28 =	vadd.f32 v30, v28  }
0x4b0: {  	v43 =	vld [tilespmem:s23+$0x60];
	v32 =	vmul.f32 v54, v25;
	v27 =	vmul.f32 v56, v24  }
0x4b1: {  	v45 =	vld [tilespmem:s25+$0x60];
	v42 =	vmul.f32 v57, v19;
	v28 =	vadd.f32 v63, v28  }
0x4b2: {  	v46 =	vld [tilespmem:s13+$0x60];
	v44 =	vmul.f32 v59, v17;
	v36 =	vmul.f32 v61, v16;
	v27 =	vadd.f32 v27, v32  }
0x4b3: {  	v58 =	vld [tilespmem:s2+$0xF0];
	[tilespmem:s1+$0xFFFFFF50] =	vst v28  }
0x4b4: {  	v33 =	vmul.f32 v62, v15;
	v31 =	vadd.f32 v44, v42;
	v27 =	vadd.f32 v36, v27;
	v28 =	vld [tilespmem:s23+$0xFFFFFF60]  }
0x4b5: {  	v47 =	vld [tilespmem:s25+$0xFFFFFF60]  }
0x4b6: {  	v31 =	vadd.f32 v33, v31;
	v51 =	vld [tilespmem:s13+$0xFFFFFF60];
	[tilespmem:s1+$0xFFFFFFD0] =	vst v27  }
0x4b7: {  	v48 =	vld [tilespmem:s23+$0xFFFFFFE0]  }
0x4b8: {  	v32 =	vmul.f32 v43, v20;
	v30 =	vmul.f32 v45, v21;
	[tilespmem:s1+$0xD0] =	vst v31;
	v49 =	vld [tilespmem:s25+$0xFFFFFFE0]  }
0x4b9: {  	v50 =	vld [tilespmem:s23+$0xE0]  }
0x4ba: {  	v53 =	vmul.f32 v46, v22;
	v30 =	vadd.f32 v30, v32;
	v52 =	vld [tilespmem:s25+$0xE0]  }
0x4bb: {  	v54 =	vld [tilespmem:s13+$0xFFFFFFE0];
	v28 =	vmul.f32 v28, v23;
	v27 =	vmul.f32 v47, v26  }
0x4bc: {  	v57 =	vld [tilespmem:s2+$0xFFFFFFF0];
	v30 =	vadd.f32 v53, v30  }
0x4bd: {  	v56 =	vld [tilespmem:s13+$0xE0];
	v38 =	vmul.f32 v51, v18;
	v27 =	vadd.f32 v27, v28  }
0x4be: {  	v43 =	vld [tilespmem:s2+$0xFFFFFF70];
	[tilespmem:s1+$0x60] =	vst v30;
	v55 =	vmul.f32 v48, v25;
	v31 =	vmul.f32 v49, v24  }
0x4bf: {  	v60 =	vld [tilespmem:s23+$0x70];
	v59 =	vmul.f32 v50, v19;
	v27 =	vadd.f32 v38, v27  }
0x4c0: {  	v61 =	vld [tilespmem:s25+$0x70];
	v42 =	vmul.f32 v52, v17;
	v39 =	vmul.f32 v54, v16;
	v31 =	vadd.f32 v31, v55  }
0x4c1: {  	v62 =	vld [tilespmem:s13+$0x70];
	[tilespmem:s1+$0xFFFFFF60] =	vst v27  }
0x4c2: {  	v33 =	vmul.f32 v56, v15;
	v32 =	vadd.f32 v42, v59;
	v31 =	vadd.f32 v39, v31;
	v27 =	vld [tilespmem:s23+$0xFFFFFF70]  }
0x4c3: {  	v63 =	vld [tilespmem:s25+$0xFFFFFF70]  }
0x4c4: {  	v10 =	vmul.f32 v40, v10;
	v12 =	vmul.f32 v29, v12;
	v32 =	vadd.f32 v33, v32;
	v47 =	vld [tilespmem:s13+$0xFFFFFF70];
	[tilespmem:s1+$0xFFFFFFE0] =	vst v31  }
0x4c5: {  	v6 =	vmul.f32 v34, v6;
	v7 =	vmul.f32 v37, v7;
	v40 =	vld [tilespmem:s23+$0xFFFFFFF0]  }
0x4c6: {  	v11 =	vmul.f32 v35, v11;
	v13 =	vmul.f32 v41, v13;
	[tilespmem:s1+$0xE0] =	vst v32;
	v41 =	vld [tilespmem:s25+$0xFFFFFFF0]  }
0x4c7: {  	v10 =	vadd.f32 v12, v10;
	v6 =	vadd.f32 v7, v6;
	v7 =	vmul.f32 v58, v14;
	v42 =	vld [tilespmem:s23+$0xF0]  }
0x4c8: {  	v11 =	vadd.f32 v13, v11;
	v46 =	vmul.f32 v57, v9;
	v44 =	vmul.f32 v43, v8;
	v45 =	vld [tilespmem:s25+$0xF0]  }
0x4c9: {  	v6 =	vadd.f32 v7, v6;
	v48 =	vmul.f32 v60, v20;
	v49 =	vmul.f32 v61, v21;
	v50 =	vld [tilespmem:s13+$0xFFFFFFF0]  }
0x4ca: {  	v9 =	vadd.f32 v46, v11;
	v51 =	vmul.f32 v62, v22;
	v53 =	vld [tilespmem:s13+$0xF0];
	v52 =	vmul.f32 v27, v23  }
0x4cb: {  	v8 =	vadd.f32 v44, v10;
	v7 =	vmul.f32 v63, v26;
	v58 =	vmul.f32 v47, v18  }
0x4cc: {  	v10 =	vadd.f32 v49, v48;
	v54 =	vmul.f32 v40, v25;
	v55 =	vmul.f32 v41, v24  }
0x4cd: {  	[tilespmem:s26+$0xF0] =	vst v6;
	v56 =	vmul.f32 v42, v19;
	v7 =	vadd.f32 v7, v52;
	v57 =	vmul.f32 v45, v17  }
0x4ce: {  	[tilespmem:s26+$0xFFFFFFF0] =	vst v9;
	v59 =	vadd.f32 v51, v10;
	v61 =	vmul.f32 v50, v16;
	v60 =	vadd.f32 v55, v54  }
0x4cf: {  	[tilespmem:s26+$0xFFFFFF70] =	vst v8;
	v62 =	vmul.f32 v53, v15;
	v6 =	vadd.f32 v57, v56;
	v7 =	vadd.f32 v58, v7  }
0x4d0: {  	[tilespmem:s1+$0x70] =	vst v59;
	v63 =	vadd.f32 v61, v60  }
0x4d1: {  	[tilespmem:s1+$0xFFFFFF70] =	vst v7;
	v6 =	vadd.f32 v62, v6  }
0x4d2: {  	[tilespmem:s1+$0xFFFFFFF0] =	vst v63  }
0x4d3: {  	[tilespmem:s1+$0xF0] =	vst v6  }
0x4d4: {  	s24 =	sadd.s32 $0x1, s24;
	_ =	swait.ge [sflag:s14], $0x4000  }
0x4d5: {  	p0 =	sne.s32 s24, s10;
	[sflag:s14] =	ssyncset.done $0x0  }
.Ltmp15:
0x4d6: {  	s28 =	simm.s32 $0x14300;
	[sflag:s14] =	ssyncadd.s32 $0xFFFFC000;
	(pc) =	sbr.rel @p0 .LBB2_1-.Ltmp15, $4  }
0x4d7: {  	[hbm4b:s9+s5] =	stream.linear.scatter [tilespmem:s28], [sflag:$0x3], $0x4000, $0x38;
	[tilespmem:$0x18300] =	vst v63  }
0x4d8: {  	_ =	swait.ge [sflag:s22], $0x4000  }
0x4d9: {  	[sflag:s22] =	ssyncset.done $0x0  }
0x4da: {  	s8 =	simm.s32 $0x4300;
	[sflag:s22] =	ssyncadd.s32 $0xFFFFC000  }
0x4db: {  	_ =	sfence.sel $0x180000  }
0x4dc: {  	[bflag:$0x0] =	sbarrier.arrive $0xFFFF  }
0x4dd: {  	_ =	strace $0x90000047  }
0x4de: {  	s0 =	stileid.u32;
	[bflag:$0x2] =	sbarrier.arrive $0xFFFF  }
0x4df: {  	p0 =	sne.s32 s0, $0x0;
	s0 =	rddreg [dreg:$0x6]  }
0x4e0: {  	s0 =	sadd.s32 @!p0 $0x100000, s0  }
0x4e1: {  	[sflag:s0] =	ssyncadd.tile.s32 @!p0 $0x1;
	_ =	shalt  }
.Lfunc_end2:
_tile_overlayer_lowered:
.L_overlay_start_2:
0x4e2: {  	(tag) =	ssettag $0x2  }
0x4e3: {  	s0 =	rddreg [dreg:$0x0];
	s2 =	stileid.u32  }
0x4e4: {  	s1 =	rddreg [dreg:$0x1];
	p0 =	sne.s32 s2, $0x0  }
0x4e5: {  	s3 =	rddreg [dreg:$0x2];
	[bflag:$0x3] =	sbarrier.arrive $0xFFFF;
	s2 =	simm.s32 @!p0 $0x1C03  }
0x4e6: {  	[timem:s3], [sflag:s2] =	dma.local @!p0 [hbm:s0], s1  }
0x4e7: {  	s0 =	simm.s32 @!p0 $0x3  }
0x4e8: {  	_ =	swait.ge @!p0 [sflag:s0], s1  }
0x4e9: {  	s1 =	ssub.s32 @!p0 $0x0, s1;
	[sflag:s0] =	ssyncset.done @!p0 $0x0  }
0x4ea: {  	[sflag:s0] =	ssyncadd.s32 @!p0 s1  }
0x4eb: {  	[bflag:$0x3] =	sbarrier.arrive $0xFFFF  }
0x4ec: {  	_ =	shalt  }

</sc_bundles>
